<compile_context>
chip_gen: v7x
topology: tpu7x:2x2x1
jax: 0.10.2.dev20260603
libtpu: 0.0.44.dev20260713+nightly
codegen_flags: <defaults>
</compile_context>

<pallas_src>
import functools

import jax
import jax.numpy as jnp
from jax import lax
from jax.experimental import pallas as pl
from jax.experimental.pallas import tpu as pltpu
from jax.experimental.pallas import tpu_sc as plsc

N = 10000
E = 320000
D = 128
NCLS = 40

NC = 2
NS = 16
K = 128
CHT = 160
E_PAD = NS * CHT * K
R_PAD = 10240
HALF = R_PAD // NC
ACC_R = HALF + K
ZR = 64
RPT = HALF // NS
GW = 2
BINCH = 96
BCAP = BINCH * K
BCH = 48
SCANB = 40



def _bin_body(rows_hbm, cols_hbm, brow_hbm, bcol_hbm, bcnt_hbm,
              row_v, col_v, brow_b, bcol_b, cnt_v):
    c = lax.axis_index("c")
    s = lax.axis_index("s")
    lanes = lax.iota(jnp.int32, 16)

    def _pf(i, _):
        bcol_b[pl.ds(i * 16, 16)] = HALF + lax.rem(i, 8) * 16 + lanes
        brow_b[pl.ds(i * 16, 16)] = N + 16 + lax.rem(i, 14) * 16 + lanes
        return 0
    lax.fori_loop(0, BCAP // 16, _pf, 0)

    def _batch(t, off):
        pltpu.sync_copy(rows_hbm.at[s, pl.ds(t * SCANB * K, SCANB * K)],
                        row_v)
        pltpu.sync_copy(cols_hbm.at[s, pl.ds(t * SCANB * K, SCANB * K)],
                        col_v)

        def _vec(i, off):
            cv = col_v[pl.ds(i * 16, 16)]
            rv = row_v[pl.ds(i * 16, 16)]
            loc = cv - c * HALF
            msk = (loc >= 0) & (loc < HALF)
            key = jnp.where(msk, 0, 16) + lanes
            colsafe = jnp.where(msk, loc, HALF + lanes)
            rowsafe = jnp.where(msk, rv, N)
            bcol_b[pl.ds(off, 16)] = plsc.sort_key_val(key, colsafe)[1]
            brow_b[pl.ds(off, 16)] = plsc.sort_key_val(key, rowsafe)[1]
            n = plsc.all_reduce_population_count(msk)
            return lax.min(off + jnp.max(n), BCAP)
        return lax.fori_loop(0, SCANB * K // 16, _vec, off)
    off = lax.fori_loop(0, CHT // SCANB, _batch, 0)

    cnt_v[pl.ds(0, 16)] = jnp.full((16,), 0, jnp.int32) + off
    pltpu.sync_copy(brow_b.at[pl.ds(0, BCAP)], brow_hbm.at[c, s])
    pltpu.sync_copy(bcol_b.at[pl.ds(0, BCAP)], bcol_hbm.at[c, s])
    pltpu.sync_copy(cnt_v, bcnt_hbm.at[c, s])


def _deg_body(colsr_hbm, bcnt_hbm, out_hbm, col_v, ones_v, zbuf, cnt_v, acc):
    c = lax.axis_index("c")
    s = lax.axis_index("s")
    wid = c * NS + s
    pltpu.sync_copy(bcnt_hbm.at[c, s], cnt_v)
    nch = (cnt_v[pl.ds(0, 16)][0] + K - 1) // K

    def _fill(r, _):
        def _fj(j, _):
            ones_v[r, pl.ds(j * 16, 16)] = jnp.ones((16,), jnp.float32)
            zbuf[lax.rem(r, ZR), pl.ds(j * 16, 16)] = jnp.zeros(
                (16,), jnp.float32)
            return 0
        return lax.fori_loop(0, D // 16, _fj, 0)
    lax.fori_loop(0, K, _fill, 0)

    def _zc(k, _):
        pltpu.sync_copy(zbuf, acc.at[pl.ds(s * RPT + k * ZR, ZR)])
        return 0
    lax.fori_loop(0, RPT // ZR, _zc, 0)

    pltpu.sync_copy(colsr_hbm.at[wid], col_v)
    plsc.subcore_barrier()

    def _step(i, _):
        @pl.when(i < nch)
        def _():
            pltpu.sync_copy(ones_v, acc.at[col_v.at[i]], add=True)
        return 0
    lax.fori_loop(0, BINCH, _step, 0)

    plsc.subcore_barrier()
    pltpu.sync_copy(acc.at[pl.ds(s * RPT, RPT)],
                    out_hbm.at[c, pl.ds(s * RPT, RPT)])


def _scatter_body(y_hbm, rows_hbm, colsr_hbm, bcnt_hbm, out_hbm,
                  row_v, col_v, gbuf, zbuf, cnt_v, acc, sem):
    c = lax.axis_index("c")
    s = lax.axis_index("s")
    wid = c * NS + s
    pltpu.sync_copy(bcnt_hbm.at[c, s], cnt_v)
    nch = (cnt_v[pl.ds(0, 16)][0] + K - 1) // K

    def _zr(r, _):
        def _zj(j, _):
            zbuf[r, pl.ds(j * 16, 16)] = jnp.zeros((16,), jnp.float32)
            return 0
        return lax.fori_loop(0, D // 16, _zj, 0)
    lax.fori_loop(0, ZR, _zr, 0)

    def _zc(k, _):
        pltpu.sync_copy(zbuf, acc.at[pl.ds(s * RPT + k * ZR, ZR)])
        return 0
    lax.fori_loop(0, RPT // ZR, _zc, 0)

    plsc.subcore_barrier()

    def _fire(t, p, _):
        def _f(b, _):
            @pl.when(t * BCH + p * GW + b < nch)
            def _():
                pltpu.async_copy(y_hbm.at[row_v.at[p * GW + b]],
                                 gbuf.at[lax.rem(p * GW + b, 2 * GW)],
                                 sem.at[lax.rem(p, 2)])
            return 0
        return lax.fori_loop(0, GW, _f, 0)

    def _drain_scat(t, p, _):
        def _d(b, _):
            @pl.when(t * BCH + p * GW + b < nch)
            def _():
                pltpu.make_async_copy(
                    y_hbm.at[row_v.at[p * GW + b]],
                    gbuf.at[lax.rem(p * GW + b, 2 * GW)],
                    sem.at[lax.rem(p, 2)]).wait()
            return 0
        lax.fori_loop(0, GW, _d, 0)

        def _s(b, _):
            @pl.when(t * BCH + p * GW + b < nch)
            def _():
                pltpu.sync_copy(gbuf.at[lax.rem(p * GW + b, 2 * GW)],
                                acc.at[col_v.at[p * GW + b]], add=True)
            return 0
        return lax.fori_loop(0, GW, _s, 0)

    ngrp = BCH // GW

    def _batch(t, _):
        pltpu.sync_copy(rows_hbm.at[wid, pl.ds(t * BCH, BCH)], row_v)
        pltpu.sync_copy(colsr_hbm.at[wid, pl.ds(t * BCH, BCH)], col_v)
        _fire(t, 0, 0)

        def _pipe(p, _):
            _fire(t, p + 1, 0)
            _drain_scat(t, p, 0)
            return 0
        lax.fori_loop(0, ngrp - 1, _pipe, 0)
        _drain_scat(t, ngrp - 1, 0)
        return 0
    lax.fori_loop(0, BINCH // BCH, _batch, 0)

    plsc.subcore_barrier()
    pltpu.sync_copy(acc.at[pl.ds(s * RPT, RPT)],
                    out_hbm.at[c, pl.ds(s * RPT, RPT)])


@functools.lru_cache(maxsize=1)
def _sc_kernels():
    mesh = plsc.VectorSubcoreMesh(
        core_axis_name="c", subcore_axis_name="s",
        num_cores=NC, num_subcores=NS)
    bin_k = pl.kernel(
        _bin_body,
        out_type=[jax.ShapeDtypeStruct((NC, NS, BCAP), jnp.int32),
                  jax.ShapeDtypeStruct((NC, NS, BCAP), jnp.int32),
                  jax.ShapeDtypeStruct((NC, NS, 16), jnp.int32)],
        mesh=mesh,
        compiler_params=pltpu.CompilerParams(needs_layout_passes=False),
        scratch_types=[
            pltpu.VMEM((SCANB * K,), jnp.int32),
            pltpu.VMEM((SCANB * K,), jnp.int32),
            pltpu.VMEM((BCAP + 16,), jnp.int32),
            pltpu.VMEM((BCAP + 16,), jnp.int32),
            pltpu.VMEM((16,), jnp.int32),
        ],
    )
    deg_k = pl.kernel(
        _deg_body,
        out_type=jax.ShapeDtypeStruct((NC, HALF, D), jnp.float32),
        mesh=mesh,
        scratch_types=[
            pltpu.VMEM((BINCH, K), jnp.int32),
            pltpu.VMEM((K, D), jnp.float32),
            pltpu.VMEM((ZR, D), jnp.float32),
            pltpu.VMEM((16,), jnp.int32),
            pltpu.VMEM_SHARED((ACC_R, D), jnp.float32),
        ],
    )
    scat_k = pl.kernel(
        _scatter_body,
        out_type=jax.ShapeDtypeStruct((NC, HALF, D), jnp.float32),
        mesh=mesh,
        scratch_types=[
            pltpu.VMEM((BCH, K), jnp.int32),
            pltpu.VMEM((BCH, K), jnp.int32),
            pltpu.VMEM((2 * GW, K, D), jnp.float32),
            pltpu.VMEM((ZR, D), jnp.float32),
            pltpu.VMEM((16,), jnp.int32),
            pltpu.VMEM_SHARED((ACC_R, D), jnp.float32),
            pltpu.SemaphoreType.DMA((2,)),
        ],
    )
    return bin_k, deg_k, scat_k



def _k1a_body(x_ref, w1_ref, xw_ref):
    xw_ref[...] = jnp.dot(x_ref[...], w1_ref[...],
                          preferred_element_type=jnp.float32)


def _k1_body(deg_ref, xw_ref, y1_ref, dinvb_ref):
    cnt = jnp.max(deg_ref[...], axis=1, keepdims=True)
    dinvb = jnp.broadcast_to(lax.rsqrt(cnt + 1.0), (D, D))
    y1_ref[...] = dinvb * xw_ref[...]
    dinvb_ref[...] = dinvb


def _k2_body(acc_ref, y1_ref, dinvb_ref, w2_ref, b1_ref, y2_ref):
    agg = acc_ref[...] + y1_ref[...]
    h1 = jnp.maximum(dinvb_ref[...] * agg + b1_ref[...], 0.0)
    y2_ref[...] = dinvb_ref[...] * jnp.dot(
        h1, w2_ref[...], preferred_element_type=jnp.float32)


def _k3_body(acc_ref, y2_ref, dinvb_ref, b2_ref, w3_ref, b3_ref, out_ref):
    agg = acc_ref[...] + y2_ref[...]
    h2 = jnp.maximum(dinvb_ref[...] * agg + b2_ref[...], 0.0)
    logits = jnp.dot(h2, w3_ref[...],
                     preferred_element_type=jnp.float32) + b3_ref[...]
    m = jnp.max(logits, axis=1, keepdims=True)
    e = jnp.exp(logits - m)
    out_ref[...] = e / jnp.sum(e, axis=1, keepdims=True)


_G = R_PAD // D

_blk_rows = pl.BlockSpec((D, D), lambda i: (i, 0))
_blk_full = pl.BlockSpec((D, D), lambda i: (0, 0))
_blk_bias = pl.BlockSpec((1, D), lambda i: (0, 0))

_k1a = pl.pallas_call(
    _k1a_body,
    grid=(_G,),
    in_specs=[_blk_rows, _blk_full],
    out_specs=_blk_rows,
    out_shape=jax.ShapeDtypeStruct((R_PAD, D), jnp.float32),
)

_k1 = pl.pallas_call(
    _k1_body,
    grid=(_G,),
    in_specs=[_blk_rows, _blk_rows],
    out_specs=[_blk_rows, _blk_rows],
    out_shape=[jax.ShapeDtypeStruct((R_PAD, D), jnp.float32),
               jax.ShapeDtypeStruct((R_PAD, D), jnp.float32)],
)

_k2 = pl.pallas_call(
    _k2_body,
    grid=(_G,),
    in_specs=[_blk_rows, _blk_rows, _blk_rows, _blk_full, _blk_bias],
    out_specs=_blk_rows,
    out_shape=jax.ShapeDtypeStruct((R_PAD, D), jnp.float32),
)

_k3 = pl.pallas_call(
    _k3_body,
    grid=(_G,),
    in_specs=[_blk_rows, _blk_rows, _blk_rows, _blk_bias, _blk_full,
              _blk_bias],
    out_specs=_blk_rows,
    out_shape=jax.ShapeDtypeStruct((R_PAD, D), jnp.float32),
)


def kernel(x, edge_index, W1, b1, W2, b2, W3, b3):
    row = edge_index[0].astype(jnp.int32)
    col = edge_index[1].astype(jnp.int32)
    pad_r = jnp.full((E_PAD - E,), N, jnp.int32)
    pad_c = jnp.full((E_PAD - E,), -1, jnp.int32)
    rows3 = jnp.concatenate([row, pad_r]).reshape(NS, CHT * K)
    cols3 = jnp.concatenate([col, pad_c]).reshape(NS, CHT * K)

    x_pad = jnp.concatenate(
        [x, jnp.zeros((R_PAD - N, D), jnp.float32)], axis=0)
    b1r = b1.reshape(1, D)
    b2r = b2.reshape(1, D)
    W3p = jnp.concatenate(
        [W3, jnp.zeros((D, D - NCLS), jnp.float32)], axis=1)
    b3p = jnp.concatenate(
        [b3, jnp.full((D - NCLS,), -1e30, jnp.float32)]).reshape(1, D)

    bin_kernel, deg_kernel, scatter_kernel = _sc_kernels()
    brows, bcols, bcnt = bin_kernel(rows3, cols3)
    brows = brows.reshape(NC * NS, BINCH, K)
    bcols = bcols.reshape(NC * NS, BINCH, K)
    deg = deg_kernel(bcols, bcnt).reshape(R_PAD, D)
    xw1 = _k1a(x_pad, W1)
    y1, dinvb = _k1(deg, xw1)
    acc1 = scatter_kernel(y1, brows, bcols, bcnt).reshape(R_PAD, D)
    y2 = _k2(acc1, y1, dinvb, W2, b1r)
    acc2 = scatter_kernel(y2, brows, bcols, bcnt).reshape(R_PAD, D)
    probs = _k3(acc2, y2, dinvb, b2r, W3p, b3p)
    return probs[:N, :NCLS]

# --- scband reference (transcript-rebuilt; emitter-appended) ---
"""Pipeline reference for scband-gcn-48610439856259 (READ-ONLY COPY).

The authoritative reference and input builder live on the scoring server;
editing this copy changes nothing except your own understanding.
"""

import jax, jax.numpy as jnp
import numpy as np

N = 10000
E = 320000
D_IN = 128
HID = 128
N_CLS = 40


def gcn_conv(x, edge_index, W, b):
    # Faithful PyG GCNConv: add self-loops, symmetric degree normalization,
    # linear transform, scatter-add aggregation (source->target), then bias.
    n = x.shape[0]
    loop = jnp.arange(n, dtype=edge_index.dtype)
    row = jnp.concatenate([edge_index[0], loop])
    col = jnp.concatenate([edge_index[1], loop])
    ew = jnp.ones(row.shape[0], dtype=x.dtype)
    deg = jnp.zeros((n,), dtype=x.dtype).at[col].add(ew)
    dinv = jnp.where(deg > 0, deg ** -0.5, 0.0)
    norm = dinv[row] * ew * dinv[col]
    xw = x @ W
    msg = norm[:, None] * jnp.take(xw, row, axis=0)
    out = jnp.zeros((n, W.shape[1]), dtype=x.dtype).at[col].add(msg)
    return out + b


def setup_inputs(seed: int = 0):
    key = jax.random.key(seed)
    ks = jax.random.split(key, 8)
    x = jax.random.normal(ks[0], (N, D_IN), dtype=jnp.float32)
    edge_index = jax.random.randint(ks[1], (2, E), 0, N, dtype=jnp.int32)
    W1 = jax.random.normal(ks[2], (D_IN, HID), dtype=jnp.float32) * 0.05
    b1 = jnp.zeros((HID,), dtype=jnp.float32)
    W2 = jax.random.normal(ks[3], (HID, HID), dtype=jnp.float32) * 0.05
    b2 = jnp.zeros((HID,), dtype=jnp.float32)
    W3 = jax.random.normal(ks[4], (HID, N_CLS), dtype=jnp.float32) * 0.05
    b3 = jnp.zeros((N_CLS,), dtype=jnp.float32)
    return {"x": x, "edge_index": edge_index, "W1": W1, "b1": b1, "W2": W2, "b2": b2, "W3": W3, "b3": b3}


def reference(x, edge_index, W1, b1, W2, b2, W3, b3):
    h = gcn_conv(x, edge_index, W1, b1)
    h = jax.nn.relu(h)
    # dropout(p=0.5) is identity in eval mode
    h = gcn_conv(h, edge_index, W2, b2)
    h = jax.nn.relu(h)
    logits = h @ W3 + b3
    return jax.nn.softmax(logits, axis=1)

if __name__ == "__main__":
    import jax
    _d = setup_inputs()
    print(jax.jit(kernel)(*tuple(_d.values())))

</pallas_src>

<mosaic_0001>
#map = affine_map<(d0, d1) -> (0, 0)>
#map1 = affine_map<(d0, d1) -> (0, 0, 0)>
module attributes {stable_mosaic.version = 14 : i64} {
  func.func @_bin_body(%arg0: i32, %arg1: i32, %arg2: memref<16x20480xi32, #tpu.memory_space<hbm>>, %arg3: memref<16x20480xi32, #tpu.memory_space<hbm>>, %arg4: memref<2x16x12288xi32, #tpu.memory_space<hbm>>, %arg5: memref<2x16x12288xi32, #tpu.memory_space<hbm>>, %arg6: memref<2x16x16xi32, #tpu.memory_space<hbm>>, %arg7: memref<5120xi32, #tpu.memory_space<vmem>>, %arg8: memref<5120xi32, #tpu.memory_space<vmem>>, %arg9: memref<12304xi32, #tpu.memory_space<vmem>>, %arg10: memref<12304xi32, #tpu.memory_space<vmem>>, %arg11: memref<16xi32, #tpu.memory_space<vmem>>) attributes {dimension_semantics = [#tpu.dimension_semantics<core_parallel>, #tpu.dimension_semantics<subcore_parallel>], iteration_bounds = array<i64: 2, 16>, scalar_prefetch = 0 : i64, scratch_operands = 5 : i64, tpu.core_type = #tpu.core_type<sc_vector_subcore>, window_params = [{transform_indices = #map}, {transform_indices = #map}, {transform_indices = #map1}, {transform_indices = #map1}, {transform_indices = #map1}]} {
    %iota3A = tpu.iota {dimensions = array<i32: 0>} : vector<16xi32>
    %scan3A = arith.constant 0 : i32
    %scan3A_0 = arith.constant 0 : i32
    %scan3A_1 = arith.constant 768 : i32
    %scan3A_2 = arith.addi %scan3A_0, %scan3A_1 : i32
    %scan3A_3 = arith.constant 1 : i32
    %scan3A_4 = scf.for %scan3A_16 = %scan3A_0 to %scan3A_2 step %scan3A_3 iter_args(%scan3A_17 = %scan3A) -> (i32)  : i32 {
      %rem3A = arith.constant 8 : i32
      %rem3A_18 = arith.remsi %scan3A_16, %rem3A : i32
      %mul3A = arith.constant 16 : i32
      %mul3A_19 = arith.muli %rem3A_18, %mul3A : i32
      %add3A_20 = arith.constant 5120 : i32
      %add3A_21 = arith.addi %add3A_20, %mul3A_19 : i32
      %add3A_22 = vector.broadcast %add3A_21 : i32 to vector<16xi32>
      %add3A_23 = arith.addi %add3A_22, %iota3A : vector<16xi32>
      %mul3A_24 = arith.constant 16 : i32
      %mul3A_25 = arith.muli %scan3A_16, %mul3A_24 : i32
      %swap3A_26 = arith.index_cast %mul3A_25 : i32 to index
      %swap3A_27 = tpu.vector_load %arg10[%swap3A_26] {strides = array<i32>} : memref<12304xi32, #tpu.memory_space<vmem>>, vector<16xi32>,
      tpu.vector_store %arg10[%swap3A_26], %add3A_23 {strides = array<i32>} : memref<12304xi32, #tpu.memory_space<vmem>>, vector<16xi32>,
      %rem3A_28 = arith.constant 14 : i32
      %rem3A_29 = arith.remsi %scan3A_16, %rem3A_28 : i32
      %mul3A_30 = arith.constant 16 : i32
      %mul3A_31 = arith.muli %rem3A_29, %mul3A_30 : i32
      %add3A_32 = arith.constant 10016 : i32
      %add3A_33 = arith.addi %add3A_32, %mul3A_31 : i32
      %add3A_34 = vector.broadcast %add3A_33 : i32 to vector<16xi32>
      %add3A_35 = arith.addi %add3A_34, %iota3A : vector<16xi32>
      %mul3A_36 = arith.constant 16 : i32
      %mul3A_37 = arith.muli %scan3A_16, %mul3A_36 : i32
      %swap3A_38 = arith.index_cast %mul3A_37 : i32 to index
      %swap3A_39 = tpu.vector_load %arg9[%swap3A_38] {strides = array<i32>} : memref<12304xi32, #tpu.memory_space<vmem>>, vector<16xi32>,
      tpu.vector_store %arg9[%swap3A_38], %add3A_35 {strides = array<i32>} : memref<12304xi32, #tpu.memory_space<vmem>>, vector<16xi32>,
      %scan3A_40 = arith.constant 0 : i32
      scf.yield %scan3A_40 : i32
    }
    %scan3A_5 = arith.constant 768 : i32
    %scan3A_6 = arith.constant 0 : i32
    %scan3A_7 = arith.constant 0 : i32
    %scan3A_8 = arith.constant 4 : i32
    %scan3A_9 = arith.addi %scan3A_7, %scan3A_8 : i32
    %scan3A_10 = arith.constant 1 : i32
    %scan3A_11 = scf.for %scan3A_16 = %scan3A_7 to %scan3A_9 step %scan3A_10 iter_args(%scan3A_17 = %scan3A_6) -> (i32)  : i32 {
      %mul3A = arith.constant 40 : i32
      %mul3A_18 = arith.muli %scan3A_16, %mul3A : i32
      %mul3A_19 = arith.constant 128 : i32
      %mul3A_20 = arith.muli %mul3A_18, %mul3A_19 : i32
      "tpu.region"() ({
        %run_scoped3A = tpu.sem_alloc : memref<!tpu.dma_semaphore, #tpu.memory_space<semaphore_mem>>
        %dma_start3A = tpu.memref_slice %arg2[%arg1, %mul3A_20] : memref<16x20480xi32, #tpu.memory_space<hbm>> -> memref<1x5120xi32, #tpu.memory_space<hbm>>
        %dma_start3A_31 = tpu.memref_squeeze %dma_start3A : memref<1x5120xi32, #tpu.memory_space<hbm>> -> memref<5120xi32, #tpu.memory_space<hbm>>
        %dma_start3A_32 = tpu.memref_slice %arg2[%arg1, %mul3A_20] : memref<16x20480xi32, #tpu.memory_space<hbm>> -> memref<1x5120xi32, #tpu.memory_space<hbm>>
        %dma_start3A_33 = tpu.memref_squeeze %dma_start3A_32 : memref<1x5120xi32, #tpu.memory_space<hbm>> -> memref<5120xi32, #tpu.memory_space<hbm>>
        tpu.enqueue_dma source(%dma_start3A_33 : memref<5120xi32, #tpu.memory_space<hbm>>) target(%arg7 : memref<5120xi32, #tpu.memory_space<vmem>>) target_semaphore(%run_scoped3A : memref<!tpu.dma_semaphore, #tpu.memory_space<semaphore_mem>>)
        %dma_wait3A = tpu.memref_slice %arg2[%arg1, %mul3A_20] : memref<16x20480xi32, #tpu.memory_space<hbm>> -> memref<1x5120xi32, #tpu.memory_space<hbm>>
        %dma_wait3A_34 = tpu.memref_squeeze %dma_wait3A : memref<1x5120xi32, #tpu.memory_space<hbm>> -> memref<5120xi32, #tpu.memory_space<hbm>>
        %dma_wait3A_35 = tpu.memref_slice %arg2[%arg1, %mul3A_20] : memref<16x20480xi32, #tpu.memory_space<hbm>> -> memref<1x5120xi32, #tpu.memory_space<hbm>>
        %dma_wait3A_36 = tpu.memref_squeeze %dma_wait3A_35 : memref<1x5120xi32, #tpu.memory_space<hbm>> -> memref<5120xi32, #tpu.memory_space<hbm>>
        tpu.wait_dma2 semaphore(%run_scoped3A : memref<!tpu.dma_semaphore, #tpu.memory_space<semaphore_mem>>) src(%dma_wait3A_36 : memref<5120xi32, #tpu.memory_space<hbm>>) dst(%arg7 : memref<5120xi32, #tpu.memory_space<vmem>>)
        tpu.yield
      }) : () -> ()
      %mul3A_21 = arith.constant 40 : i32
      %mul3A_22 = arith.muli %scan3A_16, %mul3A_21 : i32
      %mul3A_23 = arith.constant 128 : i32
      %mul3A_24 = arith.muli %mul3A_22, %mul3A_23 : i32
      "tpu.region"() ({
        %run_scoped3A = tpu.sem_alloc : memref<!tpu.dma_semaphore, #tpu.memory_space<semaphore_mem>>
        %dma_start3A = tpu.memref_slice %arg3[%arg1, %mul3A_24] : memref<16x20480xi32, #tpu.memory_space<hbm>> -> memref<1x5120xi32, #tpu.memory_space<hbm>>
        %dma_start3A_31 = tpu.memref_squeeze %dma_start3A : memref<1x5120xi32, #tpu.memory_space<hbm>> -> memref<5120xi32, #tpu.memory_space<hbm>>
        %dma_start3A_32 = tpu.memref_slice %arg3[%arg1, %mul3A_24] : memref<16x20480xi32, #tpu.memory_space<hbm>> -> memref<1x5120xi32, #tpu.memory_space<hbm>>
        %dma_start3A_33 = tpu.memref_squeeze %dma_start3A_32 : memref<1x5120xi32, #tpu.memory_space<hbm>> -> memref<5120xi32, #tpu.memory_space<hbm>>
        tpu.enqueue_dma source(%dma_start3A_33 : memref<5120xi32, #tpu.memory_space<hbm>>) target(%arg8 : memref<5120xi32, #tpu.memory_space<vmem>>) target_semaphore(%run_scoped3A : memref<!tpu.dma_semaphore, #tpu.memory_space<semaphore_mem>>)
        %dma_wait3A = tpu.memref_slice %arg3[%arg1, %mul3A_24] : memref<16x20480xi32, #tpu.memory_space<hbm>> -> memref<1x5120xi32, #tpu.memory_space<hbm>>
        %dma_wait3A_34 = tpu.memref_squeeze %dma_wait3A : memref<1x5120xi32, #tpu.memory_space<hbm>> -> memref<5120xi32, #tpu.memory_space<hbm>>
        %dma_wait3A_35 = tpu.memref_slice %arg3[%arg1, %mul3A_24] : memref<16x20480xi32, #tpu.memory_space<hbm>> -> memref<1x5120xi32, #tpu.memory_space<hbm>>
        %dma_wait3A_36 = tpu.memref_squeeze %dma_wait3A_35 : memref<1x5120xi32, #tpu.memory_space<hbm>> -> memref<5120xi32, #tpu.memory_space<hbm>>
        tpu.wait_dma2 semaphore(%run_scoped3A : memref<!tpu.dma_semaphore, #tpu.memory_space<semaphore_mem>>) src(%dma_wait3A_36 : memref<5120xi32, #tpu.memory_space<hbm>>) dst(%arg8 : memref<5120xi32, #tpu.memory_space<vmem>>)
        tpu.yield
      }) : () -> ()
      %scan3A_25 = arith.constant 0 : i32
      %scan3A_26 = arith.constant 320 : i32
      %scan3A_27 = arith.addi %scan3A_25, %scan3A_26 : i32
      %scan3A_28 = arith.constant 1 : i32
      %scan3A_29 = scf.for %scan3A_31 = %scan3A_25 to %scan3A_27 step %scan3A_28 iter_args(%scan3A_32 = %scan3A_17) -> (i32)  : i32 {
        %mul3A_33 = arith.constant 16 : i32
        %mul3A_34 = arith.muli %scan3A_31, %mul3A_33 : i32
        %get3A = arith.index_cast %mul3A_34 : i32 to index
        %get3A_35 = tpu.vector_load %arg8[%get3A] {strides = array<i32>} : memref<5120xi32, #tpu.memory_space<vmem>>, vector<16xi32>,
        %mul3A_36 = arith.constant 16 : i32
        %mul3A_37 = arith.muli %scan3A_31, %mul3A_36 : i32
        %get3A_38 = arith.index_cast %mul3A_37 : i32 to index
        %get3A_39 = tpu.vector_load %arg7[%get3A_38] {strides = array<i32>} : memref<5120xi32, #tpu.memory_space<vmem>>, vector<16xi32>,
        %mul3A_40 = arith.constant 5120 : i32
        %mul3A_41 = arith.muli %arg0, %mul3A_40 : i32
        %sub3A = vector.broadcast %mul3A_41 : i32 to vector<16xi32>
        %sub3A_42 = arith.subi %get3A_35, %sub3A : vector<16xi32>
        %ge3A = arith.constant 0 : i32
        %ge3A_43 = vector.broadcast %ge3A : i32 to vector<16xi32>
        %ge3A_44 = arith.cmpi sge, %sub3A_42, %ge3A_43 : vector<16xi32>
        %lt3A = arith.constant 5120 : i32
        %lt3A_45 = vector.broadcast %lt3A : i32 to vector<16xi32>
        %lt3A_46 = arith.cmpi slt, %sub3A_42, %lt3A_45 : vector<16xi32>
        %and3A = arith.andi %ge3A_44, %lt3A_46 : vector<16xi1>
        %jit3A = arith.constant 0 : i32
        %jit3A_47 = arith.constant 16 : i32
        %broadcast_in_dim3A_48 = vector.broadcast %jit3A : i32 to vector<16xi32>
        %broadcast_in_dim3A_49 = vector.broadcast %jit3A_47 : i32 to vector<16xi32>
        %select_n3A = arith.select %and3A, %broadcast_in_dim3A_48, %broadcast_in_dim3A_49 : vector<16xi1>, vector<16xi32>
        %add3A_50 = arith.addi %select_n3A, %iota3A : vector<16xi32>
        %add3A_51 = arith.constant 5120 : i32
        %add3A_52 = vector.broadcast %add3A_51 : i32 to vector<16xi32>
        %add3A_53 = arith.addi %add3A_52, %iota3A : vector<16xi32>
        %select_n3A_54 = arith.select %and3A, %sub3A_42, %add3A_53 : vector<16xi1>, vector<16xi32>
        %jit3A_55 = arith.constant 10000 : i32
        %broadcast_in_dim3A_56 = vector.broadcast %jit3A_55 : i32 to vector<16xi32>
        %select_n3A_57 = arith.select %and3A, %get3A_39, %broadcast_in_dim3A_56 : vector<16xi1>, vector<16xi32>
        %masked_sort3A = arith.constant dense<true> : vector<16xi1>
        %masked_sort3A_58 = arith.constant -2147483648 : i32
        %masked_sort3A_59 = vector.broadcast %masked_sort3A_58 : i32 to vector<16xi32>
        %masked_sort3A_60 = arith.xori %add3A_50, %masked_sort3A_59 : vector<16xi32>
        %masked_sort3A_61, %masked_sort3A_62, %masked_sort3A_63 = tpu.sort %masked_sort3A_60, %select_n3A_54 masked %masked_sort3A : (vector<16xi32>, vector<16xi32>, vector<16xi1>) -> (vector<16xi1>, vector<16xi32>, vector<16xi32>)
        %masked_sort3A_64 = arith.xori %masked_sort3A_62, %masked_sort3A_59 : vector<16xi32>
        %swap3A_65 = arith.index_cast %scan3A_32 : i32 to index
        %swap3A_66 = tpu.vector_load %arg10[%swap3A_65] {strides = array<i32>} : memref<12304xi32, #tpu.memory_space<vmem>>, vector<16xi32>,
        tpu.vector_store %arg10[%swap3A_65], %masked_sort3A_63 {strides = array<i32>} : memref<12304xi32, #tpu.memory_space<vmem>>, vector<16xi32>,
        %masked_sort3A_67 = arith.constant dense<true> : vector<16xi1>
        %masked_sort3A_68 = arith.constant -2147483648 : i32
        %masked_sort3A_69 = vector.broadcast %masked_sort3A_68 : i32 to vector<16xi32>
        %masked_sort3A_70 = arith.xori %add3A_50, %masked_sort3A_69 : vector<16xi32>
        %masked_sort3A_71, %masked_sort3A_72, %masked_sort3A_73 = tpu.sort %masked_sort3A_70, %select_n3A_57 masked %masked_sort3A_67 : (vector<16xi32>, vector<16xi32>, vector<16xi1>) -> (vector<16xi1>, vector<16xi32>, vector<16xi32>)
        %masked_sort3A_74 = arith.xori %masked_sort3A_72, %masked_sort3A_69 : vector<16xi32>
        %swap3A_75 = arith.index_cast %scan3A_32 : i32 to index
        %swap3A_76 = tpu.vector_load %arg9[%swap3A_75] {strides = array<i32>} : memref<12304xi32, #tpu.memory_space<vmem>>, vector<16xi32>,
        tpu.vector_store %arg9[%swap3A_75], %masked_sort3A_73 {strides = array<i32>} : memref<12304xi32, #tpu.memory_space<vmem>>, vector<16xi32>,
        %all_reduce_population_count3A = tpu.all_reduce %and3A {dim = 0 : i64, kind = #tpu.reduction_kind<sum>} : vector<16xi1> -> vector<16xi32>
        %reduce_max3A = arith.constant true
        %reduce_max3A_77 = vector.broadcast %reduce_max3A : i1 to vector<16xi1>
        %reduce_max3A_78 = arith.constant -2147483648 : i32
        %reduce_max3A_79 = vector.broadcast %reduce_max3A_78 : i32 to vector<16xi32>
        %reduce_max3A_80 = arith.xori %all_reduce_population_count3A, %reduce_max3A_79 : vector<16xi32>
        %reduce_max3A_81 = tpu.scan <max>, %reduce_max3A_80 masked %reduce_max3A_77 : vector<16xi32>, vector<16xi1> -> vector<16xi32>
        %reduce_max3A_82 = arith.xori %reduce_max3A_81, %reduce_max3A_79 : vector<16xi32>
        %reduce_max3A_83 = vector.extract %reduce_max3A_82[15] : i32 from vector<16xi32>
        %add3A_84 = arith.addi %scan3A_32, %reduce_max3A_83 : i32
        %min3A = arith.constant 12288 : i32
        %min3A_85 = arith.minsi %add3A_84, %min3A : i32
        scf.yield %min3A_85 : i32
      }
      %scan3A_30 = arith.constant 320 : i32
      scf.yield %scan3A_29 : i32
    }
    %scan3A_12 = arith.constant 4 : i32
    %broadcast_in_dim3A = arith.constant 0 : i32
    %broadcast_in_dim3A_13 = vector.broadcast %broadcast_in_dim3A : i32 to vector<16xi32>
    %add3A = vector.broadcast %scan3A_11 : i32 to vector<16xi32>
    %add3A_14 = arith.addi %broadcast_in_dim3A_13, %add3A : vector<16xi32>
    %swap3A = arith.constant 0 : index
    %swap3A_15 = tpu.vector_load %arg11[%swap3A] {strides = array<i32>} : memref<16xi32, #tpu.memory_space<vmem>>, vector<16xi32>,
    tpu.vector_store %arg11[%swap3A], %add3A_14 {strides = array<i32>} : memref<16xi32, #tpu.memory_space<vmem>>, vector<16xi32>,
    "tpu.region"() ({
      %run_scoped3A = tpu.sem_alloc : memref<!tpu.dma_semaphore, #tpu.memory_space<semaphore_mem>>
      %dma_start3A = arith.constant 0 : i32
      %dma_start3A_16 = tpu.memref_slice %arg9[%dma_start3A] : memref<12304xi32, #tpu.memory_space<vmem>> -> memref<12288xi32, #tpu.memory_space<vmem>>
      %dma_start3A_17 = arith.constant 0 : i32
      %dma_start3A_18 = tpu.memref_slice %arg4[%arg0, %arg1, %dma_start3A_17] : memref<2x16x12288xi32, #tpu.memory_space<hbm>> -> memref<1x1x12288xi32, #tpu.memory_space<hbm>>
      %dma_start3A_19 = tpu.memref_squeeze %dma_start3A_18 : memref<1x1x12288xi32, #tpu.memory_space<hbm>> -> memref<12288xi32, #tpu.memory_space<hbm>>
      %dma_start3A_20 = arith.constant 0 : i32
      %dma_start3A_21 = tpu.memref_slice %arg4[%arg0, %arg1, %dma_start3A_20] : memref<2x16x12288xi32, #tpu.memory_space<hbm>> -> memref<1x1x12288xi32, #tpu.memory_space<hbm>>
      %dma_start3A_22 = tpu.memref_squeeze %dma_start3A_21 : memref<1x1x12288xi32, #tpu.memory_space<hbm>> -> memref<12288xi32, #tpu.memory_space<hbm>>
      %dma_start3A_23 = arith.constant 0 : i32
      %dma_start3A_24 = tpu.memref_slice %arg9[%dma_start3A_23] : memref<12304xi32, #tpu.memory_space<vmem>> -> memref<12288xi32, #tpu.memory_space<vmem>>
      tpu.enqueue_dma source(%dma_start3A_24 : memref<12288xi32, #tpu.memory_space<vmem>>) target(%dma_start3A_22 : memref<12288xi32, #tpu.memory_space<hbm>>) target_semaphore(%run_scoped3A : memref<!tpu.dma_semaphore, #tpu.memory_space<semaphore_mem>>)
      %dma_wait3A = arith.constant 0 : i32
      %dma_wait3A_25 = tpu.memref_slice %arg9[%dma_wait3A] : memref<12304xi32, #tpu.memory_space<vmem>> -> memref<12288xi32, #tpu.memory_space<vmem>>
      %dma_wait3A_26 = arith.constant 0 : i32
      %dma_wait3A_27 = tpu.memref_slice %arg4[%arg0, %arg1, %dma_wait3A_26] : memref<2x16x12288xi32, #tpu.memory_space<hbm>> -> memref<1x1x12288xi32, #tpu.memory_space<hbm>>
      %dma_wait3A_28 = tpu.memref_squeeze %dma_wait3A_27 : memref<1x1x12288xi32, #tpu.memory_space<hbm>> -> memref<12288xi32, #tpu.memory_space<hbm>>
      %dma_wait3A_29 = arith.constant 0 : i32
      %dma_wait3A_30 = tpu.memref_slice %arg4[%arg0, %arg1, %dma_wait3A_29] : memref<2x16x12288xi32, #tpu.memory_space<hbm>> -> memref<1x1x12288xi32, #tpu.memory_space<hbm>>
      %dma_wait3A_31 = tpu.memref_squeeze %dma_wait3A_30 : memref<1x1x12288xi32, #tpu.memory_space<hbm>> -> memref<12288xi32, #tpu.memory_space<hbm>>
      %dma_wait3A_32 = arith.constant 0 : i32
      %dma_wait3A_33 = tpu.memref_slice %arg9[%dma_wait3A_32] : memref<12304xi32, #tpu.memory_space<vmem>> -> memref<12288xi32, #tpu.memory_space<vmem>>
      tpu.wait_dma2 semaphore(%run_scoped3A : memref<!tpu.dma_semaphore, #tpu.memory_space<semaphore_mem>>) src(%dma_wait3A_33 : memref<12288xi32, #tpu.memory_space<vmem>>) dst(%dma_wait3A_31 : memref<12288xi32, #tpu.memory_space<hbm>>)
      tpu.yield
    }) : () -> ()
    "tpu.region"() ({
      %run_scoped3A = tpu.sem_alloc : memref<!tpu.dma_semaphore, #tpu.memory_space<semaphore_mem>>
      %dma_start3A = arith.constant 0 : i32
      %dma_start3A_16 = tpu.memref_slice %arg10[%dma_start3A] : memref<12304xi32, #tpu.memory_space<vmem>> -> memref<12288xi32, #tpu.memory_space<vmem>>
      %dma_start3A_17 = arith.constant 0 : i32
      %dma_start3A_18 = tpu.memref_slice %arg5[%arg0, %arg1, %dma_start3A_17] : memref<2x16x12288xi32, #tpu.memory_space<hbm>> -> memref<1x1x12288xi32, #tpu.memory_space<hbm>>
      %dma_start3A_19 = tpu.memref_squeeze %dma_start3A_18 : memref<1x1x12288xi32, #tpu.memory_space<hbm>> -> memref<12288xi32, #tpu.memory_space<hbm>>
      %dma_start3A_20 = arith.constant 0 : i32
      %dma_start3A_21 = tpu.memref_slice %arg5[%arg0, %arg1, %dma_start3A_20] : memref<2x16x12288xi32, #tpu.memory_space<hbm>> -> memref<1x1x12288xi32, #tpu.memory_space<hbm>>
      %dma_start3A_22 = tpu.memref_squeeze %dma_start3A_21 : memref<1x1x12288xi32, #tpu.memory_space<hbm>> -> memref<12288xi32, #tpu.memory_space<hbm>>
      %dma_start3A_23 = arith.constant 0 : i32
      %dma_start3A_24 = tpu.memref_slice %arg10[%dma_start3A_23] : memref<12304xi32, #tpu.memory_space<vmem>> -> memref<12288xi32, #tpu.memory_space<vmem>>
      tpu.enqueue_dma source(%dma_start3A_24 : memref<12288xi32, #tpu.memory_space<vmem>>) target(%dma_start3A_22 : memref<12288xi32, #tpu.memory_space<hbm>>) target_semaphore(%run_scoped3A : memref<!tpu.dma_semaphore, #tpu.memory_space<semaphore_mem>>)
      %dma_wait3A = arith.constant 0 : i32
      %dma_wait3A_25 = tpu.memref_slice %arg10[%dma_wait3A] : memref<12304xi32, #tpu.memory_space<vmem>> -> memref<12288xi32, #tpu.memory_space<vmem>>
      %dma_wait3A_26 = arith.constant 0 : i32
      %dma_wait3A_27 = tpu.memref_slice %arg5[%arg0, %arg1, %dma_wait3A_26] : memref<2x16x12288xi32, #tpu.memory_space<hbm>> -> memref<1x1x12288xi32, #tpu.memory_space<hbm>>
      %dma_wait3A_28 = tpu.memref_squeeze %dma_wait3A_27 : memref<1x1x12288xi32, #tpu.memory_space<hbm>> -> memref<12288xi32, #tpu.memory_space<hbm>>
      %dma_wait3A_29 = arith.constant 0 : i32
      %dma_wait3A_30 = tpu.memref_slice %arg5[%arg0, %arg1, %dma_wait3A_29] : memref<2x16x12288xi32, #tpu.memory_space<hbm>> -> memref<1x1x12288xi32, #tpu.memory_space<hbm>>
      %dma_wait3A_31 = tpu.memref_squeeze %dma_wait3A_30 : memref<1x1x12288xi32, #tpu.memory_space<hbm>> -> memref<12288xi32, #tpu.memory_space<hbm>>
      %dma_wait3A_32 = arith.constant 0 : i32
      %dma_wait3A_33 = tpu.memref_slice %arg10[%dma_wait3A_32] : memref<12304xi32, #tpu.memory_space<vmem>> -> memref<12288xi32, #tpu.memory_space<vmem>>
      tpu.wait_dma2 semaphore(%run_scoped3A : memref<!tpu.dma_semaphore, #tpu.memory_space<semaphore_mem>>) src(%dma_wait3A_33 : memref<12288xi32, #tpu.memory_space<vmem>>) dst(%dma_wait3A_31 : memref<12288xi32, #tpu.memory_space<hbm>>)
      tpu.yield
    }) : () -> ()
    "tpu.region"() ({
      %run_scoped3A = tpu.sem_alloc : memref<!tpu.dma_semaphore, #tpu.memory_space<semaphore_mem>>
      %dma_start3A = arith.constant 0 : i32
      %dma_start3A_16 = tpu.memref_slice %arg6[%arg0, %arg1, %dma_start3A] : memref<2x16x16xi32, #tpu.memory_space<hbm>> -> memref<1x1x16xi32, #tpu.memory_space<hbm>>
      %dma_start3A_17 = tpu.memref_squeeze %dma_start3A_16 : memref<1x1x16xi32, #tpu.memory_space<hbm>> -> memref<16xi32, #tpu.memory_space<hbm>>
      %dma_start3A_18 = arith.constant 0 : i32
      %dma_start3A_19 = tpu.memref_slice %arg6[%arg0, %arg1, %dma_start3A_18] : memref<2x16x16xi32, #tpu.memory_space<hbm>> -> memref<1x1x16xi32, #tpu.memory_space<hbm>>
      %dma_start3A_20 = tpu.memref_squeeze %dma_start3A_19 : memref<1x1x16xi32, #tpu.memory_space<hbm>> -> memref<16xi32, #tpu.memory_space<hbm>>
      tpu.enqueue_dma source(%arg11 : memref<16xi32, #tpu.memory_space<vmem>>) target(%dma_start3A_20 : memref<16xi32, #tpu.memory_space<hbm>>) target_semaphore(%run_scoped3A : memref<!tpu.dma_semaphore, #tpu.memory_space<semaphore_mem>>)
      %dma_wait3A = arith.constant 0 : i32
      %dma_wait3A_21 = tpu.memref_slice %arg6[%arg0, %arg1, %dma_wait3A] : memref<2x16x16xi32, #tpu.memory_space<hbm>> -> memref<1x1x16xi32, #tpu.memory_space<hbm>>
      %dma_wait3A_22 = tpu.memref_squeeze %dma_wait3A_21 : memref<1x1x16xi32, #tpu.memory_space<hbm>> -> memref<16xi32, #tpu.memory_space<hbm>>
      %dma_wait3A_23 = arith.constant 0 : i32
      %dma_wait3A_24 = tpu.memref_slice %arg6[%arg0, %arg1, %dma_wait3A_23] : memref<2x16x16xi32, #tpu.memory_space<hbm>> -> memref<1x1x16xi32, #tpu.memory_space<hbm>>
      %dma_wait3A_25 = tpu.memref_squeeze %dma_wait3A_24 : memref<1x1x16xi32, #tpu.memory_space<hbm>> -> memref<16xi32, #tpu.memory_space<hbm>>
      tpu.wait_dma2 semaphore(%run_scoped3A : memref<!tpu.dma_semaphore, #tpu.memory_space<semaphore_mem>>) src(%arg11 : memref<16xi32, #tpu.memory_space<vmem>>) dst(%dma_wait3A_25 : memref<16xi32, #tpu.memory_space<hbm>>)
      tpu.yield
    }) : () -> ()
    return
  }
}

#map = affine_map<(d0, d1) -> (0, 0)>
#map1 = affine_map<(d0, d1) -> (0, 0, 0)>
module attributes {stable_mosaic.version = 14 : i64} {
  func.func @_scatter_body(%arg0: i32, %arg1: i32, %arg2: memref<10240x128xf32, #tpu.memory_space<hbm>>, %arg3: memref<32x96x128xi32, #tpu.memory_space<hbm>>, %arg4: memref<32x96x128xi32, #tpu.memory_space<hbm>>, %arg5: memref<2x16x16xi32, #tpu.memory_space<hbm>>, %arg6: memref<2x5120x128xf32, #tpu.memory_space<hbm>>, %arg7: memref<48x128xi32, #tpu.memory_space<vmem>>, %arg8: memref<48x128xi32, #tpu.memory_space<vmem>>, %arg9: memref<4x128x128xf32, #tpu.memory_space<vmem>>, %arg10: memref<64x128xf32, #tpu.memory_space<vmem>>, %arg11: memref<16xi32, #tpu.memory_space<vmem>>, %arg12: memref<5248x128xf32, #tpu.memory_space<vmem_shared>>, %arg13: memref<2x!tpu.dma_semaphore, #tpu.memory_space<semaphore_mem>>) attributes {dimension_semantics = [#tpu.dimension_semantics<core_parallel>, #tpu.dimension_semantics<subcore_parallel>], iteration_bounds = array<i64: 2, 16>, scalar_prefetch = 0 : i64, scratch_operands = 7 : i64, tpu.core_type = #tpu.core_type<sc_vector_subcore>, window_params = [{transform_indices = #map}, {transform_indices = #map1}, {transform_indices = #map1}, {transform_indices = #map1}, {transform_indices = #map1}]} {
    %mul3A = arith.constant 16 : i32
    %mul3A_0 = arith.muli %arg0, %mul3A : i32
    %add3A = arith.addi %mul3A_0, %arg1 : i32
    "tpu.region"() ({
      %run_scoped3A = tpu.sem_alloc : memref<!tpu.dma_semaphore, #tpu.memory_space<semaphore_mem>>
      %dma_start3A = arith.constant 0 : i32
      %dma_start3A_48 = tpu.memref_slice %arg5[%arg0, %arg1, %dma_start3A] : memref<2x16x16xi32, #tpu.memory_space<hbm>> -> memref<1x1x16xi32, #tpu.memory_space<hbm>>
      %dma_start3A_49 = tpu.memref_squeeze %dma_start3A_48 : memref<1x1x16xi32, #tpu.memory_space<hbm>> -> memref<16xi32, #tpu.memory_space<hbm>>
      %dma_start3A_50 = arith.constant 0 : i32
      %dma_start3A_51 = tpu.memref_slice %arg5[%arg0, %arg1, %dma_start3A_50] : memref<2x16x16xi32, #tpu.memory_space<hbm>> -> memref<1x1x16xi32, #tpu.memory_space<hbm>>
      %dma_start3A_52 = tpu.memref_squeeze %dma_start3A_51 : memref<1x1x16xi32, #tpu.memory_space<hbm>> -> memref<16xi32, #tpu.memory_space<hbm>>
      tpu.enqueue_dma source(%dma_start3A_52 : memref<16xi32, #tpu.memory_space<hbm>>) target(%arg11 : memref<16xi32, #tpu.memory_space<vmem>>) target_semaphore(%run_scoped3A : memref<!tpu.dma_semaphore, #tpu.memory_space<semaphore_mem>>)
      %dma_wait3A = arith.constant 0 : i32
      %dma_wait3A_53 = tpu.memref_slice %arg5[%arg0, %arg1, %dma_wait3A] : memref<2x16x16xi32, #tpu.memory_space<hbm>> -> memref<1x1x16xi32, #tpu.memory_space<hbm>>
      %dma_wait3A_54 = tpu.memref_squeeze %dma_wait3A_53 : memref<1x1x16xi32, #tpu.memory_space<hbm>> -> memref<16xi32, #tpu.memory_space<hbm>>
      %dma_wait3A_55 = arith.constant 0 : i32
      %dma_wait3A_56 = tpu.memref_slice %arg5[%arg0, %arg1, %dma_wait3A_55] : memref<2x16x16xi32, #tpu.memory_space<hbm>> -> memref<1x1x16xi32, #tpu.memory_space<hbm>>
      %dma_wait3A_57 = tpu.memref_squeeze %dma_wait3A_56 : memref<1x1x16xi32, #tpu.memory_space<hbm>> -> memref<16xi32, #tpu.memory_space<hbm>>
      tpu.wait_dma2 semaphore(%run_scoped3A : memref<!tpu.dma_semaphore, #tpu.memory_space<semaphore_mem>>) src(%dma_wait3A_57 : memref<16xi32, #tpu.memory_space<hbm>>) dst(%arg11 : memref<16xi32, #tpu.memory_space<vmem>>)
      tpu.yield
    }) : () -> ()
    %get3A = arith.constant 0 : index
    %get3A_1 = tpu.vector_load %arg11[%get3A] {strides = array<i32>} : memref<16xi32, #tpu.memory_space<vmem>>, vector<16xi32>,
    %get3A_2 = vector.shape_cast %get3A_1 : vector<16xi32> to vector<16xi32>
    %slice3A = vector.extract_strided_slice %get3A_2 {offsets = [0], sizes = [1], strides = [1]} : vector<16xi32> to vector<1xi32>
    %squeeze3A = vector.extract %slice3A[0] : i32 from vector<1xi32>
    %add3A_3 = arith.constant 128 : i32
    %add3A_4 = arith.addi %squeeze3A, %add3A_3 : i32
    %sub3A = arith.constant 1 : i32
    %sub3A_5 = arith.subi %add3A_4, %sub3A : i32
    %jit3A = arith.constant 128 : i32
    %div3A = arith.divsi %sub3A_5, %jit3A : i32
    %sign3A = arith.constant 0 : i32
    %sign3A_6 = arith.cmpi sgt, %sub3A_5, %sign3A : i32
    %sign3A_7 = arith.extui %sign3A_6 : i1 to i32
    %sign3A_8 = arith.constant 0 : i32
    %sign3A_9 = arith.cmpi slt, %sub3A_5, %sign3A_8 : i32
    %sign3A_10 = arith.extui %sign3A_9 : i1 to i32
    %sign3A_11 = arith.subi %sign3A_7, %sign3A_10 : i32
    %sign3A_12 = arith.constant 0 : i32
    %sign3A_13 = arith.cmpi sgt, %jit3A, %sign3A_12 : i32
    %sign3A_14 = arith.extui %sign3A_13 : i1 to i32
    %sign3A_15 = arith.constant 0 : i32
    %sign3A_16 = arith.cmpi slt, %jit3A, %sign3A_15 : i32
    %sign3A_17 = arith.extui %sign3A_16 : i1 to i32
    %sign3A_18 = arith.subi %sign3A_14, %sign3A_17 : i32
    %ne3A = arith.cmpi ne, %sign3A_11, %sign3A_18 : i32
    %rem3A = arith.remsi %sub3A_5, %jit3A : i32
    %ne3A_19 = arith.constant 0 : i32
    %ne3A_20 = arith.cmpi ne, %rem3A, %ne3A_19 : i32
    %and3A = arith.andi %ne3A, %ne3A_20 : i1
    %sub3A_21 = arith.constant 1 : i32
    %sub3A_22 = arith.subi %div3A, %sub3A_21 : i32
    %select_n3A = arith.select %and3A, %sub3A_22, %div3A : i32
    %scan3A = arith.constant 0 : i32
    %scan3A_23 = arith.constant 0 : i32
    %scan3A_24 = arith.constant 64 : i32
    %scan3A_25 = arith.addi %scan3A_23, %scan3A_24 : i32
    %scan3A_26 = arith.constant 1 : i32
    %scan3A_27 = scf.for %scan3A_48 = %scan3A_23 to %scan3A_25 step %scan3A_26 iter_args(%scan3A_49 = %scan3A) -> (i32)  : i32 {
      %scan3A_50 = arith.constant 0 : i32
      %scan3A_51 = arith.constant 0 : i32
      %scan3A_52 = arith.constant 8 : i32
      %scan3A_53 = arith.addi %scan3A_51, %scan3A_52 : i32
      %scan3A_54 = arith.constant 1 : i32
      %scan3A_55 = scf.for %scan3A_57 = %scan3A_51 to %scan3A_53 step %scan3A_54 iter_args(%scan3A_58 = %scan3A_50) -> (i32)  : i32 {
        %broadcast_in_dim3A = arith.constant 0.000000e+00 : f32
        %broadcast_in_dim3A_59 = vector.broadcast %broadcast_in_dim3A : f32 to vector<16xf32>
        %mul3A_60 = arith.constant 16 : i32
        %mul3A_61 = arith.muli %scan3A_57, %mul3A_60 : i32
        %swap3A = arith.index_cast %scan3A_48 : i32 to index
        %swap3A_62 = arith.index_cast %mul3A_61 : i32 to index
        %swap3A_63 = tpu.vector_load %arg10[%swap3A, %swap3A_62] {strides = array<i32>} : memref<64x128xf32, #tpu.memory_space<vmem>>, vector<1x16xf32>,
        %swap3A_64 = vector.shape_cast %swap3A_63 : vector<1x16xf32> to vector<16xf32>
        %swap3A_65 = vector.shape_cast %broadcast_in_dim3A_59 : vector<16xf32> to vector<1x16xf32>
        tpu.vector_store %arg10[%swap3A, %swap3A_62], %swap3A_65 {strides = array<i32>} : memref<64x128xf32, #tpu.memory_space<vmem>>, vector<1x16xf32>,
        %scan3A_66 = arith.constant 0 : i32
        scf.yield %scan3A_66 : i32
      }
      %scan3A_56 = arith.constant 8 : i32
      scf.yield %scan3A_55 : i32
    }
    %scan3A_28 = arith.constant 64 : i32
    %scan3A_29 = arith.constant 0 : i32
    %scan3A_30 = arith.constant 0 : i32
    %scan3A_31 = arith.constant 5 : i32
    %scan3A_32 = arith.addi %scan3A_30, %scan3A_31 : i32
    %scan3A_33 = arith.constant 1 : i32
    %scan3A_34 = scf.for %scan3A_48 = %scan3A_30 to %scan3A_32 step %scan3A_33 iter_args(%scan3A_49 = %scan3A_29) -> (i32)  : i32 {
      %mul3A_50 = arith.constant 320 : i32
      %mul3A_51 = arith.muli %arg1, %mul3A_50 : i32
      %mul3A_52 = arith.constant 64 : i32
      %mul3A_53 = arith.muli %scan3A_48, %mul3A_52 : i32
      %add3A_54 = arith.addi %mul3A_51, %mul3A_53 : i32
      "tpu.region"() ({
        %run_scoped3A = tpu.sem_alloc : memref<!tpu.dma_semaphore, #tpu.memory_space<semaphore_mem>>
        %dma_start3A = arith.constant 0 : i32
        %dma_start3A_56 = tpu.memref_slice %arg12[%add3A_54, %dma_start3A] : memref<5248x128xf32, #tpu.memory_space<vmem_shared>> -> memref<64x128xf32, #tpu.memory_space<vmem_shared>>
        %dma_start3A_57 = arith.constant 0 : i32
        %dma_start3A_58 = tpu.memref_slice %arg12[%add3A_54, %dma_start3A_57] : memref<5248x128xf32, #tpu.memory_space<vmem_shared>> -> memref<64x128xf32, #tpu.memory_space<vmem_shared>>
        tpu.enqueue_dma source(%arg10 : memref<64x128xf32, #tpu.memory_space<vmem>>) target(%dma_start3A_58 : memref<64x128xf32, #tpu.memory_space<vmem_shared>>) target_semaphore(%run_scoped3A : memref<!tpu.dma_semaphore, #tpu.memory_space<semaphore_mem>>)
        %dma_wait3A = arith.constant 0 : i32
        %dma_wait3A_59 = tpu.memref_slice %arg12[%add3A_54, %dma_wait3A] : memref<5248x128xf32, #tpu.memory_space<vmem_shared>> -> memref<64x128xf32, #tpu.memory_space<vmem_shared>>
        %dma_wait3A_60 = arith.constant 0 : i32
        %dma_wait3A_61 = tpu.memref_slice %arg12[%add3A_54, %dma_wait3A_60] : memref<5248x128xf32, #tpu.memory_space<vmem_shared>> -> memref<64x128xf32, #tpu.memory_space<vmem_shared>>
        tpu.wait_dma2 semaphore(%run_scoped3A : memref<!tpu.dma_semaphore, #tpu.memory_space<semaphore_mem>>) src(%arg10 : memref<64x128xf32, #tpu.memory_space<vmem>>) dst(%dma_wait3A_61 : memref<64x128xf32, #tpu.memory_space<vmem_shared>>)
        tpu.yield
      }) : () -> ()
      %scan3A_55 = arith.constant 0 : i32
      scf.yield %scan3A_55 : i32
    }
    %scan3A_35 = arith.constant 5 : i32
    %barrier3A = arith.constant 0 : index
    tpu.barrier barrier_id(%barrier3A)
    %scan3A_36 = arith.constant 0 : i32
    %scan3A_37 = arith.constant 0 : i32
    %scan3A_38 = arith.constant 2 : i32
    %scan3A_39 = arith.addi %scan3A_37, %scan3A_38 : i32
    %scan3A_40 = arith.constant 1 : i32
    %scan3A_41 = scf.for %scan3A_48 = %scan3A_37 to %scan3A_39 step %scan3A_40 iter_args(%scan3A_49 = %scan3A_36) -> (i32)  : i32 {
      %mul3A_50 = arith.constant 48 : i32
      %mul3A_51 = arith.muli %scan3A_48, %mul3A_50 : i32
      "tpu.region"() ({
        %run_scoped3A = tpu.sem_alloc : memref<!tpu.dma_semaphore, #tpu.memory_space<semaphore_mem>>
        %dma_start3A = arith.constant 0 : i32
        %dma_start3A_83 = tpu.memref_slice %arg3[%add3A, %mul3A_51, %dma_start3A] : memref<32x96x128xi32, #tpu.memory_space<hbm>> -> memref<1x48x128xi32, #tpu.memory_space<hbm>>
        %dma_start3A_84 = tpu.memref_squeeze %dma_start3A_83 : memref<1x48x128xi32, #tpu.memory_space<hbm>> -> memref<48x128xi32, #tpu.memory_space<hbm>>
        %dma_start3A_85 = arith.constant 0 : i32
        %dma_start3A_86 = tpu.memref_slice %arg3[%add3A, %mul3A_51, %dma_start3A_85] : memref<32x96x128xi32, #tpu.memory_space<hbm>> -> memref<1x48x128xi32, #tpu.memory_space<hbm>>
        %dma_start3A_87 = tpu.memref_squeeze %dma_start3A_86 : memref<1x48x128xi32, #tpu.memory_space<hbm>> -> memref<48x128xi32, #tpu.memory_space<hbm>>
        tpu.enqueue_dma source(%dma_start3A_87 : memref<48x128xi32, #tpu.memory_space<hbm>>) target(%arg7 : memref<48x128xi32, #tpu.memory_space<vmem>>) target_semaphore(%run_scoped3A : memref<!tpu.dma_semaphore, #tpu.memory_space<semaphore_mem>>)
        %dma_wait3A = arith.constant 0 : i32
        %dma_wait3A_88 = tpu.memref_slice %arg3[%add3A, %mul3A_51, %dma_wait3A] : memref<32x96x128xi32, #tpu.memory_space<hbm>> -> memref<1x48x128xi32, #tpu.memory_space<hbm>>
        %dma_wait3A_89 = tpu.memref_squeeze %dma_wait3A_88 : memref<1x48x128xi32, #tpu.memory_space<hbm>> -> memref<48x128xi32, #tpu.memory_space<hbm>>
        %dma_wait3A_90 = arith.constant 0 : i32
        %dma_wait3A_91 = tpu.memref_slice %arg3[%add3A, %mul3A_51, %dma_wait3A_90] : memref<32x96x128xi32, #tpu.memory_space<hbm>> -> memref<1x48x128xi32, #tpu.memory_space<hbm>>
        %dma_wait3A_92 = tpu.memref_squeeze %dma_wait3A_91 : memref<1x48x128xi32, #tpu.memory_space<hbm>> -> memref<48x128xi32, #tpu.memory_space<hbm>>
        tpu.wait_dma2 semaphore(%run_scoped3A : memref<!tpu.dma_semaphore, #tpu.memory_space<semaphore_mem>>) src(%dma_wait3A_92 : memref<48x128xi32, #tpu.memory_space<hbm>>) dst(%arg7 : memref<48x128xi32, #tpu.memory_space<vmem>>)
        tpu.yield
      }) : () -> ()
      %mul3A_52 = arith.constant 48 : i32
      %mul3A_53 = arith.muli %scan3A_48, %mul3A_52 : i32
      "tpu.region"() ({
        %run_scoped3A = tpu.sem_alloc : memref<!tpu.dma_semaphore, #tpu.memory_space<semaphore_mem>>
        %dma_start3A = arith.constant 0 : i32
        %dma_start3A_83 = tpu.memref_slice %arg4[%add3A, %mul3A_53, %dma_start3A] : memref<32x96x128xi32, #tpu.memory_space<hbm>> -> memref<1x48x128xi32, #tpu.memory_space<hbm>>
        %dma_start3A_84 = tpu.memref_squeeze %dma_start3A_83 : memref<1x48x128xi32, #tpu.memory_space<hbm>> -> memref<48x128xi32, #tpu.memory_space<hbm>>
        %dma_start3A_85 = arith.constant 0 : i32
        %dma_start3A_86 = tpu.memref_slice %arg4[%add3A, %mul3A_53, %dma_start3A_85] : memref<32x96x128xi32, #tpu.memory_space<hbm>> -> memref<1x48x128xi32, #tpu.memory_space<hbm>>
        %dma_start3A_87 = tpu.memref_squeeze %dma_start3A_86 : memref<1x48x128xi32, #tpu.memory_space<hbm>> -> memref<48x128xi32, #tpu.memory_space<hbm>>
        tpu.enqueue_dma source(%dma_start3A_87 : memref<48x128xi32, #tpu.memory_space<hbm>>) target(%arg8 : memref<48x128xi32, #tpu.memory_space<vmem>>) target_semaphore(%run_scoped3A : memref<!tpu.dma_semaphore, #tpu.memory_space<semaphore_mem>>)
        %dma_wait3A = arith.constant 0 : i32
        %dma_wait3A_88 = tpu.memref_slice %arg4[%add3A, %mul3A_53, %dma_wait3A] : memref<32x96x128xi32, #tpu.memory_space<hbm>> -> memref<1x48x128xi32, #tpu.memory_space<hbm>>
        %dma_wait3A_89 = tpu.memref_squeeze %dma_wait3A_88 : memref<1x48x128xi32, #tpu.memory_space<hbm>> -> memref<48x128xi32, #tpu.memory_space<hbm>>
        %dma_wait3A_90 = arith.constant 0 : i32
        %dma_wait3A_91 = tpu.memref_slice %arg4[%add3A, %mul3A_53, %dma_wait3A_90] : memref<32x96x128xi32, #tpu.memory_space<hbm>> -> memref<1x48x128xi32, #tpu.memory_space<hbm>>
        %dma_wait3A_92 = tpu.memref_squeeze %dma_wait3A_91 : memref<1x48x128xi32, #tpu.memory_space<hbm>> -> memref<48x128xi32, #tpu.memory_space<hbm>>
        tpu.wait_dma2 semaphore(%run_scoped3A : memref<!tpu.dma_semaphore, #tpu.memory_space<semaphore_mem>>) src(%dma_wait3A_92 : memref<48x128xi32, #tpu.memory_space<hbm>>) dst(%arg8 : memref<48x128xi32, #tpu.memory_space<vmem>>)
        tpu.yield
      }) : () -> ()
      %scan3A_54 = arith.constant 0 : i32
      %scan3A_55 = arith.constant 0 : i32
      %scan3A_56 = arith.constant 2 : i32
      %scan3A_57 = arith.addi %scan3A_55, %scan3A_56 : i32
      %scan3A_58 = arith.constant 1 : i32
      %scan3A_59 = scf.for %scan3A_83 = %scan3A_55 to %scan3A_57 step %scan3A_58 iter_args(%scan3A_84 = %scan3A_54) -> (i32)  : i32 {
        %mul3A_85 = arith.constant 48 : i32
        %mul3A_86 = arith.muli %scan3A_48, %mul3A_85 : i32
        %add3A_87 = arith.constant 0 : i32
        %add3A_88 = arith.addi %mul3A_86, %add3A_87 : i32
        %add3A_89 = arith.addi %add3A_88, %scan3A_83 : i32
        %lt3A = arith.cmpi slt, %add3A_89, %select_n3A : i32
        %convert_element_type3A = arith.extui %lt3A : i1 to i32
        %cond3A = arith.constant 0 : i32
        %cond3A_90 = arith.cmpi ne, %convert_element_type3A, %cond3A : i32
        scf.if %cond3A_90 {
          %add3A_92 = arith.constant 0 : i32
          %add3A_93 = arith.addi %add3A_92, %scan3A_83 : i32
          %add3A_94 = arith.constant 0 : i32
          %add3A_95 = arith.addi %add3A_94, %scan3A_83 : i32
          %rem3A_96 = arith.constant 4 : i32
          %rem3A_97 = arith.remsi %add3A_95, %rem3A_96 : i32
          %rem3A_98 = arith.constant 0 : i32
          %rem3A_99 = arith.constant 2 : i32
          %rem3A_100 = arith.remsi %rem3A_98, %rem3A_99 : i32
          %dma_start3A = arith.constant 0 : i32
          %dma_start3A_101 = arith.constant 0 : i32
          %dma_start3A_102 = tpu.memref_slice %arg9[%rem3A_97, %dma_start3A, %dma_start3A_101] : memref<4x128x128xf32, #tpu.memory_space<vmem>> -> memref<1x128x128xf32, #tpu.memory_space<vmem>>
          %dma_start3A_103 = tpu.memref_squeeze %dma_start3A_102 : memref<1x128x128xf32, #tpu.memory_space<vmem>> -> memref<128x128xf32, #tpu.memory_space<vmem>>
          %dma_start3A_104 = arith.constant 0 : i32
          %dma_start3A_105 = tpu.memref_slice %arg7[%add3A_93, %dma_start3A_104] : memref<48x128xi32, #tpu.memory_space<vmem>> -> memref<1x128xi32, #tpu.memory_space<vmem>>
          %dma_start3A_106 = tpu.memref_squeeze %dma_start3A_105 : memref<1x128xi32, #tpu.memory_space<vmem>> -> memref<128xi32, #tpu.memory_space<vmem>>
          %dma_start3A_107 = arith.constant 0 : i32
          %dma_start3A_108 = arith.constant 0 : i32
          %dma_start3A_109 = tpu.memref_slice %arg2[%dma_start3A_107, %dma_start3A_108] : memref<10240x128xf32, #tpu.memory_space<hbm>> -> memref<10240x128xf32, #tpu.memory_space<hbm>>
          %dma_start3A_110 = tpu.memref_slice %arg13[%rem3A_100] : memref<2x!tpu.dma_semaphore, #tpu.memory_space<semaphore_mem>> -> memref<1x!tpu.dma_semaphore, #tpu.memory_space<semaphore_mem>>
          %dma_start3A_111 = tpu.memref_squeeze %dma_start3A_110 : memref<1x!tpu.dma_semaphore, #tpu.memory_space<semaphore_mem>> -> memref<!tpu.dma_semaphore, #tpu.memory_space<semaphore_mem>>
          tpu.enqueue_indirect_dma source(%dma_start3A_109 : memref<10240x128xf32, #tpu.memory_space<hbm>>) target(%dma_start3A_103 : memref<128x128xf32, #tpu.memory_space<vmem>>) offsets(%dma_start3A_106 : memref<128xi32, #tpu.memory_space<vmem>>) semaphore(%dma_start3A_111 : memref<!tpu.dma_semaphore, #tpu.memory_space<semaphore_mem>>)
        } else {
        }
        %scan3A_91 = arith.constant 0 : i32
        scf.yield %scan3A_91 : i32
      }
      %scan3A_60 = arith.constant 2 : i32
      %scan3A_61 = arith.constant 0 : i32
      %scan3A_62 = arith.constant 0 : i32
      %scan3A_63 = arith.constant 23 : i32
      %scan3A_64 = arith.addi %scan3A_62, %scan3A_63 : i32
      %scan3A_65 = arith.constant 1 : i32
      %scan3A_66 = scf.for %scan3A_83 = %scan3A_62 to %scan3A_64 step %scan3A_65 iter_args(%scan3A_84 = %scan3A_61) -> (i32)  : i32 {
        %add3A_85 = arith.constant 1 : i32
        %add3A_86 = arith.addi %scan3A_83, %add3A_85 : i32
        %scan3A_87 = arith.constant 0 : i32
        %scan3A_88 = arith.constant 0 : i32
        %scan3A_89 = arith.constant 2 : i32
        %scan3A_90 = arith.addi %scan3A_88, %scan3A_89 : i32
        %scan3A_91 = arith.constant 1 : i32
        %scan3A_92 = scf.for %scan3A_109 = %scan3A_88 to %scan3A_90 step %scan3A_91 iter_args(%scan3A_110 = %scan3A_87) -> (i32)  : i32 {
          %mul3A_111 = arith.constant 48 : i32
          %mul3A_112 = arith.muli %scan3A_48, %mul3A_111 : i32
          %mul3A_113 = arith.constant 2 : i32
          %mul3A_114 = arith.muli %add3A_86, %mul3A_113 : i32
          %add3A_115 = arith.addi %mul3A_112, %mul3A_114 : i32
          %add3A_116 = arith.addi %add3A_115, %scan3A_109 : i32
          %lt3A = arith.cmpi slt, %add3A_116, %select_n3A : i32
          %convert_element_type3A = arith.extui %lt3A : i1 to i32
          %cond3A = arith.constant 0 : i32
          %cond3A_117 = arith.cmpi ne, %convert_element_type3A, %cond3A : i32
          scf.if %cond3A_117 {
            %mul3A_119 = arith.constant 2 : i32
            %mul3A_120 = arith.muli %add3A_86, %mul3A_119 : i32
            %add3A_121 = arith.addi %mul3A_120, %scan3A_109 : i32
            %mul3A_122 = arith.constant 2 : i32
            %mul3A_123 = arith.muli %add3A_86, %mul3A_122 : i32
            %add3A_124 = arith.addi %mul3A_123, %scan3A_109 : i32
            %rem3A_125 = arith.constant 4 : i32
            %rem3A_126 = arith.remsi %add3A_124, %rem3A_125 : i32
            %rem3A_127 = arith.constant 2 : i32
            %rem3A_128 = arith.remsi %add3A_86, %rem3A_127 : i32
            %dma_start3A = arith.constant 0 : i32
            %dma_start3A_129 = arith.constant 0 : i32
            %dma_start3A_130 = tpu.memref_slice %arg9[%rem3A_126, %dma_start3A, %dma_start3A_129] : memref<4x128x128xf32, #tpu.memory_space<vmem>> -> memref<1x128x128xf32, #tpu.memory_space<vmem>>
            %dma_start3A_131 = tpu.memref_squeeze %dma_start3A_130 : memref<1x128x128xf32, #tpu.memory_space<vmem>> -> memref<128x128xf32, #tpu.memory_space<vmem>>
            %dma_start3A_132 = arith.constant 0 : i32
            %dma_start3A_133 = tpu.memref_slice %arg7[%add3A_121, %dma_start3A_132] : memref<48x128xi32, #tpu.memory_space<vmem>> -> memref<1x128xi32, #tpu.memory_space<vmem>>
            %dma_start3A_134 = tpu.memref_squeeze %dma_start3A_133 : memref<1x128xi32, #tpu.memory_space<vmem>> -> memref<128xi32, #tpu.memory_space<vmem>>
            %dma_start3A_135 = arith.constant 0 : i32
            %dma_start3A_136 = arith.constant 0 : i32
            %dma_start3A_137 = tpu.memref_slice %arg2[%dma_start3A_135, %dma_start3A_136] : memref<10240x128xf32, #tpu.memory_space<hbm>> -> memref<10240x128xf32, #tpu.memory_space<hbm>>
            %dma_start3A_138 = tpu.memref_slice %arg13[%rem3A_128] : memref<2x!tpu.dma_semaphore, #tpu.memory_space<semaphore_mem>> -> memref<1x!tpu.dma_semaphore, #tpu.memory_space<semaphore_mem>>
            %dma_start3A_139 = tpu.memref_squeeze %dma_start3A_138 : memref<1x!tpu.dma_semaphore, #tpu.memory_space<semaphore_mem>> -> memref<!tpu.dma_semaphore, #tpu.memory_space<semaphore_mem>>
            tpu.enqueue_indirect_dma source(%dma_start3A_137 : memref<10240x128xf32, #tpu.memory_space<hbm>>) target(%dma_start3A_131 : memref<128x128xf32, #tpu.memory_space<vmem>>) offsets(%dma_start3A_134 : memref<128xi32, #tpu.memory_space<vmem>>) semaphore(%dma_start3A_139 : memref<!tpu.dma_semaphore, #tpu.memory_space<semaphore_mem>>)
          } else {
          }
          %scan3A_118 = arith.constant 0 : i32
          scf.yield %scan3A_118 : i32
        }
        %scan3A_93 = arith.constant 2 : i32
        %scan3A_94 = arith.constant 0 : i32
        %scan3A_95 = arith.constant 0 : i32
        %scan3A_96 = arith.constant 2 : i32
        %scan3A_97 = arith.addi %scan3A_95, %scan3A_96 : i32
        %scan3A_98 = arith.constant 1 : i32
        %scan3A_99 = scf.for %scan3A_109 = %scan3A_95 to %scan3A_97 step %scan3A_98 iter_args(%scan3A_110 = %scan3A_94) -> (i32)  : i32 {
          %mul3A_111 = arith.constant 48 : i32
          %mul3A_112 = arith.muli %scan3A_48, %mul3A_111 : i32
          %mul3A_113 = arith.constant 2 : i32
          %mul3A_114 = arith.muli %scan3A_83, %mul3A_113 : i32
          %add3A_115 = arith.addi %mul3A_112, %mul3A_114 : i32
          %add3A_116 = arith.addi %add3A_115, %scan3A_109 : i32
          %lt3A = arith.cmpi slt, %add3A_116, %select_n3A : i32
          %convert_element_type3A = arith.extui %lt3A : i1 to i32
          %cond3A = arith.constant 0 : i32
          %cond3A_117 = arith.cmpi ne, %convert_element_type3A, %cond3A : i32
          scf.if %cond3A_117 {
            %mul3A_119 = arith.constant 2 : i32
            %mul3A_120 = arith.muli %scan3A_83, %mul3A_119 : i32
            %add3A_121 = arith.addi %mul3A_120, %scan3A_109 : i32
            %mul3A_122 = arith.constant 2 : i32
            %mul3A_123 = arith.muli %scan3A_83, %mul3A_122 : i32
            %add3A_124 = arith.addi %mul3A_123, %scan3A_109 : i32
            %rem3A_125 = arith.constant 4 : i32
            %rem3A_126 = arith.remsi %add3A_124, %rem3A_125 : i32
            %rem3A_127 = arith.constant 2 : i32
            %rem3A_128 = arith.remsi %scan3A_83, %rem3A_127 : i32
            %dma_wait3A = arith.constant 0 : i32
            %dma_wait3A_129 = arith.constant 0 : i32
            %dma_wait3A_130 = tpu.memref_slice %arg9[%rem3A_126, %dma_wait3A, %dma_wait3A_129] : memref<4x128x128xf32, #tpu.memory_space<vmem>> -> memref<1x128x128xf32, #tpu.memory_space<vmem>>
            %dma_wait3A_131 = tpu.memref_squeeze %dma_wait3A_130 : memref<1x128x128xf32, #tpu.memory_space<vmem>> -> memref<128x128xf32, #tpu.memory_space<vmem>>
            %dma_wait3A_132 = arith.constant 0 : i32
            %dma_wait3A_133 = tpu.memref_slice %arg7[%add3A_121, %dma_wait3A_132] : memref<48x128xi32, #tpu.memory_space<vmem>> -> memref<1x128xi32, #tpu.memory_space<vmem>>
            %dma_wait3A_134 = tpu.memref_squeeze %dma_wait3A_133 : memref<1x128xi32, #tpu.memory_space<vmem>> -> memref<128xi32, #tpu.memory_space<vmem>>
            %dma_wait3A_135 = arith.constant 0 : i32
            %dma_wait3A_136 = arith.constant 0 : i32
            %dma_wait3A_137 = tpu.memref_slice %arg2[%dma_wait3A_135, %dma_wait3A_136] : memref<10240x128xf32, #tpu.memory_space<hbm>> -> memref<10240x128xf32, #tpu.memory_space<hbm>>
            %dma_wait3A_138 = tpu.memref_slice %arg13[%rem3A_128] : memref<2x!tpu.dma_semaphore, #tpu.memory_space<semaphore_mem>> -> memref<1x!tpu.dma_semaphore, #tpu.memory_space<semaphore_mem>>
            %dma_wait3A_139 = tpu.memref_squeeze %dma_wait3A_138 : memref<1x!tpu.dma_semaphore, #tpu.memory_space<semaphore_mem>> -> memref<!tpu.dma_semaphore, #tpu.memory_space<semaphore_mem>>
            tpu.wait_indirect_dma semaphore(%dma_wait3A_139 : memref<!tpu.dma_semaphore, #tpu.memory_space<semaphore_mem>>) src(%dma_wait3A_137 : memref<10240x128xf32, #tpu.memory_space<hbm>>) dst(%dma_wait3A_131 : memref<128x128xf32, #tpu.memory_space<vmem>>)
          } else {
          }
          %scan3A_118 = arith.constant 0 : i32
          scf.yield %scan3A_118 : i32
        }
        %scan3A_100 = arith.constant 2 : i32
        %scan3A_101 = arith.constant 0 : i32
        %scan3A_102 = arith.constant 0 : i32
        %scan3A_103 = arith.constant 2 : i32
        %scan3A_104 = arith.addi %scan3A_102, %scan3A_103 : i32
        %scan3A_105 = arith.constant 1 : i32
        %scan3A_106 = scf.for %scan3A_109 = %scan3A_102 to %scan3A_104 step %scan3A_105 iter_args(%scan3A_110 = %scan3A_101) -> (i32)  : i32 {
          %mul3A_111 = arith.constant 48 : i32
          %mul3A_112 = arith.muli %scan3A_48, %mul3A_111 : i32
          %mul3A_113 = arith.constant 2 : i32
          %mul3A_114 = arith.muli %scan3A_83, %mul3A_113 : i32
          %add3A_115 = arith.addi %mul3A_112, %mul3A_114 : i32
          %add3A_116 = arith.addi %add3A_115, %scan3A_109 : i32
          %lt3A = arith.cmpi slt, %add3A_116, %select_n3A : i32
          %convert_element_type3A = arith.extui %lt3A : i1 to i32
          %cond3A = arith.constant 0 : i32
          %cond3A_117 = arith.cmpi ne, %convert_element_type3A, %cond3A : i32
          scf.if %cond3A_117 {
            %mul3A_119 = arith.constant 2 : i32
            %mul3A_120 = arith.muli %scan3A_83, %mul3A_119 : i32
            %add3A_121 = arith.addi %mul3A_120, %scan3A_109 : i32
            %rem3A_122 = arith.constant 4 : i32
            %rem3A_123 = arith.remsi %add3A_121, %rem3A_122 : i32
            %mul3A_124 = arith.constant 2 : i32
            %mul3A_125 = arith.muli %scan3A_83, %mul3A_124 : i32
            %add3A_126 = arith.addi %mul3A_125, %scan3A_109 : i32
            "tpu.region"() ({
              %run_scoped3A = tpu.sem_alloc : memref<!tpu.dma_semaphore, #tpu.memory_space<semaphore_mem>>
              %dma_start3A = arith.constant 0 : i32
              %dma_start3A_127 = arith.constant 0 : i32
              %dma_start3A_128 = tpu.memref_slice %arg9[%rem3A_123, %dma_start3A, %dma_start3A_127] : memref<4x128x128xf32, #tpu.memory_space<vmem>> -> memref<1x128x128xf32, #tpu.memory_space<vmem>>
              %dma_start3A_129 = tpu.memref_squeeze %dma_start3A_128 : memref<1x128x128xf32, #tpu.memory_space<vmem>> -> memref<128x128xf32, #tpu.memory_space<vmem>>
              %dma_start3A_130 = arith.constant 0 : i32
              %dma_start3A_131 = tpu.memref_slice %arg8[%add3A_126, %dma_start3A_130] : memref<48x128xi32, #tpu.memory_space<vmem>> -> memref<1x128xi32, #tpu.memory_space<vmem>>
              %dma_start3A_132 = tpu.memref_squeeze %dma_start3A_131 : memref<1x128xi32, #tpu.memory_space<vmem>> -> memref<128xi32, #tpu.memory_space<vmem>>
              %dma_start3A_133 = arith.constant 0 : i32
              %dma_start3A_134 = arith.constant 0 : i32
              %dma_start3A_135 = tpu.memref_slice %arg12[%dma_start3A_133, %dma_start3A_134] : memref<5248x128xf32, #tpu.memory_space<vmem_shared>> -> memref<5248x128xf32, #tpu.memory_space<vmem_shared>>
              tpu.enqueue_indirect_dma source(%dma_start3A_129 : memref<128x128xf32, #tpu.memory_space<vmem>>) target(%dma_start3A_135 : memref<5248x128xf32, #tpu.memory_space<vmem_shared>>) offsets(%dma_start3A_132 : memref<128xi32, #tpu.memory_space<vmem>>) semaphore(%run_scoped3A : memref<!tpu.dma_semaphore, #tpu.memory_space<semaphore_mem>>) {add = true}
              %dma_wait3A = arith.constant 0 : i32
              %dma_wait3A_136 = arith.constant 0 : i32
              %dma_wait3A_137 = tpu.memref_slice %arg9[%rem3A_123, %dma_wait3A, %dma_wait3A_136] : memref<4x128x128xf32, #tpu.memory_space<vmem>> -> memref<1x128x128xf32, #tpu.memory_space<vmem>>
              %dma_wait3A_138 = tpu.memref_squeeze %dma_wait3A_137 : memref<1x128x128xf32, #tpu.memory_space<vmem>> -> memref<128x128xf32, #tpu.memory_space<vmem>>
              %dma_wait3A_139 = arith.constant 0 : i32
              %dma_wait3A_140 = tpu.memref_slice %arg8[%add3A_126, %dma_wait3A_139] : memref<48x128xi32, #tpu.memory_space<vmem>> -> memref<1x128xi32, #tpu.memory_space<vmem>>
              %dma_wait3A_141 = tpu.memref_squeeze %dma_wait3A_140 : memref<1x128xi32, #tpu.memory_space<vmem>> -> memref<128xi32, #tpu.memory_space<vmem>>
              %dma_wait3A_142 = arith.constant 0 : i32
              %dma_wait3A_143 = arith.constant 0 : i32
              %dma_wait3A_144 = tpu.memref_slice %arg12[%dma_wait3A_142, %dma_wait3A_143] : memref<5248x128xf32, #tpu.memory_space<vmem_shared>> -> memref<5248x128xf32, #tpu.memory_space<vmem_shared>>
              tpu.wait_indirect_dma semaphore(%run_scoped3A : memref<!tpu.dma_semaphore, #tpu.memory_space<semaphore_mem>>) src(%dma_wait3A_138 : memref<128x128xf32, #tpu.memory_space<vmem>>) dst(%dma_wait3A_144 : memref<5248x128xf32, #tpu.memory_space<vmem_shared>>)
              tpu.yield
            }) : () -> ()
          } else {
          }
          %scan3A_118 = arith.constant 0 : i32
          scf.yield %scan3A_118 : i32
        }
        %scan3A_107 = arith.constant 2 : i32
        %scan3A_108 = arith.constant 0 : i32
        scf.yield %scan3A_108 : i32
      }
      %scan3A_67 = arith.constant 23 : i32
      %scan3A_68 = arith.constant 0 : i32
      %scan3A_69 = arith.constant 0 : i32
      %scan3A_70 = arith.constant 2 : i32
      %scan3A_71 = arith.addi %scan3A_69, %scan3A_70 : i32
      %scan3A_72 = arith.constant 1 : i32
      %scan3A_73 = scf.for %scan3A_83 = %scan3A_69 to %scan3A_71 step %scan3A_72 iter_args(%scan3A_84 = %scan3A_68) -> (i32)  : i32 {
        %mul3A_85 = arith.constant 48 : i32
        %mul3A_86 = arith.muli %scan3A_48, %mul3A_85 : i32
        %add3A_87 = arith.constant 46 : i32
        %add3A_88 = arith.addi %mul3A_86, %add3A_87 : i32
        %add3A_89 = arith.addi %add3A_88, %scan3A_83 : i32
        %lt3A = arith.cmpi slt, %add3A_89, %select_n3A : i32
        %convert_element_type3A = arith.extui %lt3A : i1 to i32
        %cond3A = arith.constant 0 : i32
        %cond3A_90 = arith.cmpi ne, %convert_element_type3A, %cond3A : i32
        scf.if %cond3A_90 {
          %add3A_92 = arith.constant 46 : i32
          %add3A_93 = arith.addi %add3A_92, %scan3A_83 : i32
          %add3A_94 = arith.constant 46 : i32
          %add3A_95 = arith.addi %add3A_94, %scan3A_83 : i32
          %rem3A_96 = arith.constant 4 : i32
          %rem3A_97 = arith.remsi %add3A_95, %rem3A_96 : i32
          %rem3A_98 = arith.constant 23 : i32
          %rem3A_99 = arith.constant 2 : i32
          %rem3A_100 = arith.remsi %rem3A_98, %rem3A_99 : i32
          %dma_wait3A = arith.constant 0 : i32
          %dma_wait3A_101 = arith.constant 0 : i32
          %dma_wait3A_102 = tpu.memref_slice %arg9[%rem3A_97, %dma_wait3A, %dma_wait3A_101] : memref<4x128x128xf32, #tpu.memory_space<vmem>> -> memref<1x128x128xf32, #tpu.memory_space<vmem>>
          %dma_wait3A_103 = tpu.memref_squeeze %dma_wait3A_102 : memref<1x128x128xf32, #tpu.memory_space<vmem>> -> memref<128x128xf32, #tpu.memory_space<vmem>>
          %dma_wait3A_104 = arith.constant 0 : i32
          %dma_wait3A_105 = tpu.memref_slice %arg7[%add3A_93, %dma_wait3A_104] : memref<48x128xi32, #tpu.memory_space<vmem>> -> memref<1x128xi32, #tpu.memory_space<vmem>>
          %dma_wait3A_106 = tpu.memref_squeeze %dma_wait3A_105 : memref<1x128xi32, #tpu.memory_space<vmem>> -> memref<128xi32, #tpu.memory_space<vmem>>
          %dma_wait3A_107 = arith.constant 0 : i32
          %dma_wait3A_108 = arith.constant 0 : i32
          %dma_wait3A_109 = tpu.memref_slice %arg2[%dma_wait3A_107, %dma_wait3A_108] : memref<10240x128xf32, #tpu.memory_space<hbm>> -> memref<10240x128xf32, #tpu.memory_space<hbm>>
          %dma_wait3A_110 = tpu.memref_slice %arg13[%rem3A_100] : memref<2x!tpu.dma_semaphore, #tpu.memory_space<semaphore_mem>> -> memref<1x!tpu.dma_semaphore, #tpu.memory_space<semaphore_mem>>
          %dma_wait3A_111 = tpu.memref_squeeze %dma_wait3A_110 : memref<1x!tpu.dma_semaphore, #tpu.memory_space<semaphore_mem>> -> memref<!tpu.dma_semaphore, #tpu.memory_space<semaphore_mem>>
          tpu.wait_indirect_dma semaphore(%dma_wait3A_111 : memref<!tpu.dma_semaphore, #tpu.memory_space<semaphore_mem>>) src(%dma_wait3A_109 : memref<10240x128xf32, #tpu.memory_space<hbm>>) dst(%dma_wait3A_103 : memref<128x128xf32, #tpu.memory_space<vmem>>)
        } else {
        }
        %scan3A_91 = arith.constant 0 : i32
        scf.yield %scan3A_91 : i32
      }
      %scan3A_74 = arith.constant 2 : i32
      %scan3A_75 = arith.constant 0 : i32
      %scan3A_76 = arith.constant 0 : i32
      %scan3A_77 = arith.constant 2 : i32
      %scan3A_78 = arith.addi %scan3A_76, %scan3A_77 : i32
      %scan3A_79 = arith.constant 1 : i32
      %scan3A_80 = scf.for %scan3A_83 = %scan3A_76 to %scan3A_78 step %scan3A_79 iter_args(%scan3A_84 = %scan3A_75) -> (i32)  : i32 {
        %mul3A_85 = arith.constant 48 : i32
        %mul3A_86 = arith.muli %scan3A_48, %mul3A_85 : i32
        %add3A_87 = arith.constant 46 : i32
        %add3A_88 = arith.addi %mul3A_86, %add3A_87 : i32
        %add3A_89 = arith.addi %add3A_88, %scan3A_83 : i32
        %lt3A = arith.cmpi slt, %add3A_89, %select_n3A : i32
        %convert_element_type3A = arith.extui %lt3A : i1 to i32
        %cond3A = arith.constant 0 : i32
        %cond3A_90 = arith.cmpi ne, %convert_element_type3A, %cond3A : i32
        scf.if %cond3A_90 {
          %add3A_92 = arith.constant 46 : i32
          %add3A_93 = arith.addi %add3A_92, %scan3A_83 : i32
          %rem3A_94 = arith.constant 4 : i32
          %rem3A_95 = arith.remsi %add3A_93, %rem3A_94 : i32
          %add3A_96 = arith.constant 46 : i32
          %add3A_97 = arith.addi %add3A_96, %scan3A_83 : i32
          "tpu.region"() ({
            %run_scoped3A = tpu.sem_alloc : memref<!tpu.dma_semaphore, #tpu.memory_space<semaphore_mem>>
            %dma_start3A = arith.constant 0 : i32
            %dma_start3A_98 = arith.constant 0 : i32
            %dma_start3A_99 = tpu.memref_slice %arg9[%rem3A_95, %dma_start3A, %dma_start3A_98] : memref<4x128x128xf32, #tpu.memory_space<vmem>> -> memref<1x128x128xf32, #tpu.memory_space<vmem>>
            %dma_start3A_100 = tpu.memref_squeeze %dma_start3A_99 : memref<1x128x128xf32, #tpu.memory_space<vmem>> -> memref<128x128xf32, #tpu.memory_space<vmem>>
            %dma_start3A_101 = arith.constant 0 : i32
            %dma_start3A_102 = tpu.memref_slice %arg8[%add3A_97, %dma_start3A_101] : memref<48x128xi32, #tpu.memory_space<vmem>> -> memref<1x128xi32, #tpu.memory_space<vmem>>
            %dma_start3A_103 = tpu.memref_squeeze %dma_start3A_102 : memref<1x128xi32, #tpu.memory_space<vmem>> -> memref<128xi32, #tpu.memory_space<vmem>>
            %dma_start3A_104 = arith.constant 0 : i32
            %dma_start3A_105 = arith.constant 0 : i32
            %dma_start3A_106 = tpu.memref_slice %arg12[%dma_start3A_104, %dma_start3A_105] : memref<5248x128xf32, #tpu.memory_space<vmem_shared>> -> memref<5248x128xf32, #tpu.memory_space<vmem_shared>>
            tpu.enqueue_indirect_dma source(%dma_start3A_100 : memref<128x128xf32, #tpu.memory_space<vmem>>) target(%dma_start3A_106 : memref<5248x128xf32, #tpu.memory_space<vmem_shared>>) offsets(%dma_start3A_103 : memref<128xi32, #tpu.memory_space<vmem>>) semaphore(%run_scoped3A : memref<!tpu.dma_semaphore, #tpu.memory_space<semaphore_mem>>) {add = true}
            %dma_wait3A = arith.constant 0 : i32
            %dma_wait3A_107 = arith.constant 0 : i32
            %dma_wait3A_108 = tpu.memref_slice %arg9[%rem3A_95, %dma_wait3A, %dma_wait3A_107] : memref<4x128x128xf32, #tpu.memory_space<vmem>> -> memref<1x128x128xf32, #tpu.memory_space<vmem>>
            %dma_wait3A_109 = tpu.memref_squeeze %dma_wait3A_108 : memref<1x128x128xf32, #tpu.memory_space<vmem>> -> memref<128x128xf32, #tpu.memory_space<vmem>>
            %dma_wait3A_110 = arith.constant 0 : i32
            %dma_wait3A_111 = tpu.memref_slice %arg8[%add3A_97, %dma_wait3A_110] : memref<48x128xi32, #tpu.memory_space<vmem>> -> memref<1x128xi32, #tpu.memory_space<vmem>>
            %dma_wait3A_112 = tpu.memref_squeeze %dma_wait3A_111 : memref<1x128xi32, #tpu.memory_space<vmem>> -> memref<128xi32, #tpu.memory_space<vmem>>
            %dma_wait3A_113 = arith.constant 0 : i32
            %dma_wait3A_114 = arith.constant 0 : i32
            %dma_wait3A_115 = tpu.memref_slice %arg12[%dma_wait3A_113, %dma_wait3A_114] : memref<5248x128xf32, #tpu.memory_space<vmem_shared>> -> memref<5248x128xf32, #tpu.memory_space<vmem_shared>>
            tpu.wait_indirect_dma semaphore(%run_scoped3A : memref<!tpu.dma_semaphore, #tpu.memory_space<semaphore_mem>>) src(%dma_wait3A_109 : memref<128x128xf32, #tpu.memory_space<vmem>>) dst(%dma_wait3A_115 : memref<5248x128xf32, #tpu.memory_space<vmem_shared>>)
            tpu.yield
          }) : () -> ()
        } else {
        }
        %scan3A_91 = arith.constant 0 : i32
        scf.yield %scan3A_91 : i32
      }
      %scan3A_81 = arith.constant 2 : i32
      %scan3A_82 = arith.constant 0 : i32
      scf.yield %scan3A_82 : i32
    }
    %scan3A_42 = arith.constant 2 : i32
    %barrier3A_43 = arith.constant 0 : index
    tpu.barrier barrier_id(%barrier3A_43)
    %mul3A_44 = arith.constant 320 : i32
    %mul3A_45 = arith.muli %arg1, %mul3A_44 : i32
    %mul3A_46 = arith.constant 320 : i32
    %mul3A_47 = arith.muli %arg1, %mul3A_46 : i32
    "tpu.region"() ({
      %run_scoped3A = tpu.sem_alloc : memref<!tpu.dma_semaphore, #tpu.memory_space<semaphore_mem>>
      %dma_start3A = arith.constant 0 : i32
      %dma_start3A_48 = tpu.memref_slice %arg6[%arg0, %mul3A_47, %dma_start3A] : memref<2x5120x128xf32, #tpu.memory_space<hbm>> -> memref<1x320x128xf32, #tpu.memory_space<hbm>>
      %dma_start3A_49 = tpu.memref_squeeze %dma_start3A_48 : memref<1x320x128xf32, #tpu.memory_space<hbm>> -> memref<320x128xf32, #tpu.memory_space<hbm>>
      %dma_start3A_50 = arith.constant 0 : i32
      %dma_start3A_51 = tpu.memref_slice %arg12[%mul3A_45, %dma_start3A_50] : memref<5248x128xf32, #tpu.memory_space<vmem_shared>> -> memref<320x128xf32, #tpu.memory_space<vmem_shared>>
      tpu.enqueue_dma source(%dma_start3A_51 : memref<320x128xf32, #tpu.memory_space<vmem_shared>>) target(%dma_start3A_49 : memref<320x128xf32, #tpu.memory_space<hbm>>) target_semaphore(%run_scoped3A : memref<!tpu.dma_semaphore, #tpu.memory_space<semaphore_mem>>)
      %dma_wait3A = arith.constant 0 : i32
      %dma_wait3A_52 = tpu.memref_slice %arg6[%arg0, %mul3A_47, %dma_wait3A] : memref<2x5120x128xf32, #tpu.memory_space<hbm>> -> memref<1x320x128xf32, #tpu.memory_space<hbm>>
      %dma_wait3A_53 = tpu.memref_squeeze %dma_wait3A_52 : memref<1x320x128xf32, #tpu.memory_space<hbm>> -> memref<320x128xf32, #tpu.memory_space<hbm>>
      %dma_wait3A_54 = arith.constant 0 : i32
      %dma_wait3A_55 = tpu.memref_slice %arg12[%mul3A_45, %dma_wait3A_54] : memref<5248x128xf32, #tpu.memory_space<vmem_shared>> -> memref<320x128xf32, #tpu.memory_space<vmem_shared>>
      tpu.wait_dma2 semaphore(%run_scoped3A : memref<!tpu.dma_semaphore, #tpu.memory_space<semaphore_mem>>) src(%dma_wait3A_55 : memref<320x128xf32, #tpu.memory_space<vmem_shared>>) dst(%dma_wait3A_53 : memref<320x128xf32, #tpu.memory_space<hbm>>)
      tpu.yield
    }) : () -> ()
    return
  }
}

#map = affine_map<(d0, d1) -> (0, 0)>
#map1 = affine_map<(d0, d1) -> (0, 0, 0)>
module attributes {stable_mosaic.version = 14 : i64} {
  func.func @_scatter_body(%arg0: i32, %arg1: i32, %arg2: memref<10240x128xf32, #tpu.memory_space<hbm>>, %arg3: memref<32x96x128xi32, #tpu.memory_space<hbm>>, %arg4: memref<32x96x128xi32, #tpu.memory_space<hbm>>, %arg5: memref<2x16x16xi32, #tpu.memory_space<hbm>>, %arg6: memref<2x5120x128xf32, #tpu.memory_space<hbm>>, %arg7: memref<48x128xi32, #tpu.memory_space<vmem>>, %arg8: memref<48x128xi32, #tpu.memory_space<vmem>>, %arg9: memref<4x128x128xf32, #tpu.memory_space<vmem>>, %arg10: memref<64x128xf32, #tpu.memory_space<vmem>>, %arg11: memref<16xi32, #tpu.memory_space<vmem>>, %arg12: memref<5248x128xf32, #tpu.memory_space<vmem_shared>>, %arg13: memref<2x!tpu.dma_semaphore, #tpu.memory_space<semaphore_mem>>) attributes {dimension_semantics = [#tpu.dimension_semantics<core_parallel>, #tpu.dimension_semantics<subcore_parallel>], iteration_bounds = array<i64: 2, 16>, scalar_prefetch = 0 : i64, scratch_operands = 7 : i64, tpu.core_type = #tpu.core_type<sc_vector_subcore>, window_params = [{transform_indices = #map}, {transform_indices = #map1}, {transform_indices = #map1}, {transform_indices = #map1}, {transform_indices = #map1}]} {
    %mul3A = arith.constant 16 : i32
    %mul3A_0 = arith.muli %arg0, %mul3A : i32
    %add3A = arith.addi %mul3A_0, %arg1 : i32
    "tpu.region"() ({
      %run_scoped3A = tpu.sem_alloc : memref<!tpu.dma_semaphore, #tpu.memory_space<semaphore_mem>>
      %dma_start3A = arith.constant 0 : i32
      %dma_start3A_48 = tpu.memref_slice %arg5[%arg0, %arg1, %dma_start3A] : memref<2x16x16xi32, #tpu.memory_space<hbm>> -> memref<1x1x16xi32, #tpu.memory_space<hbm>>
      %dma_start3A_49 = tpu.memref_squeeze %dma_start3A_48 : memref<1x1x16xi32, #tpu.memory_space<hbm>> -> memref<16xi32, #tpu.memory_space<hbm>>
      %dma_start3A_50 = arith.constant 0 : i32
      %dma_start3A_51 = tpu.memref_slice %arg5[%arg0, %arg1, %dma_start3A_50] : memref<2x16x16xi32, #tpu.memory_space<hbm>> -> memref<1x1x16xi32, #tpu.memory_space<hbm>>
      %dma_start3A_52 = tpu.memref_squeeze %dma_start3A_51 : memref<1x1x16xi32, #tpu.memory_space<hbm>> -> memref<16xi32, #tpu.memory_space<hbm>>
      tpu.enqueue_dma source(%dma_start3A_52 : memref<16xi32, #tpu.memory_space<hbm>>) target(%arg11 : memref<16xi32, #tpu.memory_space<vmem>>) target_semaphore(%run_scoped3A : memref<!tpu.dma_semaphore, #tpu.memory_space<semaphore_mem>>)
      %dma_wait3A = arith.constant 0 : i32
      %dma_wait3A_53 = tpu.memref_slice %arg5[%arg0, %arg1, %dma_wait3A] : memref<2x16x16xi32, #tpu.memory_space<hbm>> -> memref<1x1x16xi32, #tpu.memory_space<hbm>>
      %dma_wait3A_54 = tpu.memref_squeeze %dma_wait3A_53 : memref<1x1x16xi32, #tpu.memory_space<hbm>> -> memref<16xi32, #tpu.memory_space<hbm>>
      %dma_wait3A_55 = arith.constant 0 : i32
      %dma_wait3A_56 = tpu.memref_slice %arg5[%arg0, %arg1, %dma_wait3A_55] : memref<2x16x16xi32, #tpu.memory_space<hbm>> -> memref<1x1x16xi32, #tpu.memory_space<hbm>>
      %dma_wait3A_57 = tpu.memref_squeeze %dma_wait3A_56 : memref<1x1x16xi32, #tpu.memory_space<hbm>> -> memref<16xi32, #tpu.memory_space<hbm>>
      tpu.wait_dma2 semaphore(%run_scoped3A : memref<!tpu.dma_semaphore, #tpu.memory_space<semaphore_mem>>) src(%dma_wait3A_57 : memref<16xi32, #tpu.memory_space<hbm>>) dst(%arg11 : memref<16xi32, #tpu.memory_space<vmem>>)
      tpu.yield
    }) : () -> ()
    %get3A = arith.constant 0 : index
    %get3A_1 = tpu.vector_load %arg11[%get3A] {strides = array<i32>} : memref<16xi32, #tpu.memory_space<vmem>>, vector<16xi32>,
    %get3A_2 = vector.shape_cast %get3A_1 : vector<16xi32> to vector<16xi32>
    %slice3A = vector.extract_strided_slice %get3A_2 {offsets = [0], sizes = [1], strides = [1]} : vector<16xi32> to vector<1xi32>
    %squeeze3A = vector.extract %slice3A[0] : i32 from vector<1xi32>
    %add3A_3 = arith.constant 128 : i32
    %add3A_4 = arith.addi %squeeze3A, %add3A_3 : i32
    %sub3A = arith.constant 1 : i32
    %sub3A_5 = arith.subi %add3A_4, %sub3A : i32
    %jit3A = arith.constant 128 : i32
    %div3A = arith.divsi %sub3A_5, %jit3A : i32
    %sign3A = arith.constant 0 : i32
    %sign3A_6 = arith.cmpi sgt, %sub3A_5, %sign3A : i32
    %sign3A_7 = arith.extui %sign3A_6 : i1 to i32
    %sign3A_8 = arith.constant 0 : i32
    %sign3A_9 = arith.cmpi slt, %sub3A_5, %sign3A_8 : i32
    %sign3A_10 = arith.extui %sign3A_9 : i1 to i32
    %sign3A_11 = arith.subi %sign3A_7, %sign3A_10 : i32
    %sign3A_12 = arith.constant 0 : i32
    %sign3A_13 = arith.cmpi sgt, %jit3A, %sign3A_12 : i32
    %sign3A_14 = arith.extui %sign3A_13 : i1 to i32
    %sign3A_15 = arith.constant 0 : i32
    %sign3A_16 = arith.cmpi slt, %jit3A, %sign3A_15 : i32
    %sign3A_17 = arith.extui %sign3A_16 : i1 to i32
    %sign3A_18 = arith.subi %sign3A_14, %sign3A_17 : i32
    %ne3A = arith.cmpi ne, %sign3A_11, %sign3A_18 : i32
    %rem3A = arith.remsi %sub3A_5, %jit3A : i32
    %ne3A_19 = arith.constant 0 : i32
    %ne3A_20 = arith.cmpi ne, %rem3A, %ne3A_19 : i32
    %and3A = arith.andi %ne3A, %ne3A_20 : i1
    %sub3A_21 = arith.constant 1 : i32
    %sub3A_22 = arith.subi %div3A, %sub3A_21 : i32
    %select_n3A = arith.select %and3A, %sub3A_22, %div3A : i32
    %scan3A = arith.constant 0 : i32
    %scan3A_23 = arith.constant 0 : i32
    %scan3A_24 = arith.constant 64 : i32
    %scan3A_25 = arith.addi %scan3A_23, %scan3A_24 : i32
    %scan3A_26 = arith.constant 1 : i32
    %scan3A_27 = scf.for %scan3A_48 = %scan3A_23 to %scan3A_25 step %scan3A_26 iter_args(%scan3A_49 = %scan3A) -> (i32)  : i32 {
      %scan3A_50 = arith.constant 0 : i32
      %scan3A_51 = arith.constant 0 : i32
      %scan3A_52 = arith.constant 8 : i32
      %scan3A_53 = arith.addi %scan3A_51, %scan3A_52 : i32
      %scan3A_54 = arith.constant 1 : i32
      %scan3A_55 = scf.for %scan3A_57 = %scan3A_51 to %scan3A_53 step %scan3A_54 iter_args(%scan3A_58 = %scan3A_50) -> (i32)  : i32 {
        %broadcast_in_dim3A = arith.constant 0.000000e+00 : f32
        %broadcast_in_dim3A_59 = vector.broadcast %broadcast_in_dim3A : f32 to vector<16xf32>
        %mul3A_60 = arith.constant 16 : i32
        %mul3A_61 = arith.muli %scan3A_57, %mul3A_60 : i32
        %swap3A = arith.index_cast %scan3A_48 : i32 to index
        %swap3A_62 = arith.index_cast %mul3A_61 : i32 to index
        %swap3A_63 = tpu.vector_load %arg10[%swap3A, %swap3A_62] {strides = array<i32>} : memref<64x128xf32, #tpu.memory_space<vmem>>, vector<1x16xf32>,
        %swap3A_64 = vector.shape_cast %swap3A_63 : vector<1x16xf32> to vector<16xf32>
        %swap3A_65 = vector.shape_cast %broadcast_in_dim3A_59 : vector<16xf32> to vector<1x16xf32>
        tpu.vector_store %arg10[%swap3A, %swap3A_62], %swap3A_65 {strides = array<i32>} : memref<64x128xf32, #tpu.memory_space<vmem>>, vector<1x16xf32>,
        %scan3A_66 = arith.constant 0 : i32
        scf.yield %scan3A_66 : i32
      }
      %scan3A_56 = arith.constant 8 : i32
      scf.yield %scan3A_55 : i32
    }
    %scan3A_28 = arith.constant 64 : i32
    %scan3A_29 = arith.constant 0 : i32
    %scan3A_30 = arith.constant 0 : i32
    %scan3A_31 = arith.constant 5 : i32
    %scan3A_32 = arith.addi %scan3A_30, %scan3A_31 : i32
    %scan3A_33 = arith.constant 1 : i32
    %scan3A_34 = scf.for %scan3A_48 = %scan3A_30 to %scan3A_32 step %scan3A_33 iter_args(%scan3A_49 = %scan3A_29) -> (i32)  : i32 {
      %mul3A_50 = arith.constant 320 : i32
      %mul3A_51 = arith.muli %arg1, %mul3A_50 : i32
      %mul3A_52 = arith.constant 64 : i32
      %mul3A_53 = arith.muli %scan3A_48, %mul3A_52 : i32
      %add3A_54 = arith.addi %mul3A_51, %mul3A_53 : i32
      "tpu.region"() ({
        %run_scoped3A = tpu.sem_alloc : memref<!tpu.dma_semaphore, #tpu.memory_space<semaphore_mem>>
        %dma_start3A = arith.constant 0 : i32
        %dma_start3A_56 = tpu.memref_slice %arg12[%add3A_54, %dma_start3A] : memref<5248x128xf32, #tpu.memory_space<vmem_shared>> -> memref<64x128xf32, #tpu.memory_space<vmem_shared>>
        %dma_start3A_57 = arith.constant 0 : i32
        %dma_start3A_58 = tpu.memref_slice %arg12[%add3A_54, %dma_start3A_57] : memref<5248x128xf32, #tpu.memory_space<vmem_shared>> -> memref<64x128xf32, #tpu.memory_space<vmem_shared>>
        tpu.enqueue_dma source(%arg10 : memref<64x128xf32, #tpu.memory_space<vmem>>) target(%dma_start3A_58 : memref<64x128xf32, #tpu.memory_space<vmem_shared>>) target_semaphore(%run_scoped3A : memref<!tpu.dma_semaphore, #tpu.memory_space<semaphore_mem>>)
        %dma_wait3A = arith.constant 0 : i32
        %dma_wait3A_59 = tpu.memref_slice %arg12[%add3A_54, %dma_wait3A] : memref<5248x128xf32, #tpu.memory_space<vmem_shared>> -> memref<64x128xf32, #tpu.memory_space<vmem_shared>>
        %dma_wait3A_60 = arith.constant 0 : i32
        %dma_wait3A_61 = tpu.memref_slice %arg12[%add3A_54, %dma_wait3A_60] : memref<5248x128xf32, #tpu.memory_space<vmem_shared>> -> memref<64x128xf32, #tpu.memory_space<vmem_shared>>
        tpu.wait_dma2 semaphore(%run_scoped3A : memref<!tpu.dma_semaphore, #tpu.memory_space<semaphore_mem>>) src(%arg10 : memref<64x128xf32, #tpu.memory_space<vmem>>) dst(%dma_wait3A_61 : memref<64x128xf32, #tpu.memory_space<vmem_shared>>)
        tpu.yield
      }) : () -> ()
      %scan3A_55 = arith.constant 0 : i32
      scf.yield %scan3A_55 : i32
    }
    %scan3A_35 = arith.constant 5 : i32
    %barrier3A = arith.constant 0 : index
    tpu.barrier barrier_id(%barrier3A)
    %scan3A_36 = arith.constant 0 : i32
    %scan3A_37 = arith.constant 0 : i32
    %scan3A_38 = arith.constant 2 : i32
    %scan3A_39 = arith.addi %scan3A_37, %scan3A_38 : i32
    %scan3A_40 = arith.constant 1 : i32
    %scan3A_41 = scf.for %scan3A_48 = %scan3A_37 to %scan3A_39 step %scan3A_40 iter_args(%scan3A_49 = %scan3A_36) -> (i32)  : i32 {
      %mul3A_50 = arith.constant 48 : i32
      %mul3A_51 = arith.muli %scan3A_48, %mul3A_50 : i32
      "tpu.region"() ({
        %run_scoped3A = tpu.sem_alloc : memref<!tpu.dma_semaphore, #tpu.memory_space<semaphore_mem>>
        %dma_start3A = arith.constant 0 : i32
        %dma_start3A_83 = tpu.memref_slice %arg3[%add3A, %mul3A_51, %dma_start3A] : memref<32x96x128xi32, #tpu.memory_space<hbm>> -> memref<1x48x128xi32, #tpu.memory_space<hbm>>
        %dma_start3A_84 = tpu.memref_squeeze %dma_start3A_83 : memref<1x48x128xi32, #tpu.memory_space<hbm>> -> memref<48x128xi32, #tpu.memory_space<hbm>>
        %dma_start3A_85 = arith.constant 0 : i32
        %dma_start3A_86 = tpu.memref_slice %arg3[%add3A, %mul3A_51, %dma_start3A_85] : memref<32x96x128xi32, #tpu.memory_space<hbm>> -> memref<1x48x128xi32, #tpu.memory_space<hbm>>
        %dma_start3A_87 = tpu.memref_squeeze %dma_start3A_86 : memref<1x48x128xi32, #tpu.memory_space<hbm>> -> memref<48x128xi32, #tpu.memory_space<hbm>>
        tpu.enqueue_dma source(%dma_start3A_87 : memref<48x128xi32, #tpu.memory_space<hbm>>) target(%arg7 : memref<48x128xi32, #tpu.memory_space<vmem>>) target_semaphore(%run_scoped3A : memref<!tpu.dma_semaphore, #tpu.memory_space<semaphore_mem>>)
        %dma_wait3A = arith.constant 0 : i32
        %dma_wait3A_88 = tpu.memref_slice %arg3[%add3A, %mul3A_51, %dma_wait3A] : memref<32x96x128xi32, #tpu.memory_space<hbm>> -> memref<1x48x128xi32, #tpu.memory_space<hbm>>
        %dma_wait3A_89 = tpu.memref_squeeze %dma_wait3A_88 : memref<1x48x128xi32, #tpu.memory_space<hbm>> -> memref<48x128xi32, #tpu.memory_space<hbm>>
        %dma_wait3A_90 = arith.constant 0 : i32
        %dma_wait3A_91 = tpu.memref_slice %arg3[%add3A, %mul3A_51, %dma_wait3A_90] : memref<32x96x128xi32, #tpu.memory_space<hbm>> -> memref<1x48x128xi32, #tpu.memory_space<hbm>>
        %dma_wait3A_92 = tpu.memref_squeeze %dma_wait3A_91 : memref<1x48x128xi32, #tpu.memory_space<hbm>> -> memref<48x128xi32, #tpu.memory_space<hbm>>
        tpu.wait_dma2 semaphore(%run_scoped3A : memref<!tpu.dma_semaphore, #tpu.memory_space<semaphore_mem>>) src(%dma_wait3A_92 : memref<48x128xi32, #tpu.memory_space<hbm>>) dst(%arg7 : memref<48x128xi32, #tpu.memory_space<vmem>>)
        tpu.yield
      }) : () -> ()
      %mul3A_52 = arith.constant 48 : i32
      %mul3A_53 = arith.muli %scan3A_48, %mul3A_52 : i32
      "tpu.region"() ({
        %run_scoped3A = tpu.sem_alloc : memref<!tpu.dma_semaphore, #tpu.memory_space<semaphore_mem>>
        %dma_start3A = arith.constant 0 : i32
        %dma_start3A_83 = tpu.memref_slice %arg4[%add3A, %mul3A_53, %dma_start3A] : memref<32x96x128xi32, #tpu.memory_space<hbm>> -> memref<1x48x128xi32, #tpu.memory_space<hbm>>
        %dma_start3A_84 = tpu.memref_squeeze %dma_start3A_83 : memref<1x48x128xi32, #tpu.memory_space<hbm>> -> memref<48x128xi32, #tpu.memory_space<hbm>>
        %dma_start3A_85 = arith.constant 0 : i32
        %dma_start3A_86 = tpu.memref_slice %arg4[%add3A, %mul3A_53, %dma_start3A_85] : memref<32x96x128xi32, #tpu.memory_space<hbm>> -> memref<1x48x128xi32, #tpu.memory_space<hbm>>
        %dma_start3A_87 = tpu.memref_squeeze %dma_start3A_86 : memref<1x48x128xi32, #tpu.memory_space<hbm>> -> memref<48x128xi32, #tpu.memory_space<hbm>>
        tpu.enqueue_dma source(%dma_start3A_87 : memref<48x128xi32, #tpu.memory_space<hbm>>) target(%arg8 : memref<48x128xi32, #tpu.memory_space<vmem>>) target_semaphore(%run_scoped3A : memref<!tpu.dma_semaphore, #tpu.memory_space<semaphore_mem>>)
        %dma_wait3A = arith.constant 0 : i32
        %dma_wait3A_88 = tpu.memref_slice %arg4[%add3A, %mul3A_53, %dma_wait3A] : memref<32x96x128xi32, #tpu.memory_space<hbm>> -> memref<1x48x128xi32, #tpu.memory_space<hbm>>
        %dma_wait3A_89 = tpu.memref_squeeze %dma_wait3A_88 : memref<1x48x128xi32, #tpu.memory_space<hbm>> -> memref<48x128xi32, #tpu.memory_space<hbm>>
        %dma_wait3A_90 = arith.constant 0 : i32
        %dma_wait3A_91 = tpu.memref_slice %arg4[%add3A, %mul3A_53, %dma_wait3A_90] : memref<32x96x128xi32, #tpu.memory_space<hbm>> -> memref<1x48x128xi32, #tpu.memory_space<hbm>>
        %dma_wait3A_92 = tpu.memref_squeeze %dma_wait3A_91 : memref<1x48x128xi32, #tpu.memory_space<hbm>> -> memref<48x128xi32, #tpu.memory_space<hbm>>
        tpu.wait_dma2 semaphore(%run_scoped3A : memref<!tpu.dma_semaphore, #tpu.memory_space<semaphore_mem>>) src(%dma_wait3A_92 : memref<48x128xi32, #tpu.memory_space<hbm>>) dst(%arg8 : memref<48x128xi32, #tpu.memory_space<vmem>>)
        tpu.yield
      }) : () -> ()
      %scan3A_54 = arith.constant 0 : i32
      %scan3A_55 = arith.constant 0 : i32
      %scan3A_56 = arith.constant 2 : i32
      %scan3A_57 = arith.addi %scan3A_55, %scan3A_56 : i32
      %scan3A_58 = arith.constant 1 : i32
      %scan3A_59 = scf.for %scan3A_83 = %scan3A_55 to %scan3A_57 step %scan3A_58 iter_args(%scan3A_84 = %scan3A_54) -> (i32)  : i32 {
        %mul3A_85 = arith.constant 48 : i32
        %mul3A_86 = arith.muli %scan3A_48, %mul3A_85 : i32
        %add3A_87 = arith.constant 0 : i32
        %add3A_88 = arith.addi %mul3A_86, %add3A_87 : i32
        %add3A_89 = arith.addi %add3A_88, %scan3A_83 : i32
        %lt3A = arith.cmpi slt, %add3A_89, %select_n3A : i32
        %convert_element_type3A = arith.extui %lt3A : i1 to i32
        %cond3A = arith.constant 0 : i32
        %cond3A_90 = arith.cmpi ne, %convert_element_type3A, %cond3A : i32
        scf.if %cond3A_90 {
          %add3A_92 = arith.constant 0 : i32
          %add3A_93 = arith.addi %add3A_92, %scan3A_83 : i32
          %add3A_94 = arith.constant 0 : i32
          %add3A_95 = arith.addi %add3A_94, %scan3A_83 : i32
          %rem3A_96 = arith.constant 4 : i32
          %rem3A_97 = arith.remsi %add3A_95, %rem3A_96 : i32
          %rem3A_98 = arith.constant 0 : i32
          %rem3A_99 = arith.constant 2 : i32
          %rem3A_100 = arith.remsi %rem3A_98, %rem3A_99 : i32
          %dma_start3A = arith.constant 0 : i32
          %dma_start3A_101 = arith.constant 0 : i32
          %dma_start3A_102 = tpu.memref_slice %arg9[%rem3A_97, %dma_start3A, %dma_start3A_101] : memref<4x128x128xf32, #tpu.memory_space<vmem>> -> memref<1x128x128xf32, #tpu.memory_space<vmem>>
          %dma_start3A_103 = tpu.memref_squeeze %dma_start3A_102 : memref<1x128x128xf32, #tpu.memory_space<vmem>> -> memref<128x128xf32, #tpu.memory_space<vmem>>
          %dma_start3A_104 = arith.constant 0 : i32
          %dma_start3A_105 = tpu.memref_slice %arg7[%add3A_93, %dma_start3A_104] : memref<48x128xi32, #tpu.memory_space<vmem>> -> memref<1x128xi32, #tpu.memory_space<vmem>>
          %dma_start3A_106 = tpu.memref_squeeze %dma_start3A_105 : memref<1x128xi32, #tpu.memory_space<vmem>> -> memref<128xi32, #tpu.memory_space<vmem>>
          %dma_start3A_107 = arith.constant 0 : i32
          %dma_start3A_108 = arith.constant 0 : i32
          %dma_start3A_109 = tpu.memref_slice %arg2[%dma_start3A_107, %dma_start3A_108] : memref<10240x128xf32, #tpu.memory_space<hbm>> -> memref<10240x128xf32, #tpu.memory_space<hbm>>
          %dma_start3A_110 = tpu.memref_slice %arg13[%rem3A_100] : memref<2x!tpu.dma_semaphore, #tpu.memory_space<semaphore_mem>> -> memref<1x!tpu.dma_semaphore, #tpu.memory_space<semaphore_mem>>
          %dma_start3A_111 = tpu.memref_squeeze %dma_start3A_110 : memref<1x!tpu.dma_semaphore, #tpu.memory_space<semaphore_mem>> -> memref<!tpu.dma_semaphore, #tpu.memory_space<semaphore_mem>>
          tpu.enqueue_indirect_dma source(%dma_start3A_109 : memref<10240x128xf32, #tpu.memory_space<hbm>>) target(%dma_start3A_103 : memref<128x128xf32, #tpu.memory_space<vmem>>) offsets(%dma_start3A_106 : memref<128xi32, #tpu.memory_space<vmem>>) semaphore(%dma_start3A_111 : memref<!tpu.dma_semaphore, #tpu.memory_space<semaphore_mem>>)
        } else {
        }
        %scan3A_91 = arith.constant 0 : i32
        scf.yield %scan3A_91 : i32
      }
      %scan3A_60 = arith.constant 2 : i32
      %scan3A_61 = arith.constant 0 : i32
      %scan3A_62 = arith.constant 0 : i32
      %scan3A_63 = arith.constant 23 : i32
      %scan3A_64 = arith.addi %scan3A_62, %scan3A_63 : i32
      %scan3A_65 = arith.constant 1 : i32
      %scan3A_66 = scf.for %scan3A_83 = %scan3A_62 to %scan3A_64 step %scan3A_65 iter_args(%scan3A_84 = %scan3A_61) -> (i32)  : i32 {
        %add3A_85 = arith.constant 1 : i32
        %add3A_86 = arith.addi %scan3A_83, %add3A_85 : i32
        %scan3A_87 = arith.constant 0 : i32
        %scan3A_88 = arith.constant 0 : i32
        %scan3A_89 = arith.constant 2 : i32
        %scan3A_90 = arith.addi %scan3A_88, %scan3A_89 : i32
        %scan3A_91 = arith.constant 1 : i32
        %scan3A_92 = scf.for %scan3A_109 = %scan3A_88 to %scan3A_90 step %scan3A_91 iter_args(%scan3A_110 = %scan3A_87) -> (i32)  : i32 {
          %mul3A_111 = arith.constant 48 : i32
          %mul3A_112 = arith.muli %scan3A_48, %mul3A_111 : i32
          %mul3A_113 = arith.constant 2 : i32
          %mul3A_114 = arith.muli %add3A_86, %mul3A_113 : i32
          %add3A_115 = arith.addi %mul3A_112, %mul3A_114 : i32
          %add3A_116 = arith.addi %add3A_115, %scan3A_109 : i32
          %lt3A = arith.cmpi slt, %add3A_116, %select_n3A : i32
          %convert_element_type3A = arith.extui %lt3A : i1 to i32
          %cond3A = arith.constant 0 : i32
          %cond3A_117 = arith.cmpi ne, %convert_element_type3A, %cond3A : i32
          scf.if %cond3A_117 {
            %mul3A_119 = arith.constant 2 : i32
            %mul3A_120 = arith.muli %add3A_86, %mul3A_119 : i32
            %add3A_121 = arith.addi %mul3A_120, %scan3A_109 : i32
            %mul3A_122 = arith.constant 2 : i32
            %mul3A_123 = arith.muli %add3A_86, %mul3A_122 : i32
            %add3A_124 = arith.addi %mul3A_123, %scan3A_109 : i32
            %rem3A_125 = arith.constant 4 : i32
            %rem3A_126 = arith.remsi %add3A_124, %rem3A_125 : i32
            %rem3A_127 = arith.constant 2 : i32
            %rem3A_128 = arith.remsi %add3A_86, %rem3A_127 : i32
            %dma_start3A = arith.constant 0 : i32
            %dma_start3A_129 = arith.constant 0 : i32
            %dma_start3A_130 = tpu.memref_slice %arg9[%rem3A_126, %dma_start3A, %dma_start3A_129] : memref<4x128x128xf32, #tpu.memory_space<vmem>> -> memref<1x128x128xf32, #tpu.memory_space<vmem>>
            %dma_start3A_131 = tpu.memref_squeeze %dma_start3A_130 : memref<1x128x128xf32, #tpu.memory_space<vmem>> -> memref<128x128xf32, #tpu.memory_space<vmem>>
            %dma_start3A_132 = arith.constant 0 : i32
            %dma_start3A_133 = tpu.memref_slice %arg7[%add3A_121, %dma_start3A_132] : memref<48x128xi32, #tpu.memory_space<vmem>> -> memref<1x128xi32, #tpu.memory_space<vmem>>
            %dma_start3A_134 = tpu.memref_squeeze %dma_start3A_133 : memref<1x128xi32, #tpu.memory_space<vmem>> -> memref<128xi32, #tpu.memory_space<vmem>>
            %dma_start3A_135 = arith.constant 0 : i32
            %dma_start3A_136 = arith.constant 0 : i32
            %dma_start3A_137 = tpu.memref_slice %arg2[%dma_start3A_135, %dma_start3A_136] : memref<10240x128xf32, #tpu.memory_space<hbm>> -> memref<10240x128xf32, #tpu.memory_space<hbm>>
            %dma_start3A_138 = tpu.memref_slice %arg13[%rem3A_128] : memref<2x!tpu.dma_semaphore, #tpu.memory_space<semaphore_mem>> -> memref<1x!tpu.dma_semaphore, #tpu.memory_space<semaphore_mem>>
            %dma_start3A_139 = tpu.memref_squeeze %dma_start3A_138 : memref<1x!tpu.dma_semaphore, #tpu.memory_space<semaphore_mem>> -> memref<!tpu.dma_semaphore, #tpu.memory_space<semaphore_mem>>
            tpu.enqueue_indirect_dma source(%dma_start3A_137 : memref<10240x128xf32, #tpu.memory_space<hbm>>) target(%dma_start3A_131 : memref<128x128xf32, #tpu.memory_space<vmem>>) offsets(%dma_start3A_134 : memref<128xi32, #tpu.memory_space<vmem>>) semaphore(%dma_start3A_139 : memref<!tpu.dma_semaphore, #tpu.memory_space<semaphore_mem>>)
          } else {
          }
          %scan3A_118 = arith.constant 0 : i32
          scf.yield %scan3A_118 : i32
        }
        %scan3A_93 = arith.constant 2 : i32
        %scan3A_94 = arith.constant 0 : i32
        %scan3A_95 = arith.constant 0 : i32
        %scan3A_96 = arith.constant 2 : i32
        %scan3A_97 = arith.addi %scan3A_95, %scan3A_96 : i32
        %scan3A_98 = arith.constant 1 : i32
        %scan3A_99 = scf.for %scan3A_109 = %scan3A_95 to %scan3A_97 step %scan3A_98 iter_args(%scan3A_110 = %scan3A_94) -> (i32)  : i32 {
          %mul3A_111 = arith.constant 48 : i32
          %mul3A_112 = arith.muli %scan3A_48, %mul3A_111 : i32
          %mul3A_113 = arith.constant 2 : i32
          %mul3A_114 = arith.muli %scan3A_83, %mul3A_113 : i32
          %add3A_115 = arith.addi %mul3A_112, %mul3A_114 : i32
          %add3A_116 = arith.addi %add3A_115, %scan3A_109 : i32
          %lt3A = arith.cmpi slt, %add3A_116, %select_n3A : i32
          %convert_element_type3A = arith.extui %lt3A : i1 to i32
          %cond3A = arith.constant 0 : i32
          %cond3A_117 = arith.cmpi ne, %convert_element_type3A, %cond3A : i32
          scf.if %cond3A_117 {
            %mul3A_119 = arith.constant 2 : i32
            %mul3A_120 = arith.muli %scan3A_83, %mul3A_119 : i32
            %add3A_121 = arith.addi %mul3A_120, %scan3A_109 : i32
            %mul3A_122 = arith.constant 2 : i32
            %mul3A_123 = arith.muli %scan3A_83, %mul3A_122 : i32
            %add3A_124 = arith.addi %mul3A_123, %scan3A_109 : i32
            %rem3A_125 = arith.constant 4 : i32
            %rem3A_126 = arith.remsi %add3A_124, %rem3A_125 : i32
            %rem3A_127 = arith.constant 2 : i32
            %rem3A_128 = arith.remsi %scan3A_83, %rem3A_127 : i32
            %dma_wait3A = arith.constant 0 : i32
            %dma_wait3A_129 = arith.constant 0 : i32
            %dma_wait3A_130 = tpu.memref_slice %arg9[%rem3A_126, %dma_wait3A, %dma_wait3A_129] : memref<4x128x128xf32, #tpu.memory_space<vmem>> -> memref<1x128x128xf32, #tpu.memory_space<vmem>>
            %dma_wait3A_131 = tpu.memref_squeeze %dma_wait3A_130 : memref<1x128x128xf32, #tpu.memory_space<vmem>> -> memref<128x128xf32, #tpu.memory_space<vmem>>
            %dma_wait3A_132 = arith.constant 0 : i32
            %dma_wait3A_133 = tpu.memref_slice %arg7[%add3A_121, %dma_wait3A_132] : memref<48x128xi32, #tpu.memory_space<vmem>> -> memref<1x128xi32, #tpu.memory_space<vmem>>
            %dma_wait3A_134 = tpu.memref_squeeze %dma_wait3A_133 : memref<1x128xi32, #tpu.memory_space<vmem>> -> memref<128xi32, #tpu.memory_space<vmem>>
            %dma_wait3A_135 = arith.constant 0 : i32
            %dma_wait3A_136 = arith.constant 0 : i32
            %dma_wait3A_137 = tpu.memref_slice %arg2[%dma_wait3A_135, %dma_wait3A_136] : memref<10240x128xf32, #tpu.memory_space<hbm>> -> memref<10240x128xf32, #tpu.memory_space<hbm>>
            %dma_wait3A_138 = tpu.memref_slice %arg13[%rem3A_128] : memref<2x!tpu.dma_semaphore, #tpu.memory_space<semaphore_mem>> -> memref<1x!tpu.dma_semaphore, #tpu.memory_space<semaphore_mem>>
            %dma_wait3A_139 = tpu.memref_squeeze %dma_wait3A_138 : memref<1x!tpu.dma_semaphore, #tpu.memory_space<semaphore_mem>> -> memref<!tpu.dma_semaphore, #tpu.memory_space<semaphore_mem>>
            tpu.wait_indirect_dma semaphore(%dma_wait3A_139 : memref<!tpu.dma_semaphore, #tpu.memory_space<semaphore_mem>>) src(%dma_wait3A_137 : memref<10240x128xf32, #tpu.memory_space<hbm>>) dst(%dma_wait3A_131 : memref<128x128xf32, #tpu.memory_space<vmem>>)
          } else {
          }
          %scan3A_118 = arith.constant 0 : i32
          scf.yield %scan3A_118 : i32
        }
        %scan3A_100 = arith.constant 2 : i32
        %scan3A_101 = arith.constant 0 : i32
        %scan3A_102 = arith.constant 0 : i32
        %scan3A_103 = arith.constant 2 : i32
        %scan3A_104 = arith.addi %scan3A_102, %scan3A_103 : i32
        %scan3A_105 = arith.constant 1 : i32
        %scan3A_106 = scf.for %scan3A_109 = %scan3A_102 to %scan3A_104 step %scan3A_105 iter_args(%scan3A_110 = %scan3A_101) -> (i32)  : i32 {
          %mul3A_111 = arith.constant 48 : i32
          %mul3A_112 = arith.muli %scan3A_48, %mul3A_111 : i32
          %mul3A_113 = arith.constant 2 : i32
          %mul3A_114 = arith.muli %scan3A_83, %mul3A_113 : i32
          %add3A_115 = arith.addi %mul3A_112, %mul3A_114 : i32
          %add3A_116 = arith.addi %add3A_115, %scan3A_109 : i32
          %lt3A = arith.cmpi slt, %add3A_116, %select_n3A : i32
          %convert_element_type3A = arith.extui %lt3A : i1 to i32
          %cond3A = arith.constant 0 : i32
          %cond3A_117 = arith.cmpi ne, %convert_element_type3A, %cond3A : i32
          scf.if %cond3A_117 {
            %mul3A_119 = arith.constant 2 : i32
            %mul3A_120 = arith.muli %scan3A_83, %mul3A_119 : i32
            %add3A_121 = arith.addi %mul3A_120, %scan3A_109 : i32
            %rem3A_122 = arith.constant 4 : i32
            %rem3A_123 = arith.remsi %add3A_121, %rem3A_122 : i32
            %mul3A_124 = arith.constant 2 : i32
            %mul3A_125 = arith.muli %scan3A_83, %mul3A_124 : i32
            %add3A_126 = arith.addi %mul3A_125, %scan3A_109 : i32
            "tpu.region"() ({
              %run_scoped3A = tpu.sem_alloc : memref<!tpu.dma_semaphore, #tpu.memory_space<semaphore_mem>>
              %dma_start3A = arith.constant 0 : i32
              %dma_start3A_127 = arith.constant 0 : i32
              %dma_start3A_128 = tpu.memref_slice %arg9[%rem3A_123, %dma_start3A, %dma_start3A_127] : memref<4x128x128xf32, #tpu.memory_space<vmem>> -> memref<1x128x128xf32, #tpu.memory_space<vmem>>
              %dma_start3A_129 = tpu.memref_squeeze %dma_start3A_128 : memref<1x128x128xf32, #tpu.memory_space<vmem>> -> memref<128x128xf32, #tpu.memory_space<vmem>>
              %dma_start3A_130 = arith.constant 0 : i32
              %dma_start3A_131 = tpu.memref_slice %arg8[%add3A_126, %dma_start3A_130] : memref<48x128xi32, #tpu.memory_space<vmem>> -> memref<1x128xi32, #tpu.memory_space<vmem>>
              %dma_start3A_132 = tpu.memref_squeeze %dma_start3A_131 : memref<1x128xi32, #tpu.memory_space<vmem>> -> memref<128xi32, #tpu.memory_space<vmem>>
              %dma_start3A_133 = arith.constant 0 : i32
              %dma_start3A_134 = arith.constant 0 : i32
              %dma_start3A_135 = tpu.memref_slice %arg12[%dma_start3A_133, %dma_start3A_134] : memref<5248x128xf32, #tpu.memory_space<vmem_shared>> -> memref<5248x128xf32, #tpu.memory_space<vmem_shared>>
              tpu.enqueue_indirect_dma source(%dma_start3A_129 : memref<128x128xf32, #tpu.memory_space<vmem>>) target(%dma_start3A_135 : memref<5248x128xf32, #tpu.memory_space<vmem_shared>>) offsets(%dma_start3A_132 : memref<128xi32, #tpu.memory_space<vmem>>) semaphore(%run_scoped3A : memref<!tpu.dma_semaphore, #tpu.memory_space<semaphore_mem>>) {add = true}
              %dma_wait3A = arith.constant 0 : i32
              %dma_wait3A_136 = arith.constant 0 : i32
              %dma_wait3A_137 = tpu.memref_slice %arg9[%rem3A_123, %dma_wait3A, %dma_wait3A_136] : memref<4x128x128xf32, #tpu.memory_space<vmem>> -> memref<1x128x128xf32, #tpu.memory_space<vmem>>
              %dma_wait3A_138 = tpu.memref_squeeze %dma_wait3A_137 : memref<1x128x128xf32, #tpu.memory_space<vmem>> -> memref<128x128xf32, #tpu.memory_space<vmem>>
              %dma_wait3A_139 = arith.constant 0 : i32
              %dma_wait3A_140 = tpu.memref_slice %arg8[%add3A_126, %dma_wait3A_139] : memref<48x128xi32, #tpu.memory_space<vmem>> -> memref<1x128xi32, #tpu.memory_space<vmem>>
              %dma_wait3A_141 = tpu.memref_squeeze %dma_wait3A_140 : memref<1x128xi32, #tpu.memory_space<vmem>> -> memref<128xi32, #tpu.memory_space<vmem>>
              %dma_wait3A_142 = arith.constant 0 : i32
              %dma_wait3A_143 = arith.constant 0 : i32
              %dma_wait3A_144 = tpu.memref_slice %arg12[%dma_wait3A_142, %dma_wait3A_143] : memref<5248x128xf32, #tpu.memory_space<vmem_shared>> -> memref<5248x128xf32, #tpu.memory_space<vmem_shared>>
              tpu.wait_indirect_dma semaphore(%run_scoped3A : memref<!tpu.dma_semaphore, #tpu.memory_space<semaphore_mem>>) src(%dma_wait3A_138 : memref<128x128xf32, #tpu.memory_space<vmem>>) dst(%dma_wait3A_144 : memref<5248x128xf32, #tpu.memory_space<vmem_shared>>)
              tpu.yield
            }) : () -> ()
          } else {
          }
          %scan3A_118 = arith.constant 0 : i32
          scf.yield %scan3A_118 : i32
        }
        %scan3A_107 = arith.constant 2 : i32
        %scan3A_108 = arith.constant 0 : i32
        scf.yield %scan3A_108 : i32
      }
      %scan3A_67 = arith.constant 23 : i32
      %scan3A_68 = arith.constant 0 : i32
      %scan3A_69 = arith.constant 0 : i32
      %scan3A_70 = arith.constant 2 : i32
      %scan3A_71 = arith.addi %scan3A_69, %scan3A_70 : i32
      %scan3A_72 = arith.constant 1 : i32
      %scan3A_73 = scf.for %scan3A_83 = %scan3A_69 to %scan3A_71 step %scan3A_72 iter_args(%scan3A_84 = %scan3A_68) -> (i32)  : i32 {
        %mul3A_85 = arith.constant 48 : i32
        %mul3A_86 = arith.muli %scan3A_48, %mul3A_85 : i32
        %add3A_87 = arith.constant 46 : i32
        %add3A_88 = arith.addi %mul3A_86, %add3A_87 : i32
        %add3A_89 = arith.addi %add3A_88, %scan3A_83 : i32
        %lt3A = arith.cmpi slt, %add3A_89, %select_n3A : i32
        %convert_element_type3A = arith.extui %lt3A : i1 to i32
        %cond3A = arith.constant 0 : i32
        %cond3A_90 = arith.cmpi ne, %convert_element_type3A, %cond3A : i32
        scf.if %cond3A_90 {
          %add3A_92 = arith.constant 46 : i32
          %add3A_93 = arith.addi %add3A_92, %scan3A_83 : i32
          %add3A_94 = arith.constant 46 : i32
          %add3A_95 = arith.addi %add3A_94, %scan3A_83 : i32
          %rem3A_96 = arith.constant 4 : i32
          %rem3A_97 = arith.remsi %add3A_95, %rem3A_96 : i32
          %rem3A_98 = arith.constant 23 : i32
          %rem3A_99 = arith.constant 2 : i32
          %rem3A_100 = arith.remsi %rem3A_98, %rem3A_99 : i32
          %dma_wait3A = arith.constant 0 : i32
          %dma_wait3A_101 = arith.constant 0 : i32
          %dma_wait3A_102 = tpu.memref_slice %arg9[%rem3A_97, %dma_wait3A, %dma_wait3A_101] : memref<4x128x128xf32, #tpu.memory_space<vmem>> -> memref<1x128x128xf32, #tpu.memory_space<vmem>>
          %dma_wait3A_103 = tpu.memref_squeeze %dma_wait3A_102 : memref<1x128x128xf32, #tpu.memory_space<vmem>> -> memref<128x128xf32, #tpu.memory_space<vmem>>
          %dma_wait3A_104 = arith.constant 0 : i32
          %dma_wait3A_105 = tpu.memref_slice %arg7[%add3A_93, %dma_wait3A_104] : memref<48x128xi32, #tpu.memory_space<vmem>> -> memref<1x128xi32, #tpu.memory_space<vmem>>
          %dma_wait3A_106 = tpu.memref_squeeze %dma_wait3A_105 : memref<1x128xi32, #tpu.memory_space<vmem>> -> memref<128xi32, #tpu.memory_space<vmem>>
          %dma_wait3A_107 = arith.constant 0 : i32
          %dma_wait3A_108 = arith.constant 0 : i32
          %dma_wait3A_109 = tpu.memref_slice %arg2[%dma_wait3A_107, %dma_wait3A_108] : memref<10240x128xf32, #tpu.memory_space<hbm>> -> memref<10240x128xf32, #tpu.memory_space<hbm>>
          %dma_wait3A_110 = tpu.memref_slice %arg13[%rem3A_100] : memref<2x!tpu.dma_semaphore, #tpu.memory_space<semaphore_mem>> -> memref<1x!tpu.dma_semaphore, #tpu.memory_space<semaphore_mem>>
          %dma_wait3A_111 = tpu.memref_squeeze %dma_wait3A_110 : memref<1x!tpu.dma_semaphore, #tpu.memory_space<semaphore_mem>> -> memref<!tpu.dma_semaphore, #tpu.memory_space<semaphore_mem>>
          tpu.wait_indirect_dma semaphore(%dma_wait3A_111 : memref<!tpu.dma_semaphore, #tpu.memory_space<semaphore_mem>>) src(%dma_wait3A_109 : memref<10240x128xf32, #tpu.memory_space<hbm>>) dst(%dma_wait3A_103 : memref<128x128xf32, #tpu.memory_space<vmem>>)
        } else {
        }
        %scan3A_91 = arith.constant 0 : i32
        scf.yield %scan3A_91 : i32
      }
      %scan3A_74 = arith.constant 2 : i32
      %scan3A_75 = arith.constant 0 : i32
      %scan3A_76 = arith.constant 0 : i32
      %scan3A_77 = arith.constant 2 : i32
      %scan3A_78 = arith.addi %scan3A_76, %scan3A_77 : i32
      %scan3A_79 = arith.constant 1 : i32
      %scan3A_80 = scf.for %scan3A_83 = %scan3A_76 to %scan3A_78 step %scan3A_79 iter_args(%scan3A_84 = %scan3A_75) -> (i32)  : i32 {
        %mul3A_85 = arith.constant 48 : i32
        %mul3A_86 = arith.muli %scan3A_48, %mul3A_85 : i32
        %add3A_87 = arith.constant 46 : i32
        %add3A_88 = arith.addi %mul3A_86, %add3A_87 : i32
        %add3A_89 = arith.addi %add3A_88, %scan3A_83 : i32
        %lt3A = arith.cmpi slt, %add3A_89, %select_n3A : i32
        %convert_element_type3A = arith.extui %lt3A : i1 to i32
        %cond3A = arith.constant 0 : i32
        %cond3A_90 = arith.cmpi ne, %convert_element_type3A, %cond3A : i32
        scf.if %cond3A_90 {
          %add3A_92 = arith.constant 46 : i32
          %add3A_93 = arith.addi %add3A_92, %scan3A_83 : i32
          %rem3A_94 = arith.constant 4 : i32
          %rem3A_95 = arith.remsi %add3A_93, %rem3A_94 : i32
          %add3A_96 = arith.constant 46 : i32
          %add3A_97 = arith.addi %add3A_96, %scan3A_83 : i32
          "tpu.region"() ({
            %run_scoped3A = tpu.sem_alloc : memref<!tpu.dma_semaphore, #tpu.memory_space<semaphore_mem>>
            %dma_start3A = arith.constant 0 : i32
            %dma_start3A_98 = arith.constant 0 : i32
            %dma_start3A_99 = tpu.memref_slice %arg9[%rem3A_95, %dma_start3A, %dma_start3A_98] : memref<4x128x128xf32, #tpu.memory_space<vmem>> -> memref<1x128x128xf32, #tpu.memory_space<vmem>>
            %dma_start3A_100 = tpu.memref_squeeze %dma_start3A_99 : memref<1x128x128xf32, #tpu.memory_space<vmem>> -> memref<128x128xf32, #tpu.memory_space<vmem>>
            %dma_start3A_101 = arith.constant 0 : i32
            %dma_start3A_102 = tpu.memref_slice %arg8[%add3A_97, %dma_start3A_101] : memref<48x128xi32, #tpu.memory_space<vmem>> -> memref<1x128xi32, #tpu.memory_space<vmem>>
            %dma_start3A_103 = tpu.memref_squeeze %dma_start3A_102 : memref<1x128xi32, #tpu.memory_space<vmem>> -> memref<128xi32, #tpu.memory_space<vmem>>
            %dma_start3A_104 = arith.constant 0 : i32
            %dma_start3A_105 = arith.constant 0 : i32
            %dma_start3A_106 = tpu.memref_slice %arg12[%dma_start3A_104, %dma_start3A_105] : memref<5248x128xf32, #tpu.memory_space<vmem_shared>> -> memref<5248x128xf32, #tpu.memory_space<vmem_shared>>
            tpu.enqueue_indirect_dma source(%dma_start3A_100 : memref<128x128xf32, #tpu.memory_space<vmem>>) target(%dma_start3A_106 : memref<5248x128xf32, #tpu.memory_space<vmem_shared>>) offsets(%dma_start3A_103 : memref<128xi32, #tpu.memory_space<vmem>>) semaphore(%run_scoped3A : memref<!tpu.dma_semaphore, #tpu.memory_space<semaphore_mem>>) {add = true}
            %dma_wait3A = arith.constant 0 : i32
            %dma_wait3A_107 = arith.constant 0 : i32
            %dma_wait3A_108 = tpu.memref_slice %arg9[%rem3A_95, %dma_wait3A, %dma_wait3A_107] : memref<4x128x128xf32, #tpu.memory_space<vmem>> -> memref<1x128x128xf32, #tpu.memory_space<vmem>>
            %dma_wait3A_109 = tpu.memref_squeeze %dma_wait3A_108 : memref<1x128x128xf32, #tpu.memory_space<vmem>> -> memref<128x128xf32, #tpu.memory_space<vmem>>
            %dma_wait3A_110 = arith.constant 0 : i32
            %dma_wait3A_111 = tpu.memref_slice %arg8[%add3A_97, %dma_wait3A_110] : memref<48x128xi32, #tpu.memory_space<vmem>> -> memref<1x128xi32, #tpu.memory_space<vmem>>
            %dma_wait3A_112 = tpu.memref_squeeze %dma_wait3A_111 : memref<1x128xi32, #tpu.memory_space<vmem>> -> memref<128xi32, #tpu.memory_space<vmem>>
            %dma_wait3A_113 = arith.constant 0 : i32
            %dma_wait3A_114 = arith.constant 0 : i32
            %dma_wait3A_115 = tpu.memref_slice %arg12[%dma_wait3A_113, %dma_wait3A_114] : memref<5248x128xf32, #tpu.memory_space<vmem_shared>> -> memref<5248x128xf32, #tpu.memory_space<vmem_shared>>
            tpu.wait_indirect_dma semaphore(%run_scoped3A : memref<!tpu.dma_semaphore, #tpu.memory_space<semaphore_mem>>) src(%dma_wait3A_109 : memref<128x128xf32, #tpu.memory_space<vmem>>) dst(%dma_wait3A_115 : memref<5248x128xf32, #tpu.memory_space<vmem_shared>>)
            tpu.yield
          }) : () -> ()
        } else {
        }
        %scan3A_91 = arith.constant 0 : i32
        scf.yield %scan3A_91 : i32
      }
      %scan3A_81 = arith.constant 2 : i32
      %scan3A_82 = arith.constant 0 : i32
      scf.yield %scan3A_82 : i32
    }
    %scan3A_42 = arith.constant 2 : i32
    %barrier3A_43 = arith.constant 0 : index
    tpu.barrier barrier_id(%barrier3A_43)
    %mul3A_44 = arith.constant 320 : i32
    %mul3A_45 = arith.muli %arg1, %mul3A_44 : i32
    %mul3A_46 = arith.constant 320 : i32
    %mul3A_47 = arith.muli %arg1, %mul3A_46 : i32
    "tpu.region"() ({
      %run_scoped3A = tpu.sem_alloc : memref<!tpu.dma_semaphore, #tpu.memory_space<semaphore_mem>>
      %dma_start3A = arith.constant 0 : i32
      %dma_start3A_48 = tpu.memref_slice %arg6[%arg0, %mul3A_47, %dma_start3A] : memref<2x5120x128xf32, #tpu.memory_space<hbm>> -> memref<1x320x128xf32, #tpu.memory_space<hbm>>
      %dma_start3A_49 = tpu.memref_squeeze %dma_start3A_48 : memref<1x320x128xf32, #tpu.memory_space<hbm>> -> memref<320x128xf32, #tpu.memory_space<hbm>>
      %dma_start3A_50 = arith.constant 0 : i32
      %dma_start3A_51 = tpu.memref_slice %arg12[%mul3A_45, %dma_start3A_50] : memref<5248x128xf32, #tpu.memory_space<vmem_shared>> -> memref<320x128xf32, #tpu.memory_space<vmem_shared>>
      tpu.enqueue_dma source(%dma_start3A_51 : memref<320x128xf32, #tpu.memory_space<vmem_shared>>) target(%dma_start3A_49 : memref<320x128xf32, #tpu.memory_space<hbm>>) target_semaphore(%run_scoped3A : memref<!tpu.dma_semaphore, #tpu.memory_space<semaphore_mem>>)
      %dma_wait3A = arith.constant 0 : i32
      %dma_wait3A_52 = tpu.memref_slice %arg6[%arg0, %mul3A_47, %dma_wait3A] : memref<2x5120x128xf32, #tpu.memory_space<hbm>> -> memref<1x320x128xf32, #tpu.memory_space<hbm>>
      %dma_wait3A_53 = tpu.memref_squeeze %dma_wait3A_52 : memref<1x320x128xf32, #tpu.memory_space<hbm>> -> memref<320x128xf32, #tpu.memory_space<hbm>>
      %dma_wait3A_54 = arith.constant 0 : i32
      %dma_wait3A_55 = tpu.memref_slice %arg12[%mul3A_45, %dma_wait3A_54] : memref<5248x128xf32, #tpu.memory_space<vmem_shared>> -> memref<320x128xf32, #tpu.memory_space<vmem_shared>>
      tpu.wait_dma2 semaphore(%run_scoped3A : memref<!tpu.dma_semaphore, #tpu.memory_space<semaphore_mem>>) src(%dma_wait3A_55 : memref<320x128xf32, #tpu.memory_space<vmem_shared>>) dst(%dma_wait3A_53 : memref<320x128xf32, #tpu.memory_space<hbm>>)
      tpu.yield
    }) : () -> ()
    return
  }
}

#map = affine_map<(d0, d1) -> (0, 0, 0)>
module attributes {stable_mosaic.version = 14 : i64} {
  func.func @_deg_body(%arg0: i32, %arg1: i32, %arg2: memref<32x96x128xi32, #tpu.memory_space<hbm>>, %arg3: memref<2x16x16xi32, #tpu.memory_space<hbm>>, %arg4: memref<2x5120x128xf32, #tpu.memory_space<hbm>>, %arg5: memref<96x128xi32, #tpu.memory_space<vmem>>, %arg6: memref<128x128xf32, #tpu.memory_space<vmem>>, %arg7: memref<64x128xf32, #tpu.memory_space<vmem>>, %arg8: memref<16xi32, #tpu.memory_space<vmem>>, %arg9: memref<5248x128xf32, #tpu.memory_space<vmem_shared>>) attributes {dimension_semantics = [#tpu.dimension_semantics<core_parallel>, #tpu.dimension_semantics<subcore_parallel>], iteration_bounds = array<i64: 2, 16>, scalar_prefetch = 0 : i64, scratch_operands = 5 : i64, tpu.core_type = #tpu.core_type<sc_vector_subcore>, window_params = [{transform_indices = #map}, {transform_indices = #map}, {transform_indices = #map}]} {
    %mul3A = arith.constant 16 : i32
    %mul3A_0 = arith.muli %arg0, %mul3A : i32
    %add3A = arith.addi %mul3A_0, %arg1 : i32
    "tpu.region"() ({
      %run_scoped3A = tpu.sem_alloc : memref<!tpu.dma_semaphore, #tpu.memory_space<semaphore_mem>>
      %dma_start3A = arith.constant 0 : i32
      %dma_start3A_48 = tpu.memref_slice %arg3[%arg0, %arg1, %dma_start3A] : memref<2x16x16xi32, #tpu.memory_space<hbm>> -> memref<1x1x16xi32, #tpu.memory_space<hbm>>
      %dma_start3A_49 = tpu.memref_squeeze %dma_start3A_48 : memref<1x1x16xi32, #tpu.memory_space<hbm>> -> memref<16xi32, #tpu.memory_space<hbm>>
      %dma_start3A_50 = arith.constant 0 : i32
      %dma_start3A_51 = tpu.memref_slice %arg3[%arg0, %arg1, %dma_start3A_50] : memref<2x16x16xi32, #tpu.memory_space<hbm>> -> memref<1x1x16xi32, #tpu.memory_space<hbm>>
      %dma_start3A_52 = tpu.memref_squeeze %dma_start3A_51 : memref<1x1x16xi32, #tpu.memory_space<hbm>> -> memref<16xi32, #tpu.memory_space<hbm>>
      tpu.enqueue_dma source(%dma_start3A_52 : memref<16xi32, #tpu.memory_space<hbm>>) target(%arg8 : memref<16xi32, #tpu.memory_space<vmem>>) target_semaphore(%run_scoped3A : memref<!tpu.dma_semaphore, #tpu.memory_space<semaphore_mem>>)
      %dma_wait3A = arith.constant 0 : i32
      %dma_wait3A_53 = tpu.memref_slice %arg3[%arg0, %arg1, %dma_wait3A] : memref<2x16x16xi32, #tpu.memory_space<hbm>> -> memref<1x1x16xi32, #tpu.memory_space<hbm>>
      %dma_wait3A_54 = tpu.memref_squeeze %dma_wait3A_53 : memref<1x1x16xi32, #tpu.memory_space<hbm>> -> memref<16xi32, #tpu.memory_space<hbm>>
      %dma_wait3A_55 = arith.constant 0 : i32
      %dma_wait3A_56 = tpu.memref_slice %arg3[%arg0, %arg1, %dma_wait3A_55] : memref<2x16x16xi32, #tpu.memory_space<hbm>> -> memref<1x1x16xi32, #tpu.memory_space<hbm>>
      %dma_wait3A_57 = tpu.memref_squeeze %dma_wait3A_56 : memref<1x1x16xi32, #tpu.memory_space<hbm>> -> memref<16xi32, #tpu.memory_space<hbm>>
      tpu.wait_dma2 semaphore(%run_scoped3A : memref<!tpu.dma_semaphore, #tpu.memory_space<semaphore_mem>>) src(%dma_wait3A_57 : memref<16xi32, #tpu.memory_space<hbm>>) dst(%arg8 : memref<16xi32, #tpu.memory_space<vmem>>)
      tpu.yield
    }) : () -> ()
    %get3A = arith.constant 0 : index
    %get3A_1 = tpu.vector_load %arg8[%get3A] {strides = array<i32>} : memref<16xi32, #tpu.memory_space<vmem>>, vector<16xi32>,
    %get3A_2 = vector.shape_cast %get3A_1 : vector<16xi32> to vector<16xi32>
    %slice3A = vector.extract_strided_slice %get3A_2 {offsets = [0], sizes = [1], strides = [1]} : vector<16xi32> to vector<1xi32>
    %squeeze3A = vector.extract %slice3A[0] : i32 from vector<1xi32>
    %add3A_3 = arith.constant 128 : i32
    %add3A_4 = arith.addi %squeeze3A, %add3A_3 : i32
    %sub3A = arith.constant 1 : i32
    %sub3A_5 = arith.subi %add3A_4, %sub3A : i32
    %jit3A = arith.constant 128 : i32
    %div3A = arith.divsi %sub3A_5, %jit3A : i32
    %sign3A = arith.constant 0 : i32
    %sign3A_6 = arith.cmpi sgt, %sub3A_5, %sign3A : i32
    %sign3A_7 = arith.extui %sign3A_6 : i1 to i32
    %sign3A_8 = arith.constant 0 : i32
    %sign3A_9 = arith.cmpi slt, %sub3A_5, %sign3A_8 : i32
    %sign3A_10 = arith.extui %sign3A_9 : i1 to i32
    %sign3A_11 = arith.subi %sign3A_7, %sign3A_10 : i32
    %sign3A_12 = arith.constant 0 : i32
    %sign3A_13 = arith.cmpi sgt, %jit3A, %sign3A_12 : i32
    %sign3A_14 = arith.extui %sign3A_13 : i1 to i32
    %sign3A_15 = arith.constant 0 : i32
    %sign3A_16 = arith.cmpi slt, %jit3A, %sign3A_15 : i32
    %sign3A_17 = arith.extui %sign3A_16 : i1 to i32
    %sign3A_18 = arith.subi %sign3A_14, %sign3A_17 : i32
    %ne3A = arith.cmpi ne, %sign3A_11, %sign3A_18 : i32
    %rem3A = arith.remsi %sub3A_5, %jit3A : i32
    %ne3A_19 = arith.constant 0 : i32
    %ne3A_20 = arith.cmpi ne, %rem3A, %ne3A_19 : i32
    %and3A = arith.andi %ne3A, %ne3A_20 : i1
    %sub3A_21 = arith.constant 1 : i32
    %sub3A_22 = arith.subi %div3A, %sub3A_21 : i32
    %select_n3A = arith.select %and3A, %sub3A_22, %div3A : i32
    %scan3A = arith.constant 0 : i32
    %scan3A_23 = arith.constant 0 : i32
    %scan3A_24 = arith.constant 128 : i32
    %scan3A_25 = arith.addi %scan3A_23, %scan3A_24 : i32
    %scan3A_26 = arith.constant 1 : i32
    %scan3A_27 = scf.for %scan3A_48 = %scan3A_23 to %scan3A_25 step %scan3A_26 iter_args(%scan3A_49 = %scan3A) -> (i32)  : i32 {
      %scan3A_50 = arith.constant 0 : i32
      %scan3A_51 = arith.constant 0 : i32
      %scan3A_52 = arith.constant 8 : i32
      %scan3A_53 = arith.addi %scan3A_51, %scan3A_52 : i32
      %scan3A_54 = arith.constant 1 : i32
      %scan3A_55 = scf.for %scan3A_57 = %scan3A_51 to %scan3A_53 step %scan3A_54 iter_args(%scan3A_58 = %scan3A_50) -> (i32)  : i32 {
        %broadcast_in_dim3A = arith.constant 1.000000e+00 : f32
        %broadcast_in_dim3A_59 = vector.broadcast %broadcast_in_dim3A : f32 to vector<16xf32>
        %mul3A_60 = arith.constant 16 : i32
        %mul3A_61 = arith.muli %scan3A_57, %mul3A_60 : i32
        %swap3A = arith.index_cast %scan3A_48 : i32 to index
        %swap3A_62 = arith.index_cast %mul3A_61 : i32 to index
        %swap3A_63 = tpu.vector_load %arg6[%swap3A, %swap3A_62] {strides = array<i32>} : memref<128x128xf32, #tpu.memory_space<vmem>>, vector<1x16xf32>,
        %swap3A_64 = vector.shape_cast %swap3A_63 : vector<1x16xf32> to vector<16xf32>
        %swap3A_65 = vector.shape_cast %broadcast_in_dim3A_59 : vector<16xf32> to vector<1x16xf32>
        tpu.vector_store %arg6[%swap3A, %swap3A_62], %swap3A_65 {strides = array<i32>} : memref<128x128xf32, #tpu.memory_space<vmem>>, vector<1x16xf32>,
        %broadcast_in_dim3A_66 = arith.constant 0.000000e+00 : f32
        %broadcast_in_dim3A_67 = vector.broadcast %broadcast_in_dim3A_66 : f32 to vector<16xf32>
        %rem3A_68 = arith.constant 64 : i32
        %rem3A_69 = arith.remsi %scan3A_48, %rem3A_68 : i32
        %mul3A_70 = arith.constant 16 : i32
        %mul3A_71 = arith.muli %scan3A_57, %mul3A_70 : i32
        %swap3A_72 = arith.index_cast %rem3A_69 : i32 to index
        %swap3A_73 = arith.index_cast %mul3A_71 : i32 to index
        %swap3A_74 = tpu.vector_load %arg7[%swap3A_72, %swap3A_73] {strides = array<i32>} : memref<64x128xf32, #tpu.memory_space<vmem>>, vector<1x16xf32>,
        %swap3A_75 = vector.shape_cast %swap3A_74 : vector<1x16xf32> to vector<16xf32>
        %swap3A_76 = vector.shape_cast %broadcast_in_dim3A_67 : vector<16xf32> to vector<1x16xf32>
        tpu.vector_store %arg7[%swap3A_72, %swap3A_73], %swap3A_76 {strides = array<i32>} : memref<64x128xf32, #tpu.memory_space<vmem>>, vector<1x16xf32>,
        %scan3A_77 = arith.constant 0 : i32
        scf.yield %scan3A_77 : i32
      }
      %scan3A_56 = arith.constant 8 : i32
      scf.yield %scan3A_55 : i32
    }
    %scan3A_28 = arith.constant 128 : i32
    %scan3A_29 = arith.constant 0 : i32
    %scan3A_30 = arith.constant 0 : i32
    %scan3A_31 = arith.constant 5 : i32
    %scan3A_32 = arith.addi %scan3A_30, %scan3A_31 : i32
    %scan3A_33 = arith.constant 1 : i32
    %scan3A_34 = scf.for %scan3A_48 = %scan3A_30 to %scan3A_32 step %scan3A_33 iter_args(%scan3A_49 = %scan3A_29) -> (i32)  : i32 {
      %mul3A_50 = arith.constant 320 : i32
      %mul3A_51 = arith.muli %arg1, %mul3A_50 : i32
      %mul3A_52 = arith.constant 64 : i32
      %mul3A_53 = arith.muli %scan3A_48, %mul3A_52 : i32
      %add3A_54 = arith.addi %mul3A_51, %mul3A_53 : i32
      "tpu.region"() ({
        %run_scoped3A = tpu.sem_alloc : memref<!tpu.dma_semaphore, #tpu.memory_space<semaphore_mem>>
        %dma_start3A = arith.constant 0 : i32
        %dma_start3A_56 = tpu.memref_slice %arg9[%add3A_54, %dma_start3A] : memref<5248x128xf32, #tpu.memory_space<vmem_shared>> -> memref<64x128xf32, #tpu.memory_space<vmem_shared>>
        %dma_start3A_57 = arith.constant 0 : i32
        %dma_start3A_58 = tpu.memref_slice %arg9[%add3A_54, %dma_start3A_57] : memref<5248x128xf32, #tpu.memory_space<vmem_shared>> -> memref<64x128xf32, #tpu.memory_space<vmem_shared>>
        tpu.enqueue_dma source(%arg7 : memref<64x128xf32, #tpu.memory_space<vmem>>) target(%dma_start3A_58 : memref<64x128xf32, #tpu.memory_space<vmem_shared>>) target_semaphore(%run_scoped3A : memref<!tpu.dma_semaphore, #tpu.memory_space<semaphore_mem>>)
        %dma_wait3A = arith.constant 0 : i32
        %dma_wait3A_59 = tpu.memref_slice %arg9[%add3A_54, %dma_wait3A] : memref<5248x128xf32, #tpu.memory_space<vmem_shared>> -> memref<64x128xf32, #tpu.memory_space<vmem_shared>>
        %dma_wait3A_60 = arith.constant 0 : i32
        %dma_wait3A_61 = tpu.memref_slice %arg9[%add3A_54, %dma_wait3A_60] : memref<5248x128xf32, #tpu.memory_space<vmem_shared>> -> memref<64x128xf32, #tpu.memory_space<vmem_shared>>
        tpu.wait_dma2 semaphore(%run_scoped3A : memref<!tpu.dma_semaphore, #tpu.memory_space<semaphore_mem>>) src(%arg7 : memref<64x128xf32, #tpu.memory_space<vmem>>) dst(%dma_wait3A_61 : memref<64x128xf32, #tpu.memory_space<vmem_shared>>)
        tpu.yield
      }) : () -> ()
      %scan3A_55 = arith.constant 0 : i32
      scf.yield %scan3A_55 : i32
    }
    %scan3A_35 = arith.constant 5 : i32
    "tpu.region"() ({
      %run_scoped3A = tpu.sem_alloc : memref<!tpu.dma_semaphore, #tpu.memory_space<semaphore_mem>>
      %dma_start3A = arith.constant 0 : i32
      %dma_start3A_48 = arith.constant 0 : i32
      %dma_start3A_49 = tpu.memref_slice %arg2[%add3A, %dma_start3A, %dma_start3A_48] : memref<32x96x128xi32, #tpu.memory_space<hbm>> -> memref<1x96x128xi32, #tpu.memory_space<hbm>>
      %dma_start3A_50 = tpu.memref_squeeze %dma_start3A_49 : memref<1x96x128xi32, #tpu.memory_space<hbm>> -> memref<96x128xi32, #tpu.memory_space<hbm>>
      %dma_start3A_51 = arith.constant 0 : i32
      %dma_start3A_52 = arith.constant 0 : i32
      %dma_start3A_53 = tpu.memref_slice %arg2[%add3A, %dma_start3A_51, %dma_start3A_52] : memref<32x96x128xi32, #tpu.memory_space<hbm>> -> memref<1x96x128xi32, #tpu.memory_space<hbm>>
      %dma_start3A_54 = tpu.memref_squeeze %dma_start3A_53 : memref<1x96x128xi32, #tpu.memory_space<hbm>> -> memref<96x128xi32, #tpu.memory_space<hbm>>
      tpu.enqueue_dma source(%dma_start3A_54 : memref<96x128xi32, #tpu.memory_space<hbm>>) target(%arg5 : memref<96x128xi32, #tpu.memory_space<vmem>>) target_semaphore(%run_scoped3A : memref<!tpu.dma_semaphore, #tpu.memory_space<semaphore_mem>>)
      %dma_wait3A = arith.constant 0 : i32
      %dma_wait3A_55 = arith.constant 0 : i32
      %dma_wait3A_56 = tpu.memref_slice %arg2[%add3A, %dma_wait3A, %dma_wait3A_55] : memref<32x96x128xi32, #tpu.memory_space<hbm>> -> memref<1x96x128xi32, #tpu.memory_space<hbm>>
      %dma_wait3A_57 = tpu.memref_squeeze %dma_wait3A_56 : memref<1x96x128xi32, #tpu.memory_space<hbm>> -> memref<96x128xi32, #tpu.memory_space<hbm>>
      %dma_wait3A_58 = arith.constant 0 : i32
      %dma_wait3A_59 = arith.constant 0 : i32
      %dma_wait3A_60 = tpu.memref_slice %arg2[%add3A, %dma_wait3A_58, %dma_wait3A_59] : memref<32x96x128xi32, #tpu.memory_space<hbm>> -> memref<1x96x128xi32, #tpu.memory_space<hbm>>
      %dma_wait3A_61 = tpu.memref_squeeze %dma_wait3A_60 : memref<1x96x128xi32, #tpu.memory_space<hbm>> -> memref<96x128xi32, #tpu.memory_space<hbm>>
      tpu.wait_dma2 semaphore(%run_scoped3A : memref<!tpu.dma_semaphore, #tpu.memory_space<semaphore_mem>>) src(%dma_wait3A_61 : memref<96x128xi32, #tpu.memory_space<hbm>>) dst(%arg5 : memref<96x128xi32, #tpu.memory_space<vmem>>)
      tpu.yield
    }) : () -> ()
    %barrier3A = arith.constant 0 : index
    tpu.barrier barrier_id(%barrier3A)
    %scan3A_36 = arith.constant 0 : i32
    %scan3A_37 = arith.constant 0 : i32
    %scan3A_38 = arith.constant 96 : i32
    %scan3A_39 = arith.addi %scan3A_37, %scan3A_38 : i32
    %scan3A_40 = arith.constant 1 : i32
    %scan3A_41 = scf.for %scan3A_48 = %scan3A_37 to %scan3A_39 step %scan3A_40 iter_args(%scan3A_49 = %scan3A_36) -> (i32)  : i32 {
      %lt3A = arith.cmpi slt, %scan3A_48, %select_n3A : i32
      %convert_element_type3A = arith.extui %lt3A : i1 to i32
      %cond3A = arith.constant 0 : i32
      %cond3A_50 = arith.cmpi ne, %convert_element_type3A, %cond3A : i32
      scf.if %cond3A_50 {
        "tpu.region"() ({
          %run_scoped3A = tpu.sem_alloc : memref<!tpu.dma_semaphore, #tpu.memory_space<semaphore_mem>>
          %dma_start3A = arith.constant 0 : i32
          %dma_start3A_52 = tpu.memref_slice %arg5[%scan3A_48, %dma_start3A] : memref<96x128xi32, #tpu.memory_space<vmem>> -> memref<1x128xi32, #tpu.memory_space<vmem>>
          %dma_start3A_53 = tpu.memref_squeeze %dma_start3A_52 : memref<1x128xi32, #tpu.memory_space<vmem>> -> memref<128xi32, #tpu.memory_space<vmem>>
          %dma_start3A_54 = arith.constant 0 : i32
          %dma_start3A_55 = arith.constant 0 : i32
          %dma_start3A_56 = tpu.memref_slice %arg9[%dma_start3A_54, %dma_start3A_55] : memref<5248x128xf32, #tpu.memory_space<vmem_shared>> -> memref<5248x128xf32, #tpu.memory_space<vmem_shared>>
          tpu.enqueue_indirect_dma source(%arg6 : memref<128x128xf32, #tpu.memory_space<vmem>>) target(%dma_start3A_56 : memref<5248x128xf32, #tpu.memory_space<vmem_shared>>) offsets(%dma_start3A_53 : memref<128xi32, #tpu.memory_space<vmem>>) semaphore(%run_scoped3A : memref<!tpu.dma_semaphore, #tpu.memory_space<semaphore_mem>>) {add = true}
          %dma_wait3A = arith.constant 0 : i32
          %dma_wait3A_57 = tpu.memref_slice %arg5[%scan3A_48, %dma_wait3A] : memref<96x128xi32, #tpu.memory_space<vmem>> -> memref<1x128xi32, #tpu.memory_space<vmem>>
          %dma_wait3A_58 = tpu.memref_squeeze %dma_wait3A_57 : memref<1x128xi32, #tpu.memory_space<vmem>> -> memref<128xi32, #tpu.memory_space<vmem>>
          %dma_wait3A_59 = arith.constant 0 : i32
          %dma_wait3A_60 = arith.constant 0 : i32
          %dma_wait3A_61 = tpu.memref_slice %arg9[%dma_wait3A_59, %dma_wait3A_60] : memref<5248x128xf32, #tpu.memory_space<vmem_shared>> -> memref<5248x128xf32, #tpu.memory_space<vmem_shared>>
          tpu.wait_indirect_dma semaphore(%run_scoped3A : memref<!tpu.dma_semaphore, #tpu.memory_space<semaphore_mem>>) src(%arg6 : memref<128x128xf32, #tpu.memory_space<vmem>>) dst(%dma_wait3A_61 : memref<5248x128xf32, #tpu.memory_space<vmem_shared>>)
          tpu.yield
        }) : () -> ()
      } else {
      }
      %scan3A_51 = arith.constant 0 : i32
      scf.yield %scan3A_51 : i32
    }
    %scan3A_42 = arith.constant 96 : i32
    %barrier3A_43 = arith.constant 0 : index
    tpu.barrier barrier_id(%barrier3A_43)
    %mul3A_44 = arith.constant 320 : i32
    %mul3A_45 = arith.muli %arg1, %mul3A_44 : i32
    %mul3A_46 = arith.constant 320 : i32
    %mul3A_47 = arith.muli %arg1, %mul3A_46 : i32
    "tpu.region"() ({
      %run_scoped3A = tpu.sem_alloc : memref<!tpu.dma_semaphore, #tpu.memory_space<semaphore_mem>>
      %dma_start3A = arith.constant 0 : i32
      %dma_start3A_48 = tpu.memref_slice %arg4[%arg0, %mul3A_47, %dma_start3A] : memref<2x5120x128xf32, #tpu.memory_space<hbm>> -> memref<1x320x128xf32, #tpu.memory_space<hbm>>
      %dma_start3A_49 = tpu.memref_squeeze %dma_start3A_48 : memref<1x320x128xf32, #tpu.memory_space<hbm>> -> memref<320x128xf32, #tpu.memory_space<hbm>>
      %dma_start3A_50 = arith.constant 0 : i32
      %dma_start3A_51 = tpu.memref_slice %arg9[%mul3A_45, %dma_start3A_50] : memref<5248x128xf32, #tpu.memory_space<vmem_shared>> -> memref<320x128xf32, #tpu.memory_space<vmem_shared>>
      tpu.enqueue_dma source(%dma_start3A_51 : memref<320x128xf32, #tpu.memory_space<vmem_shared>>) target(%dma_start3A_49 : memref<320x128xf32, #tpu.memory_space<hbm>>) target_semaphore(%run_scoped3A : memref<!tpu.dma_semaphore, #tpu.memory_space<semaphore_mem>>)
      %dma_wait3A = arith.constant 0 : i32
      %dma_wait3A_52 = tpu.memref_slice %arg4[%arg0, %mul3A_47, %dma_wait3A] : memref<2x5120x128xf32, #tpu.memory_space<hbm>> -> memref<1x320x128xf32, #tpu.memory_space<hbm>>
      %dma_wait3A_53 = tpu.memref_squeeze %dma_wait3A_52 : memref<1x320x128xf32, #tpu.memory_space<hbm>> -> memref<320x128xf32, #tpu.memory_space<hbm>>
      %dma_wait3A_54 = arith.constant 0 : i32
      %dma_wait3A_55 = tpu.memref_slice %arg9[%mul3A_45, %dma_wait3A_54] : memref<5248x128xf32, #tpu.memory_space<vmem_shared>> -> memref<320x128xf32, #tpu.memory_space<vmem_shared>>
      tpu.wait_dma2 semaphore(%run_scoped3A : memref<!tpu.dma_semaphore, #tpu.memory_space<semaphore_mem>>) src(%dma_wait3A_55 : memref<320x128xf32, #tpu.memory_space<vmem_shared>>) dst(%dma_wait3A_53 : memref<320x128xf32, #tpu.memory_space<hbm>>)
      tpu.yield
    }) : () -> ()
    return
  }
}

module attributes {stable_mosaic.version = 14 : i64} {
  func.func @_k1a_body(%arg0: i32, %arg1: memref<128x128xf32, #tpu.memory_space<vmem>>, %arg2: memref<128x128xf32, #tpu.memory_space<vmem>>, %arg3: memref<128x128xf32, #tpu.memory_space<vmem>>) attributes {dimension_semantics = [#tpu.dimension_semantics<arbitrary>], iteration_bounds = array<i64: 80>, scalar_prefetch = 0 : i64, scratch_operands = 0 : i64, tpu.core_type = #tpu.core_type<tc>, window_params = [{transform_indices = @transform_0, window_bounds = array<i64: 128, 128>}, {pipeline_mode = #tpu.pipeline_mode<synchronous>, transform_indices = @transform_1, window_bounds = array<i64: 128, 128>}, {transform_indices = @transform_2, window_bounds = array<i64: 128, 128>}]} {
    %get3A = arith.constant 0 : index
    %get3A_0 = arith.constant 0 : index
    %get3A_1 = vector.load %arg1[%get3A, %get3A_0] : memref<128x128xf32, #tpu.memory_space<vmem>>, vector<128x128xf32>
    %get3A_2 = arith.constant 0 : index
    %get3A_3 = arith.constant 0 : index
    %get3A_4 = vector.load %arg2[%get3A_2, %get3A_3] : memref<128x128xf32, #tpu.memory_space<vmem>>, vector<128x128xf32>
    %dot_general3A = arith.constant dense<0.000000e+00> : vector<128x128xf32>
    %dot_general3A_5 = tpu.matmul %get3A_1, %get3A_4, %dot_general3A {dimension_numbers = #tpu.dot_dimension_numbers<[1], [0], [0], [1], [0, 0, 1, 1], [], []>, transpose_lhs_hint = false} : vector<128x128xf32>, vector<128x128xf32>, vector<128x128xf32> -> vector<128x128xf32>
    %swap3A = arith.constant 0 : index
    %swap3A_6 = arith.constant 0 : index
    %swap3A_7 = vector.load %arg3[%swap3A, %swap3A_6] : memref<128x128xf32, #tpu.memory_space<vmem>>, vector<128x128xf32>
    tpu.vector_store %arg3[%swap3A, %swap3A_6], %dot_general3A_5 {strides = array<i32>} : memref<128x128xf32, #tpu.memory_space<vmem>>, vector<128x128xf32>,
    return
  }
  func.func @transform_0(%arg0: i32) -> (i32, i32) {
    %c0_i32 = arith.constant 0 : i32
    %c0_i32_0 = arith.constant 0 : i32
    return %arg0, %c0_i32 : i32, i32
  }
  func.func @transform_1(%arg0: i32) -> (i32, i32) {
    %c0_i32 = arith.constant 0 : i32
    %c0_i32_0 = arith.constant 0 : i32
    %c0_i32_1 = arith.constant 0 : i32
    return %c0_i32, %c0_i32_0 : i32, i32
  }
  func.func @transform_2(%arg0: i32) -> (i32, i32) {
    %c0_i32 = arith.constant 0 : i32
    %c0_i32_0 = arith.constant 0 : i32
    return %arg0, %c0_i32 : i32, i32
  }
}

module attributes {stable_mosaic.version = 14 : i64} {
  func.func @_k1_body(%arg0: i32, %arg1: memref<128x128xf32, #tpu.memory_space<vmem>>, %arg2: memref<128x128xf32, #tpu.memory_space<vmem>>, %arg3: memref<128x128xf32, #tpu.memory_space<vmem>>, %arg4: memref<128x128xf32, #tpu.memory_space<vmem>>) attributes {dimension_semantics = [#tpu.dimension_semantics<arbitrary>], iteration_bounds = array<i64: 80>, scalar_prefetch = 0 : i64, scratch_operands = 0 : i64, tpu.core_type = #tpu.core_type<tc>, window_params = [{transform_indices = @transform_0, window_bounds = array<i64: 128, 128>}, {transform_indices = @transform_1, window_bounds = array<i64: 128, 128>}, {transform_indices = @transform_2, window_bounds = array<i64: 128, 128>}, {transform_indices = @transform_3, window_bounds = array<i64: 128, 128>}]} {
    %get3A = arith.constant 0 : index
    %get3A_0 = arith.constant 0 : index
    %get3A_1 = vector.load %arg1[%get3A, %get3A_0] : memref<128x128xf32, #tpu.memory_space<vmem>>, vector<128x128xf32>
    %reduce_max3A = arith.constant dense<0xFF800000> : vector<128xf32>
    %reduce_max3A_2 = vector.multi_reduction <maximumf>, %get3A_1, %reduce_max3A [1] : vector<128x128xf32> to vector<128xf32>
    %broadcast_in_dim3A = vector.shape_cast %reduce_max3A_2 : vector<128xf32> to vector<128x1xf32>
    %add3A = arith.constant 1.000000e+00 : f32
    %add3A_3 = vector.broadcast %add3A : f32 to vector<128x1xf32>
    %add3A_4 = arith.addf %broadcast_in_dim3A, %add3A_3 : vector<128x1xf32>
    %rsqrt3A = math.rsqrt %add3A_4 : vector<128x1xf32>
    %broadcast_in_dim3A_5 = vector.shape_cast %rsqrt3A : vector<128x1xf32> to vector<128x1xf32>
    %broadcast_in_dim3A_6 = vector.broadcast %broadcast_in_dim3A_5 : vector<128x1xf32> to vector<128x128xf32>
    %get3A_7 = arith.constant 0 : index
    %get3A_8 = arith.constant 0 : index
    %get3A_9 = vector.load %arg2[%get3A_7, %get3A_8] : memref<128x128xf32, #tpu.memory_space<vmem>>, vector<128x128xf32>
    %mul3A = arith.mulf %broadcast_in_dim3A_6, %get3A_9 : vector<128x128xf32>
    %swap3A = arith.constant 0 : index
    %swap3A_10 = arith.constant 0 : index
    %swap3A_11 = vector.load %arg3[%swap3A, %swap3A_10] : memref<128x128xf32, #tpu.memory_space<vmem>>, vector<128x128xf32>
    tpu.vector_store %arg3[%swap3A, %swap3A_10], %mul3A {strides = array<i32>} : memref<128x128xf32, #tpu.memory_space<vmem>>, vector<128x128xf32>,
    %swap3A_12 = arith.constant 0 : index
    %swap3A_13 = arith.constant 0 : index
    %swap3A_14 = vector.load %arg4[%swap3A_12, %swap3A_13] : memref<128x128xf32, #tpu.memory_space<vmem>>, vector<128x128xf32>
    tpu.vector_store %arg4[%swap3A_12, %swap3A_13], %broadcast_in_dim3A_6 {strides = array<i32>} : memref<128x128xf32, #tpu.memory_space<vmem>>, vector<128x128xf32>,
    return
  }
  func.func @transform_0(%arg0: i32) -> (i32, i32) {
    %c0_i32 = arith.constant 0 : i32
    %c0_i32_0 = arith.constant 0 : i32
    return %arg0, %c0_i32 : i32, i32
  }
  func.func @transform_1(%arg0: i32) -> (i32, i32) {
    %c0_i32 = arith.constant 0 : i32
    %c0_i32_0 = arith.constant 0 : i32
    return %arg0, %c0_i32 : i32, i32
  }
  func.func @transform_2(%arg0: i32) -> (i32, i32) {
    %c0_i32 = arith.constant 0 : i32
    %c0_i32_0 = arith.constant 0 : i32
    return %arg0, %c0_i32 : i32, i32
  }
  func.func @transform_3(%arg0: i32) -> (i32, i32) {
    %c0_i32 = arith.constant 0 : i32
    %c0_i32_0 = arith.constant 0 : i32
    return %arg0, %c0_i32 : i32, i32
  }
}

module attributes {stable_mosaic.version = 14 : i64} {
  func.func @_k2_body(%arg0: i32, %arg1: memref<128x128xf32, #tpu.memory_space<vmem>>, %arg2: memref<128x128xf32, #tpu.memory_space<vmem>>, %arg3: memref<128x128xf32, #tpu.memory_space<vmem>>, %arg4: memref<128x128xf32, #tpu.memory_space<vmem>>, %arg5: memref<1x128xf32, #tpu.memory_space<vmem>>, %arg6: memref<128x128xf32, #tpu.memory_space<vmem>>) attributes {dimension_semantics = [#tpu.dimension_semantics<arbitrary>], iteration_bounds = array<i64: 80>, scalar_prefetch = 0 : i64, scratch_operands = 0 : i64, tpu.core_type = #tpu.core_type<tc>, window_params = [{transform_indices = @transform_0, window_bounds = array<i64: 128, 128>}, {transform_indices = @transform_1, window_bounds = array<i64: 128, 128>}, {transform_indices = @transform_2, window_bounds = array<i64: 128, 128>}, {pipeline_mode = #tpu.pipeline_mode<synchronous>, transform_indices = @transform_3, window_bounds = array<i64: 128, 128>}, {pipeline_mode = #tpu.pipeline_mode<synchronous>, transform_indices = @transform_4, window_bounds = array<i64: 1, 128>}, {transform_indices = @transform_5, window_bounds = array<i64: 128, 128>}]} {
    %get3A = arith.constant 0 : index
    %get3A_0 = arith.constant 0 : index
    %get3A_1 = vector.load %arg1[%get3A, %get3A_0] : memref<128x128xf32, #tpu.memory_space<vmem>>, vector<128x128xf32>
    %get3A_2 = arith.constant 0 : index
    %get3A_3 = arith.constant 0 : index
    %get3A_4 = vector.load %arg2[%get3A_2, %get3A_3] : memref<128x128xf32, #tpu.memory_space<vmem>>, vector<128x128xf32>
    %add3A = arith.addf %get3A_1, %get3A_4 : vector<128x128xf32>
    %get3A_5 = arith.constant 0 : index
    %get3A_6 = arith.constant 0 : index
    %get3A_7 = vector.load %arg3[%get3A_5, %get3A_6] : memref<128x128xf32, #tpu.memory_space<vmem>>, vector<128x128xf32>
    %mul3A = arith.mulf %get3A_7, %add3A : vector<128x128xf32>
    %get3A_8 = arith.constant 0 : index
    %get3A_9 = arith.constant 0 : index
    %get3A_10 = vector.load %arg5[%get3A_8, %get3A_9] : memref<1x128xf32, #tpu.memory_space<vmem>>, vector<1x128xf32>
    %add3A_11 = vector.broadcast %get3A_10 : vector<1x128xf32> to vector<128x128xf32>
    %add3A_12 = arith.addf %mul3A, %add3A_11 : vector<128x128xf32>
    %max3A = arith.constant 0.000000e+00 : f32
    %max3A_13 = vector.broadcast %max3A : f32 to vector<128x128xf32>
    %max3A_14 = arith.maximumf %add3A_12, %max3A_13 : vector<128x128xf32>
    %get3A_15 = arith.constant 0 : index
    %get3A_16 = arith.constant 0 : index
    %get3A_17 = vector.load %arg3[%get3A_15, %get3A_16] : memref<128x128xf32, #tpu.memory_space<vmem>>, vector<128x128xf32>
    %get3A_18 = arith.constant 0 : index
    %get3A_19 = arith.constant 0 : index
    %get3A_20 = vector.load %arg4[%get3A_18, %get3A_19] : memref<128x128xf32, #tpu.memory_space<vmem>>, vector<128x128xf32>
    %dot_general3A = arith.constant dense<0.000000e+00> : vector<128x128xf32>
    %dot_general3A_21 = tpu.matmul %max3A_14, %get3A_20, %dot_general3A {dimension_numbers = #tpu.dot_dimension_numbers<[1], [0], [0], [1], [0, 0, 1, 1], [], []>, transpose_lhs_hint = false} : vector<128x128xf32>, vector<128x128xf32>, vector<128x128xf32> -> vector<128x128xf32>
    %mul3A_22 = arith.mulf %get3A_17, %dot_general3A_21 : vector<128x128xf32>
    %swap3A = arith.constant 0 : index
    %swap3A_23 = arith.constant 0 : index
    %swap3A_24 = vector.load %arg6[%swap3A, %swap3A_23] : memref<128x128xf32, #tpu.memory_space<vmem>>, vector<128x128xf32>
    tpu.vector_store %arg6[%swap3A, %swap3A_23], %mul3A_22 {strides = array<i32>} : memref<128x128xf32, #tpu.memory_space<vmem>>, vector<128x128xf32>,
    return
  }
  func.func @transform_0(%arg0: i32) -> (i32, i32) {
    %c0_i32 = arith.constant 0 : i32
    %c0_i32_0 = arith.constant 0 : i32
    return %arg0, %c0_i32 : i32, i32
  }
  func.func @transform_1(%arg0: i32) -> (i32, i32) {
    %c0_i32 = arith.constant 0 : i32
    %c0_i32_0 = arith.constant 0 : i32
    return %arg0, %c0_i32 : i32, i32
  }
  func.func @transform_2(%arg0: i32) -> (i32, i32) {
    %c0_i32 = arith.constant 0 : i32
    %c0_i32_0 = arith.constant 0 : i32
    return %arg0, %c0_i32 : i32, i32
  }
  func.func @transform_3(%arg0: i32) -> (i32, i32) {
    %c0_i32 = arith.constant 0 : i32
    %c0_i32_0 = arith.constant 0 : i32
    %c0_i32_1 = arith.constant 0 : i32
    return %c0_i32, %c0_i32_0 : i32, i32
  }
  func.func @transform_4(%arg0: i32) -> (i32, i32) {
    %c0_i32 = arith.constant 0 : i32
    %c0_i32_0 = arith.constant 0 : i32
    %c0_i32_1 = arith.constant 0 : i32
    return %c0_i32, %c0_i32_0 : i32, i32
  }
  func.func @transform_5(%arg0: i32) -> (i32, i32) {
    %c0_i32 = arith.constant 0 : i32
    %c0_i32_0 = arith.constant 0 : i32
    return %arg0, %c0_i32 : i32, i32
  }
}

module attributes {stable_mosaic.version = 14 : i64} {
  func.func @_k3_body(%arg0: i32, %arg1: memref<128x128xf32, #tpu.memory_space<vmem>>, %arg2: memref<128x128xf32, #tpu.memory_space<vmem>>, %arg3: memref<128x128xf32, #tpu.memory_space<vmem>>, %arg4: memref<1x128xf32, #tpu.memory_space<vmem>>, %arg5: memref<128x128xf32, #tpu.memory_space<vmem>>, %arg6: memref<1x128xf32, #tpu.memory_space<vmem>>, %arg7: memref<128x128xf32, #tpu.memory_space<vmem>>) attributes {dimension_semantics = [#tpu.dimension_semantics<arbitrary>], iteration_bounds = array<i64: 80>, scalar_prefetch = 0 : i64, scratch_operands = 0 : i64, tpu.core_type = #tpu.core_type<tc>, window_params = [{transform_indices = @transform_0, window_bounds = array<i64: 128, 128>}, {transform_indices = @transform_1, window_bounds = array<i64: 128, 128>}, {transform_indices = @transform_2, window_bounds = array<i64: 128, 128>}, {pipeline_mode = #tpu.pipeline_mode<synchronous>, transform_indices = @transform_3, window_bounds = array<i64: 1, 128>}, {pipeline_mode = #tpu.pipeline_mode<synchronous>, transform_indices = @transform_4, window_bounds = array<i64: 128, 128>}, {pipeline_mode = #tpu.pipeline_mode<synchronous>, transform_indices = @transform_5, window_bounds = array<i64: 1, 128>}, {transform_indices = @transform_6, window_bounds = array<i64: 128, 128>}]} {
    %get3A = arith.constant 0 : index
    %get3A_0 = arith.constant 0 : index
    %get3A_1 = vector.load %arg1[%get3A, %get3A_0] : memref<128x128xf32, #tpu.memory_space<vmem>>, vector<128x128xf32>
    %get3A_2 = arith.constant 0 : index
    %get3A_3 = arith.constant 0 : index
    %get3A_4 = vector.load %arg2[%get3A_2, %get3A_3] : memref<128x128xf32, #tpu.memory_space<vmem>>, vector<128x128xf32>
    %add3A = arith.addf %get3A_1, %get3A_4 : vector<128x128xf32>
    %get3A_5 = arith.constant 0 : index
    %get3A_6 = arith.constant 0 : index
    %get3A_7 = vector.load %arg3[%get3A_5, %get3A_6] : memref<128x128xf32, #tpu.memory_space<vmem>>, vector<128x128xf32>
    %mul3A = arith.mulf %get3A_7, %add3A : vector<128x128xf32>
    %get3A_8 = arith.constant 0 : index
    %get3A_9 = arith.constant 0 : index
    %get3A_10 = vector.load %arg4[%get3A_8, %get3A_9] : memref<1x128xf32, #tpu.memory_space<vmem>>, vector<1x128xf32>
    %add3A_11 = vector.broadcast %get3A_10 : vector<1x128xf32> to vector<128x128xf32>
    %add3A_12 = arith.addf %mul3A, %add3A_11 : vector<128x128xf32>
    %max3A = arith.constant 0.000000e+00 : f32
    %max3A_13 = vector.broadcast %max3A : f32 to vector<128x128xf32>
    %max3A_14 = arith.maximumf %add3A_12, %max3A_13 : vector<128x128xf32>
    %get3A_15 = arith.constant 0 : index
    %get3A_16 = arith.constant 0 : index
    %get3A_17 = vector.load %arg5[%get3A_15, %get3A_16] : memref<128x128xf32, #tpu.memory_space<vmem>>, vector<128x128xf32>
    %dot_general3A = arith.constant dense<0.000000e+00> : vector<128x128xf32>
    %dot_general3A_18 = tpu.matmul %max3A_14, %get3A_17, %dot_general3A {dimension_numbers = #tpu.dot_dimension_numbers<[1], [0], [0], [1], [0, 0, 1, 1], [], []>, transpose_lhs_hint = false} : vector<128x128xf32>, vector<128x128xf32>, vector<128x128xf32> -> vector<128x128xf32>
    %get3A_19 = arith.constant 0 : index
    %get3A_20 = arith.constant 0 : index
    %get3A_21 = vector.load %arg6[%get3A_19, %get3A_20] : memref<1x128xf32, #tpu.memory_space<vmem>>, vector<1x128xf32>
    %add3A_22 = vector.broadcast %get3A_21 : vector<1x128xf32> to vector<128x128xf32>
    %add3A_23 = arith.addf %dot_general3A_18, %add3A_22 : vector<128x128xf32>
    %reduce_max3A = arith.constant dense<0xFF800000> : vector<128xf32>
    %reduce_max3A_24 = vector.multi_reduction <maximumf>, %add3A_23, %reduce_max3A [1] : vector<128x128xf32> to vector<128xf32>
    %broadcast_in_dim3A = vector.shape_cast %reduce_max3A_24 : vector<128xf32> to vector<128x1xf32>
    %sub3A = vector.broadcast %broadcast_in_dim3A : vector<128x1xf32> to vector<128x128xf32>
    %sub3A_25 = arith.subf %add3A_23, %sub3A : vector<128x128xf32>
    %exp3A = math.exp %sub3A_25 : vector<128x128xf32>
    %reduce_sum3A = arith.constant dense<0.000000e+00> : vector<128xf32>
    %reduce_sum3A_26 = vector.multi_reduction <add>, %exp3A, %reduce_sum3A [1] : vector<128x128xf32> to vector<128xf32>
    %broadcast_in_dim3A_27 = vector.shape_cast %reduce_sum3A_26 : vector<128xf32> to vector<128x1xf32>
    %div3A = vector.broadcast %broadcast_in_dim3A_27 : vector<128x1xf32> to vector<128x128xf32>
    %div3A_28 = arith.divf %exp3A, %div3A : vector<128x128xf32>
    %swap3A = arith.constant 0 : index
    %swap3A_29 = arith.constant 0 : index
    %swap3A_30 = vector.load %arg7[%swap3A, %swap3A_29] : memref<128x128xf32, #tpu.memory_space<vmem>>, vector<128x128xf32>
    tpu.vector_store %arg7[%swap3A, %swap3A_29], %div3A_28 {strides = array<i32>} : memref<128x128xf32, #tpu.memory_space<vmem>>, vector<128x128xf32>,
    return
  }
  func.func @transform_0(%arg0: i32) -> (i32, i32) {
    %c0_i32 = arith.constant 0 : i32
    %c0_i32_0 = arith.constant 0 : i32
    return %arg0, %c0_i32 : i32, i32
  }
  func.func @transform_1(%arg0: i32) -> (i32, i32) {
    %c0_i32 = arith.constant 0 : i32
    %c0_i32_0 = arith.constant 0 : i32
    return %arg0, %c0_i32 : i32, i32
  }
  func.func @transform_2(%arg0: i32) -> (i32, i32) {
    %c0_i32 = arith.constant 0 : i32
    %c0_i32_0 = arith.constant 0 : i32
    return %arg0, %c0_i32 : i32, i32
  }
  func.func @transform_3(%arg0: i32) -> (i32, i32) {
    %c0_i32 = arith.constant 0 : i32
    %c0_i32_0 = arith.constant 0 : i32
    %c0_i32_1 = arith.constant 0 : i32
    return %c0_i32, %c0_i32_0 : i32, i32
  }
  func.func @transform_4(%arg0: i32) -> (i32, i32) {
    %c0_i32 = arith.constant 0 : i32
    %c0_i32_0 = arith.constant 0 : i32
    %c0_i32_1 = arith.constant 0 : i32
    return %c0_i32, %c0_i32_0 : i32, i32
  }
  func.func @transform_5(%arg0: i32) -> (i32, i32) {
    %c0_i32 = arith.constant 0 : i32
    %c0_i32_0 = arith.constant 0 : i32
    %c0_i32_1 = arith.constant 0 : i32
    return %c0_i32, %c0_i32_0 : i32, i32
  }
  func.func @transform_6(%arg0: i32) -> (i32, i32) {
    %c0_i32 = arith.constant 0 : i32
    %c0_i32_0 = arith.constant 0 : i32
    return %arg0, %c0_i32 : i32, i32
  }
}

</mosaic_0001>

<sc_bundles>
// kernel: kernel.10.cloned.1.call-start
scs
__scs_entry_jumppad:
0x0: {  	(pc) =	sbr.rel $0x88, $3  }
0x1: {  	(tag) =	ssettag $0x0;
	lr =	simm.s32 $0x1  }
0x2: {  	[smem:$0x3F99] =	sst lr;
	_ =	strace $0xD0000000  }
0x3: {  	_ = 	snop  }
0x4: {  	_ = 	snop  }
0x5: {  	_ = 	snop  }
0x6: {  	_ = 	snop  }
0x7: {  	_ = 	snop  }
__scs_overlays_trampoline_lowered:
0x8: {  	[smem:$0x3FA8] =	sst s0  }
0x9: {  	[smem:$0x3FA9] =	sst s1  }
0xa: {  	[smem:$0x3FAA] =	sst s2  }
0xb: {  	[smem:$0x3FAB] =	sst s3  }
0xc: {  	[smem:$0x3FAC] =	sst s4  }
0xd: {  	[smem:$0x3FAD] =	sst s5  }
0xe: {  	[smem:$0x3FAE] =	sst s6  }
0xf: {  	[smem:$0x3FAF] =	sst s7  }
0x10: {  	[smem:$0x3FB0] =	sst s8  }
0x11: {  	[smem:$0x3FB1] =	sst s9;
	s0 =	simm.s32 @!p0 $0x0  }
0x12: {  	s1 =	sld [smem:$0x3F97];
	s0 =	simm.s32 @p0 $0x1  }
0x13: {  	[smem:$0x3FB2] =	sst s0;
	s0 =	simm.s32 @!p1 $0x0  }
0x14: {  	s2 =	sld [smem:$0x3F96];
	s0 =	simm.s32 @p1 $0x1  }
0x15: {  	[smem:$0x3FB3] =	sst s0;
	s0 =	simm.s32 @!p2 $0x0  }
0x16: {  	s3 =	sld [smem:$0x3FDB];
	s0 =	simm.s32 @p2 $0x1  }
0x17: {  	s4 =	simm.s32 $0x1BF5;
	[smem:$0x3FB5] =	sst s0  }
0x18: {  	s0 =	sld [smem:$0x3F98];
	_ =	swait.ge [sflag:s4], $0x0  }
0x19: {  	s7 =	sld [smem:$0x3F99]  }
0x1a: {  	s8 =	sadd.s32 $0xFFFFE003, lr  }
0x1b: {  	s9 =	sadd.s32 $0xFFFFFEF7, lr;
	s5 =	simm.s32 $0xFFFFFFFF;
	p2 =	slt.u32 s8, $0xFFFFF086  }
0x1c: {  	p1 =	slt.u32 s9, $0xF7A;
	s5 =	simm.s32 @!p2 $0x0  }
0x1d: {  	s5 =	simm.s32 @p1 $0x1;
	p0 =	seq.s32 s7, s2  }
0x1e: {  	s7 =	smul.u32 @!p0 $0xF7A, s2;
	p2 =	seq.s32 @!p0 s5, $0x0  }
0x1f: {  	s9 =	smul.u32 $0xF7A, s1;
	s8 =	simm.s32 @!p0 $0x1BF5;
	p2 =	por !p2, p0  }
0x20: {  	[sflag:s8] =	ssyncset.s32 @!p0 $0xFFFFF086;
	s6 =	sadd.s32 @!p0 s3, s7;
	s7 =	simm.s32 @!p0 $0x108  }
0x21: {  	s3 =	sadd.s32 s3, s9;
	s6 =	sadd.s32 @!p0 $0x88, s6;
	s7 =	simm.s32 @p2 $0x1082  }
0x22: {  	[simem:s7], [sflag:s8] =	dma.local @!p0 [hbm:s6], $0xF7A  }
0x23: {  	s9 =	sor.u32 $0xD0000000, s2;
	s6 =	simm.s32 $0x108;
	_ =	swait.ge @!p0 [sflag:s8], $0x0  }
0x24: {  	s3 =	sadd.s32 $0x88, s3;
	s6 =	simm.s32 @!p1 $0x1082;
	[sflag:s4] =	ssyncset.s32 $0xFFFFF086  }
0x25: {  	[simem:s6], [sflag:s4] =	dma.local [hbm:s3], $0xF7A  }
0x26: {  	[smem:$0x3F99] =	sst s1;
	(tag) =	ssettag s2;
	_ =	strace s9  }
0x27: {  	s1 =	sld [smem:$0x3FA9]  }
0x28: {  	s2 =	sld [smem:$0x3FAA]  }
0x29: {  	s4 =	sld [smem:$0x3FAC]  }
0x2a: {  	p0 =	seq.s32 s5, $0x0;
	s5 =	sld [smem:$0x3FAD]  }
0x2b: {  	s6 =	sld [smem:$0x3FAE]  }
0x2c: {  	s7 =	sld [smem:$0x3FAF]  }
0x2d: {  	s3 =	simm.s32 $0x108;
	s8 =	sld [smem:$0x3FB0]  }
0x2e: {  	s3 =	simm.s32 @!p0 $0x1082;
	s9 =	sld [smem:$0x3FB1]  }
0x2f: {  	lr =	sadd.s32 s0, s3;
	s0 =	sld [smem:$0x3FA8]  }
0x30: {  	s3 =	sld [smem:$0x3FAB]  }
0x31: {  	[smem:$0x3FB4] =	sst s10  }
0x32: {  	s10 =	sld [smem:$0x3FB2];
	_ =	sdelay $0x3  }
0x33: {  	p0 =	seq.s32 s10, $0x1;
	s10 =	sld [smem:$0x3FB4];
	_ =	sdelay $0x3  }
0x34: {  	[smem:$0x3FB4] =	sst s10  }
0x35: {  	s10 =	sld [smem:$0x3FB3];
	_ =	sdelay $0x3  }
0x36: {  	p1 =	seq.s32 s10, $0x1;
	s10 =	sld [smem:$0x3FB4];
	_ =	sdelay $0x3  }
0x37: {  	[smem:$0x3FB4] =	sst s10  }
0x38: {  	s10 =	sld [smem:$0x3FB5]  }
0x39: {  	_ = 	snop;
	(pc) =	sbr.ind lr, $3  }
0x3a: {  	_ = 	snop  }
0x3b: {  	_ = 	snop  }
0x3c: {  	p2 =	seq.s32 s10, $0x1;
	s10 =	sld [smem:$0x3FB4]  }
0x3d: {  	_ =	shalt  }
0x3e: {  	_ =	shalt  }
0x3f: {  	_ =	shalt  }
0x40: {  	_ =	shalt  }
0x41: {  	_ =	shalt  }
0x42: {  	_ =	shalt  }
0x43: {  	_ =	shalt  }
0x44: {  	_ =	shalt  }
0x45: {  	_ =	shalt  }
0x46: {  	_ =	shalt  }
0x47: {  	_ =	shalt  }
0x48: {  	_ =	shalt  }
0x49: {  	_ =	shalt  }
0x4a: {  	_ =	shalt  }
0x4b: {  	_ =	shalt  }
0x4c: {  	_ =	shalt  }
0x4d: {  	_ =	shalt  }
0x4e: {  	_ =	shalt  }
0x4f: {  	_ =	shalt  }
0x50: {  	_ =	shalt  }
0x51: {  	_ =	shalt  }
0x52: {  	_ =	shalt  }
0x53: {  	_ =	shalt  }
0x54: {  	_ =	shalt  }
0x55: {  	_ =	shalt  }
0x56: {  	_ =	shalt  }
0x57: {  	_ =	shalt  }
0x58: {  	_ =	shalt  }
0x59: {  	_ =	shalt  }
0x5a: {  	_ =	shalt  }
0x5b: {  	_ =	shalt  }
0x5c: {  	_ =	shalt  }
0x5d: {  	_ =	shalt  }
0x5e: {  	_ =	shalt  }
0x5f: {  	_ =	shalt  }
0x60: {  	_ =	shalt  }
0x61: {  	_ =	shalt  }
0x62: {  	_ =	shalt  }
0x63: {  	_ =	shalt  }
0x64: {  	_ =	shalt  }
0x65: {  	_ =	shalt  }
0x66: {  	_ =	shalt  }
0x67: {  	_ =	shalt  }
0x68: {  	_ =	shalt  }
0x69: {  	_ =	shalt  }
0x6a: {  	_ =	shalt  }
0x6b: {  	_ =	shalt  }
0x6c: {  	_ =	shalt  }
0x6d: {  	_ =	shalt  }
0x6e: {  	_ =	shalt  }
0x6f: {  	_ =	shalt  }
0x70: {  	_ =	shalt  }
0x71: {  	_ =	shalt  }
0x72: {  	_ =	shalt  }
0x73: {  	_ =	shalt  }
0x74: {  	_ =	shalt  }
0x75: {  	_ =	shalt  }
0x76: {  	_ =	shalt  }
0x77: {  	_ =	shalt  }
0x78: {  	_ =	shalt  }
0x79: {  	_ =	shalt  }
0x7a: {  	_ =	shalt  }
0x7b: {  	_ =	shalt  }
0x7c: {  	_ =	shalt  }
0x7d: {  	_ =	shalt  }
0x7e: {  	_ =	shalt  }
0x7f: {  	_ =	shalt  }
0x80: {  	_ =	shalt  }
0x81: {  	_ =	shalt  }
0x82: {  	_ =	shalt  }
0x83: {  	_ =	shalt  }
0x84: {  	_ =	shalt  }
0x85: {  	_ =	shalt  }
0x86: {  	_ =	shalt  }
0x87: {  	_ =	shalt  }
.Lfunc_end0:
.L_simem_size_0:
called_computation_lowered:
.L_overlay_start_0:
0x88: {  	s2 =	sld [smem:$0x3FD9]  }
0x89: {  	s3 =	sld [smem:$0x3FFE];
	_ =	sdelay $0x1  }
0x8a: {  	s1 =	srdreg.scid  }
0x8b: {  	s0 =	sand.u32 $0x1, s1  }
0x8c: {  	s17 =	sshll.u32 s0, $0xA;
	s2 =	sadd.s32 s3, s2  }
0x8d: {  	s2 =	sadd.s32 s2, s17  }
0x8e: {  	[smem:$0x3FC0] =	sst s2  }
0x8f: {  	_ = 	snop  }
0x90: {  	s2 =	sld [smem:$0x3FD0];
	(tm) =	ssettm $0x1  }
0x91: {  	s18 =	sld [smem:$0x3FFB];
	_ =	sdelay $0x3  }
0x92: {  	_ =	strace s18  }
0x93: {  	s3 =	sld [smem:$0x3FFC];
	_ =	sdelay $0x3  }
0x94: {  	_ =	strace s3  }
0x95: {  	s3 =	sld [smem:$0x3FFD];
	_ =	sdelay $0x3  }
0x96: {  	_ =	strace s3  }
0x97: {  	_ =	strace $0x8FFFFFFF  }
0x98: {  	s19 =	sld [smem:$0x3FDB];
	_ =	sdelay $0x1  }
0x99: {  	s4 =	simm.s32 $_scs_section_size  }
0x9a: {  	s5 =	simm.s32 $_size__tile_overlayer_lowered;
	s6 =	simm.s32 $_tile_overlayer_lowered  }
0x9b: {  	s22 =	simm.s32 $0x1BFF;
	s21 =	sshll.u32 s6, $0x1;
	s3 =	sadd.s32 s4, s19  }
0x9c: {  	s7 =	simm.s32 $0x0;
	s20 =	sshll.u32 s5, $0x1;
	s5 =	sadd.s32 s21, s3  }
0x9d: {  	[timem:s7], [sflag:s22] =	dma.local [hbm:s5], s20  }
0x9e: {  	_ =	swait.ge [sflag:s22], s20  }
0x9f: {  	s4 =	ssub.s32 $0x0, s20;
	[sflag:s22] =	ssyncset.done $0x0  }
0xa0: {  	[sflag:s22] =	ssyncadd.s32 s4;
	_ =	sdelay $0x1  }
0xa1: {  	s23 =	simm.s32 $0x1B8B  }
0xa2: {  	_ =	swait.ge [sflag:s23], $0x1  }
0xa3: {  	[sflag:s23] =	ssyncset.done $0x0  }
0xa4: {  	s25 =	simm.s32 $0x1B8E;
	s24 =	sld [smem:$0x3FFE];
	[sflag:s23] =	ssyncadd.s32 $0xFFFFFFFF  }
0xa5: {  	s26 =	simm.s32 $execute0_lowered;
	[smem:$0x3FD2] =	sst s25  }
0xa6: {  	s5 =	sshll.u32 s26, $0x1;
	_ =	strace $0x80000046;
	[dreg:$0x1] =	wrdreg $0xFFFFFFFF  }
0xa7: {  	s28 =	simm.s32 $_size_execute0_lowered;
	s3 =	sadd.s32 s3, s5;
	[dreg:$0x0] =	wrdreg $0x0  }
0xa8: {  	s5 =	sshll.u32 s28, $0x1;
	[dreg:$0x2] =	wrdreg s3  }
0xa9: {  	[dreg:$0x3] =	wrdreg s5  }
0xaa: {  	[dreg:$0x4] =	wrdreg $0xC0  }
0xab: {  	_ =	task [dreg:s7], $0x5FFFF  }
0xac: {  	[dreg:$0x1] =	wrdreg $0xFFFFFFFF  }
0xad: {  	[dreg:$0x0] =	wrdreg $0x60  }
0xae: {  	[dreg:$0x2] =	wrdreg s2  }
0xaf: {  	[dreg:$0x3] =	wrdreg s24  }
0xb0: {  	[dreg:$0x4] =	wrdreg $0x9  }
0xb1: {  	_ =	task.clear_ibuf [dreg:s7], $0x5FFFF;
	_ =	strace $0x90000046  }
0xb2: {  	s29 =	simm.s32 $0x9;
	_ =	strace $0x80000048  }
0xb3: {  	_ =	swait.ge [sflag:s29], $0x1  }
0xb4: {  	[sflag:s29] =	ssyncadd.s32 $0xFFFFFFFF  }
0xb5: {  	_ =	strace $0x90000048  }
0xb6: {  	_ =	sfence  }
0xb7: {  	s30 =	sld [smem:$0x0];
	_ =	sdelay $0x2  }
0xb8: {  	s31 =	sshll.u32 s1, $0xD;
	s1 =	sshrl.u32 s1, $0x2  }
0xb9: {  	s3 =	sand.u32 $0x4000, s31;
	s1 =	sadd.s32 s1, s30  }
0xba: {  	s0 =	sor.u32 s3, s0;
	s1 =	sshll.u32 s1, $0x11  }
0xbb: {  	s0 =	sor.u32 s1, s0  }
0xbc: {  	s0 =	sadd.s32 $0x8F2B, s0  }
0xbd: {  	[sflag:s0] =	ssyncadd.remote.s32 $0x1  }
0xbe: {  	_ =	sfence.sel $0xFFFF  }
0xbf: {  	[dreg:$0x0] =	wrdreg $0xFFFFFFFF;
	(pc) =	sbr.abs _section_cstart, $3  }
0xc0: {  	[dreg:$0x1] =	wrdreg $0xFFFFFFFF  }
0xc1: {  	_ =	task.clear_ibuf [dreg:s7], $0x2FFFF;
	_ =	strace $0x9FFFFFFF  }
0xc2: {  	(tm) =	ssettm $0x7FFFFFFF  }
0xc3: {  	_ =	shalt  }
tec
execute0_lowered:
.L_overlay_start_1:
0x0: {  	(tag) =	ssettag $0x1  }
0x1: {  	s2 =	rddreg [dreg:$0x0];
	s0 =	srdreg.scid  }
0x2: {  	s5 =	rddreg [dreg:$0x1];
	s1 =	stileid.u32;
	s3 =	simm.s32 $0x0  }
0x3: {  	s13 =	simm.s32 $0x1400;
	s14 =	simm.s32 $0x2800;
	s15 =	simm.s32 $0x5880  }
0x4: {  	s16 =	simm.s32 $0x8900;
	s17 =	simm.s32 $0x0;
	s6 =	sand.u32 $0x1, s0  }
0x5: {  	s0 =	rddreg [dreg:$0x2];
	s7 =	sshrl.u32 s1, $0x3;
	s4 =	smul.u32 $0x30000, s6  }
0x6: {  	s8 =	sshll.u32 s1, $0x7;
	[smem:$0x7FF] =	sst s3;
	s9 =	smul.u32 $0x18000, s7  }
0x7: {  	s8 =	sand.u32 $0x380, s8;
	s28 =	sshll.u32 s6, $0xB;
	s10 =	sshll.u32 s7, $0xA  }
0x8: {  	_ =	strace $0x80000047;
	s30 =	ssub.s32 $0x2, s6;
	s12 =	smul.u32 $0xFFFFEC00, s6  }
0x9: {  	s7 =	smul.u32 $0x28000, s7;
	s31 =	sshrl.u32 s30, $0x1;
	s4 =	sadd.s32 s4, s9  }
0xa: {  	s9 =	sor.u32 s28, s10;
	v0 =	vmov s12;
	s12 =	simm.s32 $0x1;
	s11 =	sor.u32 s8, s4  }
.Ltmp0:
0xb: {  	s4 =	sadd.s32 $0x3800, s5;
	s9 =	sor.u32 s8, s9;
	(pc) =	sbr.rel .LBB2_1-.Ltmp0, $4  }
0xc: {  	s29 =	sshrl.u32 s11, $0x3;
	s9 =	sshrl.u32 s9, $0x3;
	s11 =	ssub.s32 s30, s31  }
0xd: {  	s10 =	sadd.s32 s29, s5;
	s9 =	sadd.s32 s9, s5;
	s5 =	sor.u32 s8, s7  }
0xe: {  	v1 =	vlaneseq.u32;
	s6 =	sadd.s32 $0x19800, s10;
	s7 =	sadd.s32 $0xD800, s10;
	s8 =	sadd.s32 $0x25800, s9  }
0xf: {  	v2 =	vor.u32 $0x1400, v1;
	v3 =	vor.u32 $0x80000010, v1;
	v4 =	vor.u32 $0x80000000, v1;
	s9 =	smax.u32 s11, $0x1;
	s10 =	simm.s32 $0x80;
	s11 =	simm.s32 $0x400  }
.LBB2_9:
0x10: {  	v5 =	vmov s19  }
0x11: {  	[tilespmem:$0x8900] =	vst v5  }
0x12: {  	[hbm4b:s6+s10] =	stream.strided.scatter [tilespmem:s14], [sflag:$0x1], $0x3000, s11, s10, $0x38;
	[tilespmem:$0x8980] =	vst v63  }
0x13: {  	_ =	swait.ge [sflag:s12], $0x3000  }
0x14: {  	[sflag:s12] =	ssyncset.done $0x0  }
0x15: {  	[sflag:s12] =	ssyncadd.s32 $0xFFFFD000  }
0x16: {  	[hbm4b:s7+s10] =	stream.strided.scatter [tilespmem:s15], [sflag:$0x1], $0x3000, s11, s10, $0x38;
	[tilespmem:$0x8980] =	vst v63  }
0x17: {  	s17 =	sadd.s32 $0x1, s17;
	_ =	swait.ge [sflag:s12], $0x3000  }
0x18: {  	p0 =	sne.s32 s17, s9;
	[sflag:s12] =	ssyncset.done $0x0  }
.Ltmp1:
0x19: {  	[sflag:s12] =	ssyncadd.s32 $0xFFFFD000;
	(pc) =	sbr.rel @!p0 .LBB2_10-.Ltmp1, $4  }
0x1a: {  	[hbm4b:s8+s3] =	stream.linear.scatter [tilespmem:s16], [sflag:$0x1], $0x80, $0x38;
	[tilespmem:$0x8980] =	vst v63  }
0x1b: {  	_ =	swait.ge [sflag:s12], $0x80  }
0x1c: {  	[sflag:s12] =	ssyncset.done $0x0  }
0x1d: {  	[sflag:s12] =	ssyncadd.s32 $0xFFFFFF80  }
.LBB2_1:
0x1e: {  	s18 =	sand.u32 $0xFFFE, s3  }
0x1f: {  	s18 =	sshrl.u32 s18, $0x1  }
0x20: {  	s18 =	smul.u32 $0x4925, s18;
	_ =	sdelay $0x1  }
0x21: {  	s18 =	sshrl.u32 s18, $0x11  }
0x22: {  	s19 =	simm.s32 $0x1;
	s18 =	smul.u32 $0xE, s18  }
0x23: {  	s20 =	sand.u32 $0xFFFE, s19  }
0x24: {  	s20 =	sshrl.u32 s20, $0x1;
	s18 =	ssub.s32 $0x0, s18  }
0x25: {  	s21 =	sand.u32 $0x70, s3;
	s20 =	smul.u32 $0x4925, s20;
	s18 =	sshll.u32 s18, $0x4  }
0x26: {  	s22 =	sor.u32 $0x1400, s21;
	s21 =	simm.s32 $0x2;
	s18 =	sadd.s32 $0x2720, s18  }
0x27: {  	v5 =	vor.u32 s22, v1;
	s22 =	simm.s32 $0x0;
	s20 =	sshrl.u32 s20, $0x11;
	s18 =	sand.u32 $0xFFF0, s18  }
0x28: {  	[tilespmem:s15+$0x0] =	vst v5;
	s23 =	smul.u32 $0xE, s20;
	s20 =	simm.s32 $0x5880;
	v5 =	vor.u32 s18, v1;
	s18 =	simm.s32 $0x2800  }
.LBB2_2:
0x29: {  	s24 =	sand.u32 $0xFFFE, s21;
	p0 =	sne.s32 s21, $0x2FF  }
0x2a: {  	[tilespmem:s18+$0x0] =	vst v5;
	s25 =	smov.u32 s21;
	s21 =	sadd.s32 $0x1, s21;
	s22 =	sadd.s32 $0x10, s22  }
.Ltmp2:
0x2b: {  	s24 =	sshrl.u32 s24, $0x1;
	s19 =	ssub.s32 s19, s23;
	(pc) =	sbr.rel @p0 .LBB2_2-.Ltmp2, $4  }
0x2c: {  	s23 =	smul.u32 $0x4925, s24;
	s24 =	sand.u32 $0x70, s22;
	s19 =	sshll.u32 s19, $0x4  }
0x2d: {  	s24 =	sor.u32 $0x1400, s24;
	s26 =	sadd.s32 $0x2720, s19;
	s19 =	smov.u32 s25  }
0x2e: {  	s20 =	sadd.s32 $0x10, s20;
	s23 =	sshrl.u32 s23, $0x11;
	v5 =	vor.u32 s24, v1;
	s24 =	sand.u32 $0xFFF0, s26  }
0x2f: {  	s18 =	sadd.s32 $0x10, s18;
	s23 =	smul.u32 $0xE, s23;
	[tilespmem:s20+$0x0] =	vst v5;
	v5 =	vor.u32 s24, v1  }
0x30: {  	_ = 	snop  }
0x31: {  	s21 =	sadd.s32 $0x10, s22;
	s19 =	ssub.s32 s19, s23  }
0x32: {  	s21 =	sand.u32 $0x70, s21;
	s19 =	sshll.u32 s19, $0x4  }
0x33: {  	s21 =	sor.u32 $0x1400, s21;
	s19 =	sadd.s32 $0x2720, s19  }
0x34: {  	[tilespmem:s18+$0x0] =	vst v5;
	s20 =	sadd.s32 $0x10, s20;
	v5 =	vor.u32 s21, v1;
	s19 =	sand.u32 $0xFFF0, s19  }
0x35: {  	s31 =	sadd.s32 $0x10, s18;
	[tilespmem:s20+$0x0] =	vst v5;
	v5 =	vor.u32 s19, v1  }
0x36: {  	s18 =	simm.s32 $0x0;
	s20 =	simm.s32 $0x0;
	s19 =	simm.s32 $0x0;
	[tilespmem:s31+$0x0] =	vst v5  }
.LBB2_4:
0x37: {  	s21 =	smul.u32 $0xA000, s20;
	_ =	sdelay $0x1  }
0x38: {  	s21 =	sadd.s32 s5, s21  }
0x39: {  	s21 =	sshrl.u32 s21, $0x3  }
0x3a: {  	s22 =	sadd.s32 s2, s21  }
0x3b: {  	[tilespmem:s18], [sflag:$0x1] =	stream.strided.gather [hbm4b:s22+s10], $0x1400, s11, s10, $0x38;
	[tilespmem:$0x8980] =	vst v63  }
0x3c: {  	_ =	swait.ge [sflag:s12], $0x1400  }
0x3d: {  	[sflag:s12] =	ssyncset.done $0x0  }
0x3e: {  	s21 =	sadd.s32 s4, s21;
	[sflag:s12] =	ssyncadd.s32 $0xFFFFEC00  }
0x3f: {  	[tilespmem:s13], [sflag:$0x1] =	stream.strided.gather [hbm4b:s21+s10], $0x1400, s11, s10, $0x38;
	[tilespmem:$0x8980] =	vst v63  }
0x40: {  	_ =	swait.ge [sflag:s12], $0x1400  }
0x41: {  	[sflag:s12] =	ssyncset.done $0x0  }
0x42: {  	s31 =	simm.s32 $0x0;
	[sflag:s12] =	ssyncadd.s32 $0xFFFFEC00  }
0x43: {  	v5 =	vld [tilespmem:s31+$0x1400];
	_ =	sdelay $0x2  }
0x44: {  	v6 =	vld [tilespmem:s31+$0x0]  }
0x45: {  	p1 =	por $0x1, $0x1  }
.Ltmp3:
0x46: {  	v5 =	vadd.s32 v0, v5;
	(pc) =	sbr.rel @!p1 .LBB2_5-.Ltmp3, $4  }
0x47: {  	vm0 =	vlt.u32 v5, $0x1400  }
0x48: {  	v5 =	vsel vm0, v5, v2;
	v7 =	vsel vm0, v4, v3;
	v8 =	vmpcnt.ones.xlane vm0  }
0x49: {  	v6 =	vnsel vm0, $0x2710, v6;
	(xrf1) =	vsort.ascd.msk.u32 $0xffff, v7, v5  }
0x4a: {  	p0 =	por $0x0, $0x0;
	v5 =	vxor.u32 $0x80000000, v8;
	(xrf1) =	vsort.ascd.msk.u32 $0xffff, v7, v6  }
0x4b: {  	(xrf0) =	vmax.scan.msk.u32 $0xffff, v5;
	_ =	sdelay $0x5  }
0x4c: {  	v5, _, _ =	vpop (xrf0)  }
0x4d: {  	(v2sf) =	vpush v5, $0xF;
	_ =	sdelay $0x4  }
0x4e: {  	_, v5, _ =	vpop (xrf1)  }
0x4f: {  	[tilespmem:s19+$0x5880] =	vst v5;
	_, v5, _ =	vpop (xrf1)  }
0x50: {  	s21 =	simm.s32 $0x10;
	[tilespmem:s19+$0x2800] =	vst v5  }
0x51: {  	v5 =	vld [tilespmem:s21+$0x1400];
	_ =	sdelay $0x2  }
0x52: {  	v6 =	vld [tilespmem:s21+$0x0]  }
0x53: {  	p1 =	por $0x1, $0x1  }
.Ltmp4:
0x54: {  	v5 =	vadd.s32 v0, v5;
	(pc) =	sbr.rel @!p1 .LBB2_8-.Ltmp4, $4  }
0x55: {  	vm0 =	vlt.u32 v5, $0x1400  }
0x56: {  	v5 =	vsel vm0, v5, v2;
	v7 =	vsel vm0, v4, v3;
	v8 =	vmpcnt.ones.xlane vm0;
	s31 =	spop (v2sf)  }
0x57: {  	v6 =	vnsel vm0, $0x2710, v6;
	(xrf1) =	vsort.ascd.msk.u32 $0xffff, v7, v5;
	s21 =	sadd.s32 s31, s19  }
0x58: {  	s22 =	simm.s32 $0x80;
	p0 =	por $0x1, $0x1;
	v5 =	vxor.u32 $0x80000000, v8;
	(xrf1) =	vsort.ascd.msk.u32 $0xffff, v7, v6;
	s21 =	sadd.s32 $0x80000000, s21  }
.LBB2_7:
0x59: {  	p1 =	sne.s32 s22, $0x4FC0  }
0x5a: {  	(xrf0) =	vmax.scan.msk.u32 $0xffff, v5;
	p2 =	slt.s32 s21, $0x3000;
	s23 =	smov.u32 s22;
	s22 =	sadd.s32 $0x40, s22  }
0x5b: {  	s21 =	simm.s32 @!p2 $0x3000;
	_ =	sdelay $0x4  }
0x5c: {  	v5, _, _ =	vpop (xrf0)  }
0x5d: {  	(v2sf) =	vpush v5, $0xF;
	_ =	sdelay $0x4  }
0x5e: {  	_, v5, _ =	vpop (xrf1)  }
0x5f: {  	s23 =	sshra.s32 s23, $0x2;
	[tilespmem:s21+$0x5880] =	vst v5;
	_, v5, _ =	vpop (xrf1)  }
0x60: {  	[tilespmem:s21+$0x2800] =	vst v5  }
0x61: {  	v5 =	vld [tilespmem:s23+$0x1400];
	_ =	sdelay $0x2  }
0x62: {  	v6 =	vld [tilespmem:s23+$0x0];
	_ =	sdelay $0x1  }
.Ltmp5:
0x63: {  	v5 =	vadd.s32 v0, v5;
	(pc) =	sbr.rel @p1 .LBB2_7-.Ltmp5, $4  }
0x64: {  	vm0 =	vlt.u32 v5, $0x1400  }
0x65: {  	v5 =	vsel vm0, v5, v2;
	v7 =	vsel vm0, v4, v3;
	v8 =	vmpcnt.ones.xlane vm0;
	s23 =	spop (v2sf)  }
0x66: {  	v6 =	vnsel vm0, $0x2710, v6;
	(xrf1) =	vsort.ascd.msk.u32 $0xffff, v7, v5;
	s21 =	sadd.s32 s23, s21  }
0x67: {  	v5 =	vxor.u32 $0x80000000, v8;
	(xrf1) =	vsort.ascd.msk.u32 $0xffff, v7, v6;
	s21 =	sadd.s32 $0x80000000, s21  }
.LBB2_8:
0x68: {  	(xrf0) =	vmax.scan.msk.u32 $0xffff, v5;
	_ =	sdelay $0x5  }
0x69: {  	v5, _, _ =	vpop (xrf0)  }
0x6a: {  	(v2sf) =	vpush v5, $0xF;
	_ =	sdelay $0xa  }
0x6b: {  	p1 =	slt.s32 @p0 s21, $0x3000  }
0x6c: {  	p1 =	por !p1, !p0  }
0x6d: {  	s20 =	sadd.s32 $0x1, s20;
	s21 =	simm.s32 @p1 $0x3000  }
0x6e: {  	p1 =	sne.s32 s20, $0x4;
	s19 =	smov.u32 @p0 s21;
	_, v5, _ =	vpop (xrf1)  }
.Ltmp6:
0x6f: {  	[tilespmem:s19+$0x5880] =	vst v5;
	_, v5, _ =	vpop (xrf1);
	s31 =	spop (v2sf);
	(pc) =	sbr.rel @p1 .LBB2_4-.Ltmp6, $4  }
.Ltmp7:
0x70: {  	[tilespmem:s19+$0x2800] =	vst v5;
	s19 =	sadd.s32 s31, s19;
	(pc) =	sbr.rel @!p1 .LBB2_9-.Ltmp7, $4  }
0x71: {  	s19 =	sadd.s32 $0x80000000, s19  }
0x72: {  	p0 =	slt.s32 s19, $0x3000  }
0x73: {  	s19 =	simm.s32 @!p0 $0x3000  }
0x74: {  	_ = 	snop  }
.LBB2_5:
.Ltmp8:
0x75: {  	(pc) =	sbr.rel .LBB2_8-.Ltmp8, $2  }
0x76: {  	_ =	sdelay $0x2  }
0x77: {  	_ = 	snop  }
.LBB2_10:
0x78: {  	_ =	sfence.sel $0x180000  }
0x79: {  	[bflag:$0x0] =	sbarrier.arrive $0xFFFF  }
0x7a: {  	p0 =	sne.s32 s1, $0x0;
	_ =	strace $0x90000047  }
0x7b: {  	s0 =	sadd.s32 @!p0 $0x100000, s0;
	[bflag:$0x2] =	sbarrier.arrive $0xFFFF  }
0x7c: {  	[sflag:s0] =	ssyncadd.tile.s32 @!p0 $0x1;
	_ =	shalt  }
.Lfunc_end2:
_tile_overlayer_lowered:
.L_overlay_start_2:
0x7d: {  	(tag) =	ssettag $0x2  }
0x7e: {  	s0 =	rddreg [dreg:$0x0];
	s2 =	stileid.u32  }
0x7f: {  	s1 =	rddreg [dreg:$0x1];
	p0 =	sne.s32 s2, $0x0  }
0x80: {  	s3 =	rddreg [dreg:$0x2];
	[bflag:$0x3] =	sbarrier.arrive $0xFFFF;
	s2 =	simm.s32 @!p0 $0x1C01  }
0x81: {  	[timem:s3], [sflag:s2] =	dma.local @!p0 [hbm:s0], s1  }
0x82: {  	s0 =	simm.s32 @!p0 $0x1  }
0x83: {  	_ =	swait.ge @!p0 [sflag:s0], s1  }
0x84: {  	s1 =	ssub.s32 @!p0 $0x0, s1;
	[sflag:s0] =	ssyncset.done @!p0 $0x0  }
0x85: {  	[sflag:s0] =	ssyncadd.s32 @!p0 s1  }
0x86: {  	[bflag:$0x3] =	sbarrier.arrive $0xFFFF  }
0x87: {  	_ =	shalt  }

// kernel: kernel.13.cloned.1.call-start
scs
__scs_entry_jumppad:
0x0: {  	(pc) =	sbr.rel $0x88, $3  }
0x1: {  	(tag) =	ssettag $0x0;
	lr =	simm.s32 $0x1  }
0x2: {  	[smem:$0x3F99] =	sst lr;
	_ =	strace $0xD0000000  }
0x3: {  	_ = 	snop  }
0x4: {  	_ = 	snop  }
0x5: {  	_ = 	snop  }
0x6: {  	_ = 	snop  }
0x7: {  	_ = 	snop  }
__scs_overlays_trampoline_lowered:
0x8: {  	[smem:$0x3FA8] =	sst s0  }
0x9: {  	[smem:$0x3FA9] =	sst s1  }
0xa: {  	[smem:$0x3FAA] =	sst s2  }
0xb: {  	[smem:$0x3FAB] =	sst s3  }
0xc: {  	[smem:$0x3FAC] =	sst s4  }
0xd: {  	[smem:$0x3FAD] =	sst s5  }
0xe: {  	[smem:$0x3FAE] =	sst s6  }
0xf: {  	[smem:$0x3FAF] =	sst s7  }
0x10: {  	[smem:$0x3FB0] =	sst s8  }
0x11: {  	[smem:$0x3FB1] =	sst s9;
	s0 =	simm.s32 @!p0 $0x0  }
0x12: {  	s1 =	sld [smem:$0x3F97];
	s0 =	simm.s32 @p0 $0x1  }
0x13: {  	[smem:$0x3FB2] =	sst s0;
	s0 =	simm.s32 @!p1 $0x0  }
0x14: {  	s2 =	sld [smem:$0x3F96];
	s0 =	simm.s32 @p1 $0x1  }
0x15: {  	[smem:$0x3FB3] =	sst s0;
	s0 =	simm.s32 @!p2 $0x0  }
0x16: {  	s3 =	sld [smem:$0x3FDB];
	s0 =	simm.s32 @p2 $0x1  }
0x17: {  	s4 =	simm.s32 $0x1BF5;
	[smem:$0x3FB5] =	sst s0  }
0x18: {  	s0 =	sld [smem:$0x3F98];
	_ =	swait.ge [sflag:s4], $0x0  }
0x19: {  	s7 =	sld [smem:$0x3F99]  }
0x1a: {  	s8 =	sadd.s32 $0xFFFFE003, lr  }
0x1b: {  	s9 =	sadd.s32 $0xFFFFFEF7, lr;
	s5 =	simm.s32 $0xFFFFFFFF;
	p2 =	slt.u32 s8, $0xFFFFF086  }
0x1c: {  	p1 =	slt.u32 s9, $0xF7A;
	s5 =	simm.s32 @!p2 $0x0  }
0x1d: {  	s5 =	simm.s32 @p1 $0x1;
	p0 =	seq.s32 s7, s2  }
0x1e: {  	s7 =	smul.u32 @!p0 $0xF7A, s2;
	p2 =	seq.s32 @!p0 s5, $0x0  }
0x1f: {  	s9 =	smul.u32 $0xF7A, s1;
	s8 =	simm.s32 @!p0 $0x1BF5;
	p2 =	por !p2, p0  }
0x20: {  	[sflag:s8] =	ssyncset.s32 @!p0 $0xFFFFF086;
	s6 =	sadd.s32 @!p0 s3, s7;
	s7 =	simm.s32 @!p0 $0x108  }
0x21: {  	s3 =	sadd.s32 s3, s9;
	s6 =	sadd.s32 @!p0 $0x88, s6;
	s7 =	simm.s32 @p2 $0x1082  }
0x22: {  	[simem:s7], [sflag:s8] =	dma.local @!p0 [hbm:s6], $0xF7A  }
0x23: {  	s9 =	sor.u32 $0xD0000000, s2;
	s6 =	simm.s32 $0x108;
	_ =	swait.ge @!p0 [sflag:s8], $0x0  }
0x24: {  	s3 =	sadd.s32 $0x88, s3;
	s6 =	simm.s32 @!p1 $0x1082;
	[sflag:s4] =	ssyncset.s32 $0xFFFFF086  }
0x25: {  	[simem:s6], [sflag:s4] =	dma.local [hbm:s3], $0xF7A  }
0x26: {  	[smem:$0x3F99] =	sst s1;
	(tag) =	ssettag s2;
	_ =	strace s9  }
0x27: {  	s1 =	sld [smem:$0x3FA9]  }
0x28: {  	s2 =	sld [smem:$0x3FAA]  }
0x29: {  	s4 =	sld [smem:$0x3FAC]  }
0x2a: {  	p0 =	seq.s32 s5, $0x0;
	s5 =	sld [smem:$0x3FAD]  }
0x2b: {  	s6 =	sld [smem:$0x3FAE]  }
0x2c: {  	s7 =	sld [smem:$0x3FAF]  }
0x2d: {  	s3 =	simm.s32 $0x108;
	s8 =	sld [smem:$0x3FB0]  }
0x2e: {  	s3 =	simm.s32 @!p0 $0x1082;
	s9 =	sld [smem:$0x3FB1]  }
0x2f: {  	lr =	sadd.s32 s0, s3;
	s0 =	sld [smem:$0x3FA8]  }
0x30: {  	s3 =	sld [smem:$0x3FAB]  }
0x31: {  	[smem:$0x3FB4] =	sst s10  }
0x32: {  	s10 =	sld [smem:$0x3FB2];
	_ =	sdelay $0x3  }
0x33: {  	p0 =	seq.s32 s10, $0x1;
	s10 =	sld [smem:$0x3FB4];
	_ =	sdelay $0x3  }
0x34: {  	[smem:$0x3FB4] =	sst s10  }
0x35: {  	s10 =	sld [smem:$0x3FB3];
	_ =	sdelay $0x3  }
0x36: {  	p1 =	seq.s32 s10, $0x1;
	s10 =	sld [smem:$0x3FB4];
	_ =	sdelay $0x3  }
0x37: {  	[smem:$0x3FB4] =	sst s10  }
0x38: {  	s10 =	sld [smem:$0x3FB5]  }
0x39: {  	_ = 	snop;
	(pc) =	sbr.ind lr, $3  }
0x3a: {  	_ = 	snop  }
0x3b: {  	_ = 	snop  }
0x3c: {  	p2 =	seq.s32 s10, $0x1;
	s10 =	sld [smem:$0x3FB4]  }
0x3d: {  	_ =	shalt  }
0x3e: {  	_ =	shalt  }
0x3f: {  	_ =	shalt  }
0x40: {  	_ =	shalt  }
0x41: {  	_ =	shalt  }
0x42: {  	_ =	shalt  }
0x43: {  	_ =	shalt  }
0x44: {  	_ =	shalt  }
0x45: {  	_ =	shalt  }
0x46: {  	_ =	shalt  }
0x47: {  	_ =	shalt  }
0x48: {  	_ =	shalt  }
0x49: {  	_ =	shalt  }
0x4a: {  	_ =	shalt  }
0x4b: {  	_ =	shalt  }
0x4c: {  	_ =	shalt  }
0x4d: {  	_ =	shalt  }
0x4e: {  	_ =	shalt  }
0x4f: {  	_ =	shalt  }
0x50: {  	_ =	shalt  }
0x51: {  	_ =	shalt  }
0x52: {  	_ =	shalt  }
0x53: {  	_ =	shalt  }
0x54: {  	_ =	shalt  }
0x55: {  	_ =	shalt  }
0x56: {  	_ =	shalt  }
0x57: {  	_ =	shalt  }
0x58: {  	_ =	shalt  }
0x59: {  	_ =	shalt  }
0x5a: {  	_ =	shalt  }
0x5b: {  	_ =	shalt  }
0x5c: {  	_ =	shalt  }
0x5d: {  	_ =	shalt  }
0x5e: {  	_ =	shalt  }
0x5f: {  	_ =	shalt  }
0x60: {  	_ =	shalt  }
0x61: {  	_ =	shalt  }
0x62: {  	_ =	shalt  }
0x63: {  	_ =	shalt  }
0x64: {  	_ =	shalt  }
0x65: {  	_ =	shalt  }
0x66: {  	_ =	shalt  }
0x67: {  	_ =	shalt  }
0x68: {  	_ =	shalt  }
0x69: {  	_ =	shalt  }
0x6a: {  	_ =	shalt  }
0x6b: {  	_ =	shalt  }
0x6c: {  	_ =	shalt  }
0x6d: {  	_ =	shalt  }
0x6e: {  	_ =	shalt  }
0x6f: {  	_ =	shalt  }
0x70: {  	_ =	shalt  }
0x71: {  	_ =	shalt  }
0x72: {  	_ =	shalt  }
0x73: {  	_ =	shalt  }
0x74: {  	_ =	shalt  }
0x75: {  	_ =	shalt  }
0x76: {  	_ =	shalt  }
0x77: {  	_ =	shalt  }
0x78: {  	_ =	shalt  }
0x79: {  	_ =	shalt  }
0x7a: {  	_ =	shalt  }
0x7b: {  	_ =	shalt  }
0x7c: {  	_ =	shalt  }
0x7d: {  	_ =	shalt  }
0x7e: {  	_ =	shalt  }
0x7f: {  	_ =	shalt  }
0x80: {  	_ =	shalt  }
0x81: {  	_ =	shalt  }
0x82: {  	_ =	shalt  }
0x83: {  	_ =	shalt  }
0x84: {  	_ =	shalt  }
0x85: {  	_ =	shalt  }
0x86: {  	_ =	shalt  }
0x87: {  	_ =	shalt  }
.Lfunc_end0:
.L_simem_size_0:
called_computation.1_lowered:
.L_overlay_start_0:
0x88: {  	s2 =	sld [smem:$0x3FD9]  }
0x89: {  	s3 =	sld [smem:$0x3FFE];
	_ =	sdelay $0x1  }
0x8a: {  	s1 =	srdreg.scid  }
0x8b: {  	s0 =	sand.u32 $0x1, s1  }
0x8c: {  	s17 =	sshll.u32 s0, $0xA;
	s2 =	sadd.s32 s3, s2  }
0x8d: {  	s2 =	sadd.s32 s2, s17  }
0x8e: {  	[smem:$0x3FC0] =	sst s2  }
0x8f: {  	_ = 	snop  }
0x90: {  	s2 =	sld [smem:$0x3FD0];
	(tm) =	ssettm $0x1  }
0x91: {  	s18 =	sld [smem:$0x3FFB];
	_ =	sdelay $0x3  }
0x92: {  	_ =	strace s18  }
0x93: {  	s3 =	sld [smem:$0x3FFC];
	_ =	sdelay $0x3  }
0x94: {  	_ =	strace s3  }
0x95: {  	s3 =	sld [smem:$0x3FFD];
	_ =	sdelay $0x3  }
0x96: {  	_ =	strace s3  }
0x97: {  	_ =	strace $0x8FFFFFFF  }
0x98: {  	s19 =	sld [smem:$0x3FDB];
	_ =	sdelay $0x1  }
0x99: {  	s4 =	simm.s32 $_scs_section_size  }
0x9a: {  	s5 =	simm.s32 $_size__tile_overlayer_lowered;
	s6 =	simm.s32 $_tile_overlayer_lowered  }
0x9b: {  	s22 =	simm.s32 $0x1BFF;
	s21 =	sshll.u32 s6, $0x1;
	s3 =	sadd.s32 s4, s19  }
0x9c: {  	s7 =	simm.s32 $0x0;
	s20 =	sshll.u32 s5, $0x1;
	s5 =	sadd.s32 s21, s3  }
0x9d: {  	[timem:s7], [sflag:s22] =	dma.local [hbm:s5], s20  }
0x9e: {  	_ =	swait.ge [sflag:s22], s20  }
0x9f: {  	s4 =	ssub.s32 $0x0, s20;
	[sflag:s22] =	ssyncset.done $0x0  }
0xa0: {  	[sflag:s22] =	ssyncadd.s32 s4;
	_ =	sdelay $0x1  }
0xa1: {  	s23 =	simm.s32 $0x1B8B  }
0xa2: {  	_ =	swait.ge [sflag:s23], $0x1  }
0xa3: {  	[sflag:s23] =	ssyncset.done $0x0  }
0xa4: {  	s25 =	simm.s32 $0x1B8E;
	s24 =	sld [smem:$0x3FFE];
	[sflag:s23] =	ssyncadd.s32 $0xFFFFFFFF  }
0xa5: {  	s26 =	simm.s32 $execute0_lowered;
	[smem:$0x3FD2] =	sst s25  }
0xa6: {  	s5 =	sshll.u32 s26, $0x1;
	_ =	strace $0x80000049;
	[dreg:$0x1] =	wrdreg $0xFFFFFFFF  }
0xa7: {  	s28 =	simm.s32 $_size_execute0_lowered;
	s3 =	sadd.s32 s3, s5;
	[dreg:$0x0] =	wrdreg $0x0  }
0xa8: {  	s5 =	sshll.u32 s28, $0x1;
	[dreg:$0x2] =	wrdreg s3  }
0xa9: {  	[dreg:$0x3] =	wrdreg s5  }
0xaa: {  	[dreg:$0x4] =	wrdreg $0xC0  }
0xab: {  	_ =	task [dreg:s7], $0x5FFFF  }
0xac: {  	[dreg:$0x1] =	wrdreg $0xFFFFFFFF  }
0xad: {  	[dreg:$0x0] =	wrdreg $0x60  }
0xae: {  	[dreg:$0x2] =	wrdreg s2  }
0xaf: {  	[dreg:$0x3] =	wrdreg s24  }
0xb0: {  	[dreg:$0x4] =	wrdreg $0x90800  }
0xb1: {  	[dreg:$0x5] =	wrdreg $0x9  }
0xb2: {  	_ =	task.clear_ibuf [dreg:s7], $0x6FFFF;
	_ =	strace $0x90000049  }
0xb3: {  	s29 =	simm.s32 $0x9;
	_ =	strace $0x8000004B  }
0xb4: {  	_ =	swait.ge [sflag:s29], $0x1  }
0xb5: {  	[sflag:s29] =	ssyncadd.s32 $0xFFFFFFFF  }
0xb6: {  	_ =	strace $0x9000004B  }
0xb7: {  	_ =	sfence  }
0xb8: {  	s30 =	sld [smem:$0x0];
	_ =	sdelay $0x2  }
0xb9: {  	s31 =	sshll.u32 s1, $0xD;
	s1 =	sshrl.u32 s1, $0x2  }
0xba: {  	s3 =	sand.u32 $0x4000, s31;
	s1 =	sadd.s32 s1, s30  }
0xbb: {  	s0 =	sor.u32 s3, s0;
	s1 =	sshll.u32 s1, $0x11  }
0xbc: {  	s0 =	sor.u32 s1, s0  }
0xbd: {  	s0 =	sadd.s32 $0x8F2B, s0  }
0xbe: {  	[sflag:s0] =	ssyncadd.remote.s32 $0x1  }
0xbf: {  	_ =	sfence.sel $0xFFFF  }
0xc0: {  	[dreg:$0x0] =	wrdreg $0xFFFFFFFF;
	(pc) =	sbr.abs _section_cstart, $3  }
0xc1: {  	[dreg:$0x1] =	wrdreg $0xFFFFFFFF  }
0xc2: {  	_ =	task.clear_ibuf [dreg:s7], $0x2FFFF;
	_ =	strace $0x9FFFFFFF  }
0xc3: {  	(tm) =	ssettm $0x7FFFFFFF  }
tec
execute0_lowered:
.L_overlay_start_1:
0x0: {  	(tag) =	ssettag $0x1  }
0x1: {  	s6 =	rddreg [dreg:$0x0]  }
0x2: {  	s4 =	rddreg [dreg:$0x1]  }
0x3: {  	s0 =	srdreg.scid;
	s2 =	rddreg [dreg:$0x2]  }
0x4: {  	s1 =	rddreg [dreg:$0x3];
	s3 =	simm.s32 $0x0;
	s13 =	simm.s32 $0x9000  }
0x5: {  	s14 =	simm.s32 $0x1;
	s15 =	simm.s32 $0x7000;
	s5 =	sand.u32 $0x1, s0  }
0x6: {  	s18 =	simm.s32 $0x0;
	s0 =	stileid.u32;
	s7 =	smul.u32 $0xA0000, s5  }
0x7: {  	[smem:$0x7FF] =	sst s3;
	s8 =	smul.u32 $0xA000, s0;
	s9 =	sshll.u32 s0, $0x4  }
0x8: {  	_ =	strace $0x8000004A;
	s26 =	ssub.s32 $0x2, s5;
	s28 =	sshll.u32 s5, $0x4  }
0x9: {  	s5 =	sshll.u32 s5, $0x8;
	s10 =	smul.u32 $0x28000, s0;
	s16 =	sshll.u32 s0, $0x6  }
0xa: {  	s25 =	sadd.s32 s9, s4;
	s9 =	sor.u32 s0, s28;
	s11 =	sshrl.u32 s26, $0x1  }
0xb: {  	s16 =	sor.u32 $0x1C01, s16;
	s7 =	sadd.s32 s8, s7;
	s5 =	sadd.s32 s5, s25  }
0xc: {  	s29 =	smul.u32 $0x600, s9;
	s30 =	ssub.s32 s26, s11;
	s7 =	sshrl.u32 s7, $0x3  }
0xd: {  	s31 =	sshrl.u32 s10, $0x2;
	s8 =	smax.u32 s30, $0x1;
	s7 =	sadd.s32 s7, s4  }
0xe: {  	s4 =	sadd.s32 $0x25800, s5;
	s5 =	sadd.s32 s31, s2;
	s6 =	sadd.s32 s6, s29  }
0xf: {  	s7 =	sadd.s32 $0x25A00, s7;
	s9 =	sadd.s32 $0x2000, s5;
	s10 =	sadd.s32 $0x4000, s5  }
0x10: {  	v0 =	vimm.f32 $1.000000000e+00;
	v1 =	vimm.f32 $0.0e+00;
	s11 =	sadd.s32 $0x6000, s5;
	s12 =	sadd.s32 $0x8000, s5;
	s17 =	sshrl.u32 s5, $0x3  }
.LBB2_1:
0x11: {  	[tilespmem:s13], [sflag:$0x1] =	stream.linear.gather [hbm4b:s4+s3], $0x80, $0x38;
	[tilespmem:$0x13480] =	vst v63  }
0x12: {  	_ =	swait.ge [sflag:s14], $0x80  }
0x13: {  	[sflag:s14] =	ssyncset.done $0x0  }
0x14: {  	s19 =	simm.s32 $0x0;
	s20 =	simm.s32 $0x0;
	[sflag:s14] =	ssyncadd.s32 $0xFFFFFF80  }
0x15: {  	s20 =	sand.u32 $0x1F80, s20;
	v2 =	vld [tilespmem:$0x9000];
	[tilespmem:s19+$0x3000] =	vst v0  }
0x16: {  	[tilespmem:s20+$0x7000] =	vst v1  }
0x17: {  	[tilespmem:s19+$0x3010] =	vst v0  }
0x18: {  	[tilespmem:s20+$0x7010] =	vst v1  }
0x19: {  	[tilespmem:s19+$0x3020] =	vst v0  }
0x1a: {  	[tilespmem:s20+$0x7020] =	vst v1  }
0x1b: {  	[tilespmem:s19+$0x3030] =	vst v0  }
0x1c: {  	[tilespmem:s20+$0x7030] =	vst v1  }
0x1d: {  	[tilespmem:s19+$0x3040] =	vst v0  }
0x1e: {  	[tilespmem:s20+$0x7040] =	vst v1  }
0x1f: {  	[tilespmem:s19+$0x3050] =	vst v0  }
0x20: {  	[tilespmem:s20+$0x7050] =	vst v1  }
0x21: {  	[tilespmem:s19+$0x3060] =	vst v0  }
0x22: {  	s21 =	simm.s32 $0x200;
	[tilespmem:s20+$0x7060] =	vst v1  }
.LBB2_2:
0x23: {  	p0 =	sne.s32 s21, $0xFE00;
	[tilespmem:s19+$0x3070] =	vst v0  }
0x24: {  	s19 =	sshra.s32 s21, $0x2;
	s22 =	sshrl.u32 s21, $0x2;
	[tilespmem:s20+$0x7070] =	vst v1  }
0x25: {  	s20 =	sand.u32 $0x1F80, s22;
	[tilespmem:s19+$0x3000] =	vst v0  }
0x26: {  	[tilespmem:s20+$0x7000] =	vst v1  }
0x27: {  	[tilespmem:s19+$0x3010] =	vst v0  }
0x28: {  	[tilespmem:s20+$0x7010] =	vst v1  }
0x29: {  	[tilespmem:s19+$0x3020] =	vst v0  }
0x2a: {  	[tilespmem:s20+$0x7020] =	vst v1  }
0x2b: {  	[tilespmem:s19+$0x3030] =	vst v0  }
0x2c: {  	[tilespmem:s20+$0x7030] =	vst v1  }
0x2d: {  	[tilespmem:s19+$0x3040] =	vst v0  }
.Ltmp0:
0x2e: {  	[tilespmem:s20+$0x7040] =	vst v1;
	(pc) =	sbr.rel @p0 .LBB2_2-.Ltmp0, $4  }
0x2f: {  	[tilespmem:s19+$0x3050] =	vst v0  }
0x30: {  	[tilespmem:s20+$0x7050] =	vst v1  }
0x31: {  	[tilespmem:s19+$0x3060] =	vst v0  }
0x32: {  	s21 =	sadd.s32 $0x200, s21;
	[tilespmem:s20+$0x7060] =	vst v1  }
0x33: {  	[tilespmem:s19+$0x3070] =	vst v0  }
0x34: {  	[tilespmem:s20+$0x7070] =	vst v1  }
0x35: {  	[spmem:s5] =	stream.linear.scatter [tilespmem:s15], [sflag:$0x1], $0x2000, $0x38;
	[tilespmem:$0x13480] =	vst v63  }
0x36: {  	_ =	swait.ge [sflag:s14], $0x2000  }
0x37: {  	[sflag:s14] =	ssyncset.done $0x0  }
0x38: {  	[sflag:s14] =	ssyncadd.s32 $0xFFFFE000  }
0x39: {  	[spmem:s9] =	stream.linear.scatter [tilespmem:s15], [sflag:$0x1], $0x2000, $0x38;
	[tilespmem:$0x13480] =	vst v63  }
0x3a: {  	_ =	swait.ge [sflag:s14], $0x2000  }
0x3b: {  	[sflag:s14] =	ssyncset.done $0x0  }
0x3c: {  	[sflag:s14] =	ssyncadd.s32 $0xFFFFE000  }
0x3d: {  	[spmem:s10] =	stream.linear.scatter [tilespmem:s15], [sflag:$0x1], $0x2000, $0x38;
	[tilespmem:$0x13480] =	vst v63  }
0x3e: {  	_ =	swait.ge [sflag:s14], $0x2000  }
0x3f: {  	[sflag:s14] =	ssyncset.done $0x0  }
0x40: {  	[sflag:s14] =	ssyncadd.s32 $0xFFFFE000  }
0x41: {  	[spmem:s11] =	stream.linear.scatter [tilespmem:s15], [sflag:$0x1], $0x2000, $0x38;
	[tilespmem:$0x13480] =	vst v63  }
0x42: {  	_ =	swait.ge [sflag:s14], $0x2000  }
0x43: {  	[sflag:s14] =	ssyncset.done $0x0  }
0x44: {  	[sflag:s14] =	ssyncadd.s32 $0xFFFFE000  }
0x45: {  	[spmem:s12] =	stream.linear.scatter [tilespmem:s15], [sflag:$0x1], $0x2000, $0x38;
	[tilespmem:$0x13480] =	vst v63  }
0x46: {  	_ =	swait.ge [sflag:s14], $0x2000  }
0x47: {  	(v2sf) =	vpush v2, $0x0;
	_ =	sdelay $0xe  }
0x48: {  	s30 =	spop (v2sf)  }
0x49: {  	[sflag:s14] =	ssyncset.done $0x0;
	s19 =	sadd.s32 $0x7F, s30  }
0x4a: {  	[sflag:s14] =	ssyncadd.s32 $0xFFFFE000;
	s31 =	sshra.s32 s19, $0x1F;
	s21 =	sand.u32 $0x7F, s19  }
0x4b: {  	p0 =	slt.s32 s19, $0x1;
	s20 =	sshrl.u32 s31, $0x19;
	p1 =	sne.s32 s21, $0x0  }
0x4c: {  	s20 =	sadd.s32 s20, s19;
	p0 =	por !p0, !p1;
	s19 =	simm.s32 $0x0  }
0x4d: {  	[tilespmem:s19], [sflag:$0x1] =	stream.linear.gather [hbm4b:s6+s19], $0x3000, $0x38;
	[tilespmem:$0x13480] =	vst v63  }
0x4e: {  	s21 =	simm.s32 $0x1;
	p0 =	por !p0, !p0;
	_ =	swait.ge [sflag:s14], $0x3000  }
0x4f: {  	s20 =	sshra.s32 s20, $0x7;
	s21 =	simm.s32 @!p0 $0x0;
	[sflag:s14] =	ssyncset.done $0x0  }
0x50: {  	s20 =	ssub.s32 s20, s21;
	[sflag:s14] =	ssyncadd.s32 $0xFFFFD000  }
0x51: {  	p0 =	sle.s32 s20, $0x0;
	[bflag:$0x0] =	sbarrier.arrive $0xFFFF  }
0x52: {  	s21 =	simm.s32 @!p0 $0x80;
	s23 =	simm.s32 @!p0 $0x3000;
	s22 =	simm.s32 @!p0 $0x1  }
0x53: {  	[spmem:s2] =	stream.indirect.scatter.add.f32 @!p0 [tilespmem:s23], [sflag:$0x1], $0x80, s19, s21, $0xb8;
	[tilespmem:$0x13480] =	vst v63  }
0x54: {  	_ =	swait.ge @!p0 [sflag:s22], $0x4000  }
0x55: {  	s21 =	simm.s32 $0x1;
	[sflag:s22] =	ssyncset.done @!p0 $0x0  }
.LBB2_4:
0x56: {  	[sflag:s22] =	ssyncadd.s32 @!p0 $0xFFFFC000;
	s22 =	smov.u32 s21;
	s21 =	sadd.s32 $0x1, s21  }
0x57: {  	s19 =	sadd.s32 $0x80, s19;
	p1 =	sne.s32 s21, $0x60  }
.Ltmp1:
0x58: {  	p0 =	sge.s32 s22, s20;
	(pc) =	sbr.rel @p1 .LBB2_4-.Ltmp1, $4  }
0x59: {  	s23 =	simm.s32 @!p0 $0x80;
	s24 =	simm.s32 @!p0 $0x3000;
	s22 =	simm.s32 @!p0 $0x1  }
0x5a: {  	[spmem:s2] =	stream.indirect.scatter.add.f32 @!p0 [tilespmem:s24], [sflag:$0x1], $0x80, s19, s23, $0xb8;
	[tilespmem:$0x13480] =	vst v63  }
0x5b: {  	_ =	swait.ge @!p0 [sflag:s22], $0x4000  }
0x5c: {  	[sflag:s22] =	ssyncset.done @!p0 $0x0  }
0x5d: {  	s18 =	sadd.s32 $0x1, s18  }
0x5e: {  	[sflag:s22] =	ssyncadd.s32 @!p0 $0xFFFFC000;
	p0 =	sne.s32 s18, s8  }
.Ltmp2:
0x5f: {  	[bflag:$0x0] =	sbarrier.arrive $0xFFFF;
	(pc) =	sbr.rel @p0 .LBB2_1-.Ltmp2, $4  }
0x60: {  	[hbm:s7], [sflag:s16] =	dma.local [spmem:s17], $0x1400  }
0x61: {  	_ =	swait.ge [sflag:s14], $0x1400  }
0x62: {  	[sflag:s14] =	ssyncset.done $0x0  }
0x63: {  	[sflag:s14] =	ssyncadd.s32 $0xFFFFEC00  }
0x64: {  	_ =	sfence.sel $0x180000  }
0x65: {  	[bflag:$0x0] =	sbarrier.arrive $0xFFFF  }
0x66: {  	p0 =	sne.s32 s0, $0x0;
	_ =	strace $0x9000004A  }
0x67: {  	s0 =	sadd.s32 @!p0 $0x100000, s1;
	[bflag:$0x2] =	sbarrier.arrive $0xFFFF  }
0x68: {  	[sflag:s0] =	ssyncadd.tile.s32 @!p0 $0x1;
	_ =	shalt  }
.Lfunc_end2:
_tile_overlayer_lowered:
.L_overlay_start_2:
0x69: {  	(tag) =	ssettag $0x2  }
0x6a: {  	s0 =	rddreg [dreg:$0x0];
	s2 =	stileid.u32  }
0x6b: {  	s1 =	rddreg [dreg:$0x1];
	p0 =	sne.s32 s2, $0x0  }
0x6c: {  	s3 =	rddreg [dreg:$0x2];
	[bflag:$0x3] =	sbarrier.arrive $0xFFFF;
	s2 =	simm.s32 @!p0 $0x1C01  }
0x6d: {  	[timem:s3], [sflag:s2] =	dma.local @!p0 [hbm:s0], s1  }
0x6e: {  	s0 =	simm.s32 @!p0 $0x1  }
0x6f: {  	_ =	swait.ge @!p0 [sflag:s0], s1  }
0x70: {  	s1 =	ssub.s32 @!p0 $0x0, s1;
	[sflag:s0] =	ssyncset.done @!p0 $0x0  }
0x71: {  	[sflag:s0] =	ssyncadd.s32 @!p0 s1  }
0x72: {  	[bflag:$0x3] =	sbarrier.arrive $0xFFFF  }
0x73: {  	_ =	shalt  }

// kernel: kernel.16.cloned.1.call-start
scs
__scs_entry_jumppad:
0x0: {  	(pc) =	sbr.rel $0x88, $3  }
0x1: {  	(tag) =	ssettag $0x0;
	lr =	simm.s32 $0x1  }
0x2: {  	[smem:$0x3F99] =	sst lr;
	_ =	strace $0xD0000000  }
0x3: {  	_ = 	snop  }
0x4: {  	_ = 	snop  }
0x5: {  	_ = 	snop  }
0x6: {  	_ = 	snop  }
0x7: {  	_ = 	snop  }
__scs_overlays_trampoline_lowered:
0x8: {  	[smem:$0x3FA8] =	sst s0  }
0x9: {  	[smem:$0x3FA9] =	sst s1  }
0xa: {  	[smem:$0x3FAA] =	sst s2  }
0xb: {  	[smem:$0x3FAB] =	sst s3  }
0xc: {  	[smem:$0x3FAC] =	sst s4  }
0xd: {  	[smem:$0x3FAD] =	sst s5  }
0xe: {  	[smem:$0x3FAE] =	sst s6  }
0xf: {  	[smem:$0x3FAF] =	sst s7  }
0x10: {  	[smem:$0x3FB0] =	sst s8  }
0x11: {  	[smem:$0x3FB1] =	sst s9;
	s0 =	simm.s32 @!p0 $0x0  }
0x12: {  	s1 =	sld [smem:$0x3F97];
	s0 =	simm.s32 @p0 $0x1  }
0x13: {  	[smem:$0x3FB2] =	sst s0;
	s0 =	simm.s32 @!p1 $0x0  }
0x14: {  	s2 =	sld [smem:$0x3F96];
	s0 =	simm.s32 @p1 $0x1  }
0x15: {  	[smem:$0x3FB3] =	sst s0;
	s0 =	simm.s32 @!p2 $0x0  }
0x16: {  	s3 =	sld [smem:$0x3FDB];
	s0 =	simm.s32 @p2 $0x1  }
0x17: {  	s4 =	simm.s32 $0x1BF5;
	[smem:$0x3FB5] =	sst s0  }
0x18: {  	s0 =	sld [smem:$0x3F98];
	_ =	swait.ge [sflag:s4], $0x0  }
0x19: {  	s7 =	sld [smem:$0x3F99]  }
0x1a: {  	s8 =	sadd.s32 $0xFFFFE003, lr  }
0x1b: {  	s9 =	sadd.s32 $0xFFFFFEF7, lr;
	s5 =	simm.s32 $0xFFFFFFFF;
	p2 =	slt.u32 s8, $0xFFFFF086  }
0x1c: {  	p1 =	slt.u32 s9, $0xF7A;
	s5 =	simm.s32 @!p2 $0x0  }
0x1d: {  	s5 =	simm.s32 @p1 $0x1;
	p0 =	seq.s32 s7, s2  }
0x1e: {  	s7 =	smul.u32 @!p0 $0xF7A, s2;
	p2 =	seq.s32 @!p0 s5, $0x0  }
0x1f: {  	s9 =	smul.u32 $0xF7A, s1;
	s8 =	simm.s32 @!p0 $0x1BF5;
	p2 =	por !p2, p0  }
0x20: {  	[sflag:s8] =	ssyncset.s32 @!p0 $0xFFFFF086;
	s6 =	sadd.s32 @!p0 s3, s7;
	s7 =	simm.s32 @!p0 $0x108  }
0x21: {  	s3 =	sadd.s32 s3, s9;
	s6 =	sadd.s32 @!p0 $0x88, s6;
	s7 =	simm.s32 @p2 $0x1082  }
0x22: {  	[simem:s7], [sflag:s8] =	dma.local @!p0 [hbm:s6], $0xF7A  }
0x23: {  	s9 =	sor.u32 $0xD0000000, s2;
	s6 =	simm.s32 $0x108;
	_ =	swait.ge @!p0 [sflag:s8], $0x0  }
0x24: {  	s3 =	sadd.s32 $0x88, s3;
	s6 =	simm.s32 @!p1 $0x1082;
	[sflag:s4] =	ssyncset.s32 $0xFFFFF086  }
0x25: {  	[simem:s6], [sflag:s4] =	dma.local [hbm:s3], $0xF7A  }
0x26: {  	[smem:$0x3F99] =	sst s1;
	(tag) =	ssettag s2;
	_ =	strace s9  }
0x27: {  	s1 =	sld [smem:$0x3FA9]  }
0x28: {  	s2 =	sld [smem:$0x3FAA]  }
0x29: {  	s4 =	sld [smem:$0x3FAC]  }
0x2a: {  	p0 =	seq.s32 s5, $0x0;
	s5 =	sld [smem:$0x3FAD]  }
0x2b: {  	s6 =	sld [smem:$0x3FAE]  }
0x2c: {  	s7 =	sld [smem:$0x3FAF]  }
0x2d: {  	s3 =	simm.s32 $0x108;
	s8 =	sld [smem:$0x3FB0]  }
0x2e: {  	s3 =	simm.s32 @!p0 $0x1082;
	s9 =	sld [smem:$0x3FB1]  }
0x2f: {  	lr =	sadd.s32 s0, s3;
	s0 =	sld [smem:$0x3FA8]  }
0x30: {  	s3 =	sld [smem:$0x3FAB]  }
0x31: {  	[smem:$0x3FB4] =	sst s10  }
0x32: {  	s10 =	sld [smem:$0x3FB2];
	_ =	sdelay $0x3  }
0x33: {  	p0 =	seq.s32 s10, $0x1;
	s10 =	sld [smem:$0x3FB4];
	_ =	sdelay $0x3  }
0x34: {  	[smem:$0x3FB4] =	sst s10  }
0x35: {  	s10 =	sld [smem:$0x3FB3];
	_ =	sdelay $0x3  }
0x36: {  	p1 =	seq.s32 s10, $0x1;
	s10 =	sld [smem:$0x3FB4];
	_ =	sdelay $0x3  }
0x37: {  	[smem:$0x3FB4] =	sst s10  }
0x38: {  	s10 =	sld [smem:$0x3FB5]  }
0x39: {  	_ = 	snop;
	(pc) =	sbr.ind lr, $3  }
0x3a: {  	_ = 	snop  }
0x3b: {  	_ = 	snop  }
0x3c: {  	p2 =	seq.s32 s10, $0x1;
	s10 =	sld [smem:$0x3FB4]  }
0x3d: {  	_ =	shalt  }
0x3e: {  	_ =	shalt  }
0x3f: {  	_ =	shalt  }
0x40: {  	_ =	shalt  }
0x41: {  	_ =	shalt  }
0x42: {  	_ =	shalt  }
0x43: {  	_ =	shalt  }
0x44: {  	_ =	shalt  }
0x45: {  	_ =	shalt  }
0x46: {  	_ =	shalt  }
0x47: {  	_ =	shalt  }
0x48: {  	_ =	shalt  }
0x49: {  	_ =	shalt  }
0x4a: {  	_ =	shalt  }
0x4b: {  	_ =	shalt  }
0x4c: {  	_ =	shalt  }
0x4d: {  	_ =	shalt  }
0x4e: {  	_ =	shalt  }
0x4f: {  	_ =	shalt  }
0x50: {  	_ =	shalt  }
0x51: {  	_ =	shalt  }
0x52: {  	_ =	shalt  }
0x53: {  	_ =	shalt  }
0x54: {  	_ =	shalt  }
0x55: {  	_ =	shalt  }
0x56: {  	_ =	shalt  }
0x57: {  	_ =	shalt  }
0x58: {  	_ =	shalt  }
0x59: {  	_ =	shalt  }
0x5a: {  	_ =	shalt  }
0x5b: {  	_ =	shalt  }
0x5c: {  	_ =	shalt  }
0x5d: {  	_ =	shalt  }
0x5e: {  	_ =	shalt  }
0x5f: {  	_ =	shalt  }
0x60: {  	_ =	shalt  }
0x61: {  	_ =	shalt  }
0x62: {  	_ =	shalt  }
0x63: {  	_ =	shalt  }
0x64: {  	_ =	shalt  }
0x65: {  	_ =	shalt  }
0x66: {  	_ =	shalt  }
0x67: {  	_ =	shalt  }
0x68: {  	_ =	shalt  }
0x69: {  	_ =	shalt  }
0x6a: {  	_ =	shalt  }
0x6b: {  	_ =	shalt  }
0x6c: {  	_ =	shalt  }
0x6d: {  	_ =	shalt  }
0x6e: {  	_ =	shalt  }
0x6f: {  	_ =	shalt  }
0x70: {  	_ =	shalt  }
0x71: {  	_ =	shalt  }
0x72: {  	_ =	shalt  }
0x73: {  	_ =	shalt  }
0x74: {  	_ =	shalt  }
0x75: {  	_ =	shalt  }
0x76: {  	_ =	shalt  }
0x77: {  	_ =	shalt  }
0x78: {  	_ =	shalt  }
0x79: {  	_ =	shalt  }
0x7a: {  	_ =	shalt  }
0x7b: {  	_ =	shalt  }
0x7c: {  	_ =	shalt  }
0x7d: {  	_ =	shalt  }
0x7e: {  	_ =	shalt  }
0x7f: {  	_ =	shalt  }
0x80: {  	_ =	shalt  }
0x81: {  	_ =	shalt  }
0x82: {  	_ =	shalt  }
0x83: {  	_ =	shalt  }
0x84: {  	_ =	shalt  }
0x85: {  	_ =	shalt  }
0x86: {  	_ =	shalt  }
0x87: {  	_ =	shalt  }
.Lfunc_end0:
.L_simem_size_0:
called_computation.2_lowered:
.L_overlay_start_0:
0x88: {  	s2 =	sld [smem:$0x3FD9]  }
0x89: {  	s3 =	sld [smem:$0x3FFE];
	_ =	sdelay $0x1  }
0x8a: {  	s1 =	srdreg.scid  }
0x8b: {  	s0 =	sand.u32 $0x1, s1  }
0x8c: {  	s17 =	sshll.u32 s0, $0xA;
	s2 =	sadd.s32 s3, s2  }
0x8d: {  	s2 =	sadd.s32 s2, s17  }
0x8e: {  	[smem:$0x3FC0] =	sst s2  }
0x8f: {  	_ = 	snop  }
0x90: {  	s2 =	sld [smem:$0x3FD0];
	(tm) =	ssettm $0x1  }
0x91: {  	s18 =	sld [smem:$0x3FFB];
	_ =	sdelay $0x3  }
0x92: {  	_ =	strace s18  }
0x93: {  	s3 =	sld [smem:$0x3FFC];
	_ =	sdelay $0x3  }
0x94: {  	_ =	strace s3  }
0x95: {  	s3 =	sld [smem:$0x3FFD];
	_ =	sdelay $0x3  }
0x96: {  	_ =	strace s3  }
0x97: {  	_ =	strace $0x8FFFFFFF  }
0x98: {  	s19 =	sld [smem:$0x3FDB];
	_ =	sdelay $0x1  }
0x99: {  	s4 =	simm.s32 $_scs_section_size  }
0x9a: {  	s5 =	simm.s32 $_size__tile_overlayer_lowered;
	s6 =	simm.s32 $_tile_overlayer_lowered  }
0x9b: {  	s22 =	simm.s32 $0x1BFF;
	s21 =	sshll.u32 s6, $0x1;
	s3 =	sadd.s32 s4, s19  }
0x9c: {  	s7 =	simm.s32 $0x0;
	s20 =	sshll.u32 s5, $0x1;
	s5 =	sadd.s32 s21, s3  }
0x9d: {  	[timem:s7], [sflag:s22] =	dma.local [hbm:s5], s20  }
0x9e: {  	_ =	swait.ge [sflag:s22], s20  }
0x9f: {  	s4 =	ssub.s32 $0x0, s20;
	[sflag:s22] =	ssyncset.done $0x0  }
0xa0: {  	[sflag:s22] =	ssyncadd.s32 s4;
	_ =	sdelay $0x1  }
0xa1: {  	s23 =	simm.s32 $0x1B8B  }
0xa2: {  	_ =	swait.ge [sflag:s23], $0x1  }
0xa3: {  	[sflag:s23] =	ssyncset.done $0x0  }
0xa4: {  	s25 =	simm.s32 $0x1B8E;
	s24 =	sld [smem:$0x3FFE];
	[sflag:s23] =	ssyncadd.s32 $0xFFFFFFFF  }
0xa5: {  	s26 =	simm.s32 $execute0_lowered;
	[smem:$0x3FD2] =	sst s25  }
0xa6: {  	s5 =	sshll.u32 s26, $0x1;
	_ =	strace $0x8000004C;
	[dreg:$0x1] =	wrdreg $0xFFFFFFFF  }
0xa7: {  	s28 =	simm.s32 $_size_execute0_lowered;
	s3 =	sadd.s32 s3, s5;
	[dreg:$0x0] =	wrdreg $0x0  }
0xa8: {  	s5 =	sshll.u32 s28, $0x1;
	[dreg:$0x2] =	wrdreg s3  }
0xa9: {  	[dreg:$0x3] =	wrdreg s5  }
0xaa: {  	[dreg:$0x4] =	wrdreg $0xC0  }
0xab: {  	_ =	task [dreg:s7], $0x5FFFF  }
0xac: {  	[dreg:$0x1] =	wrdreg $0xFFFFFFFF  }
0xad: {  	[dreg:$0x0] =	wrdreg $0x60  }
0xae: {  	[dreg:$0x2] =	wrdreg s24  }
0xaf: {  	[dreg:$0x3] =	wrdreg s2  }
0xb0: {  	[dreg:$0x4] =	wrdreg $0x150800  }
0xb1: {  	[dreg:$0x5] =	wrdreg $0x9  }
0xb2: {  	_ =	task.clear_ibuf [dreg:s7], $0x6FFFF;
	_ =	strace $0x9000004C  }
0xb3: {  	s29 =	simm.s32 $0x9;
	_ =	strace $0x8000004E  }
0xb4: {  	_ =	swait.ge [sflag:s29], $0x1  }
0xb5: {  	[sflag:s29] =	ssyncadd.s32 $0xFFFFFFFF  }
0xb6: {  	_ =	strace $0x9000004E  }
0xb7: {  	_ =	sfence  }
0xb8: {  	s30 =	sld [smem:$0x0];
	_ =	sdelay $0x2  }
0xb9: {  	s31 =	sshll.u32 s1, $0xD;
	s1 =	sshrl.u32 s1, $0x2  }
0xba: {  	s3 =	sand.u32 $0x4000, s31;
	s1 =	sadd.s32 s1, s30  }
0xbb: {  	s0 =	sor.u32 s3, s0;
	s1 =	sshll.u32 s1, $0x11  }
0xbc: {  	s0 =	sor.u32 s1, s0  }
0xbd: {  	s0 =	sadd.s32 $0x8F2B, s0  }
0xbe: {  	[sflag:s0] =	ssyncadd.remote.s32 $0x1  }
0xbf: {  	_ =	sfence.sel $0xFFFF  }
0xc0: {  	[dreg:$0x0] =	wrdreg $0xFFFFFFFF;
	(pc) =	sbr.abs _section_cstart, $3  }
0xc1: {  	[dreg:$0x1] =	wrdreg $0xFFFFFFFF  }
0xc2: {  	_ =	task.clear_ibuf [dreg:s7], $0x2FFFF;
	_ =	strace $0x9FFFFFFF  }
0xc3: {  	(tm) =	ssettm $0x7FFFFFFF  }
tec
execute0_lowered:
.L_overlay_start_1:
0x0: {  	(tag) =	ssettag $0x1  }
0x1: {  	s0 =	rddreg [dreg:$0x0]  }
0x2: {  	s1 =	rddreg [dreg:$0x1]  }
0x3: {  	s2 =	rddreg [dreg:$0x2]  }
0x4: {  	s4 =	simm.s32 $0x0;
	s3 =	srdreg.scid;
	s20 =	stileid.u32  }
0x5: {  	s17 =	simm.s32 $0x3;
	s18 =	simm.s32 $0x13000;
	[smem:$0x7FF] =	sst s4  }
0x6: {  	s7 =	sand.u32 $0x1, s3;
	s9 =	smul.u32 $0xA000, s20;
	s5 =	sadd.s32 $0x25A00, s0  }
0x7: {  	s6 =	sadd.s32 $0x3800, s0;
	s10 =	sshll.u32 s20, $0x4;
	s8 =	smul.u32 $0xA0000, s7  }
0x8: {  	s12 =	smul.u32 $0x28000, s20;
	_ =	strace $0x8000004D;
	s21 =	ssub.s32 $0x2, s7  }
0x9: {  	s10 =	sadd.s32 s10, s0;
	s11 =	sshrl.u32 s21, $0x1;
	s8 =	sadd.s32 s9, s8  }
0xa: {  	s22 =	sshll.u32 s7, $0x8;
	s11 =	ssub.s32 s21, s11;
	s8 =	sshrl.u32 s8, $0x3  }
0xb: {  	s26 =	smax.u32 s11, $0x1;
	s0 =	sadd.s32 s8, s0;
	s8 =	sadd.s32 s22, s10  }
0xc: {  	s23 =	sshrl.u32 s12, $0x2;
	[dreg:$0x6] =	wrdreg s26;
	s25 =	sadd.s32 $0x25800, s8  }
0xd: {  	s8 =	sadd.s32 s23, s2;
	s0 =	sadd.s32 $0x4DA00, s0;
	[dreg:$0x4] =	wrdreg s25  }
0xe: {  	s19 =	simm.s32 $0x1800;
	[dreg:$0x5] =	wrdreg s0;
	s28 =	sadd.s32 $0x2000, s8  }
0xf: {  	s7 =	sshll.u32 s7, $0x4;
	s29 =	sadd.s32 $0x4000, s8;
	[dreg:$0x7] =	wrdreg s28  }
0x10: {  	s24 =	sor.u32 s20, s7;
	s30 =	sadd.s32 $0x6000, s8;
	[dreg:$0x8] =	wrdreg s29  }
0x11: {  	s20 =	simm.s32 $0x0;
	s31 =	sadd.s32 $0x8000, s8;
	[dreg:$0x9] =	wrdreg s30  }
0x12: {  	v0 =	vimm.f32 $0.0e+00;
	s9 =	smul.u32 $0x3000, s24;
	s25 =	simm.s32 $0x0;
	[dreg:$0xa] =	wrdreg s31  }
.LBB2_1:
0x13: {  	s0 =	rddreg [dreg:$0x4];
	s3 =	simm.s32 $0x15000  }
0x14: {  	[tilespmem:s3], [sflag:$0x3] =	stream.linear.gather [hbm4b:s0+s4], $0x80, $0x38;
	[tilespmem:$0x1F480] =	vst v63  }
0x15: {  	_ =	swait.ge [sflag:s17], $0x80  }
0x16: {  	[sflag:s17] =	ssyncset.done $0x0  }
0x17: {  	[sflag:s17] =	ssyncadd.s32 $0xFFFFFF80  }
0x18: {  	s21 =	simm.s32 $0x0;
	s0 =	simm.s32 $0x200;
	v1 =	vld [tilespmem:$0x15000]  }
.LBB2_2:
0x19: {  	p0 =	sne.s32 s0, $0x7E00;
	[tilespmem:s21+$0x13070] =	vst v0  }
0x1a: {  	[tilespmem:s21+$0x13000] =	vst v0  }
0x1b: {  	[tilespmem:s21+$0x13010] =	vst v0  }
.Ltmp0:
0x1c: {  	[tilespmem:s21+$0x13020] =	vst v0;
	(pc) =	sbr.rel @p0 .LBB2_2-.Ltmp0, $4  }
0x1d: {  	[tilespmem:s21+$0x13030] =	vst v0  }
0x1e: {  	[tilespmem:s21+$0x13040] =	vst v0  }
0x1f: {  	[tilespmem:s21+$0x13050] =	vst v0  }
0x20: {  	[tilespmem:s21+$0x13060] =	vst v0;
	s21 =	sshra.s32 s0, $0x2;
	s0 =	sadd.s32 $0x200, s0  }
0x21: {  	[tilespmem:s21+$0x13070] =	vst v0  }
0x22: {  	[tilespmem:s21+$0x13000] =	vst v0  }
0x23: {  	[tilespmem:s21+$0x13010] =	vst v0  }
0x24: {  	[tilespmem:s21+$0x13020] =	vst v0  }
0x25: {  	[tilespmem:s21+$0x13030] =	vst v0  }
0x26: {  	[tilespmem:s21+$0x13040] =	vst v0  }
0x27: {  	[tilespmem:s21+$0x13050] =	vst v0  }
0x28: {  	[tilespmem:s21+$0x13060] =	vst v0  }
0x29: {  	[spmem:s8] =	stream.linear.scatter [tilespmem:s18], [sflag:$0x3], $0x2000, $0x38;
	[tilespmem:$0x1F480] =	vst v63  }
0x2a: {  	_ =	swait.ge [sflag:s17], $0x2000  }
0x2b: {  	[sflag:s17] =	ssyncset.done $0x0  }
0x2c: {  	s0 =	rddreg [dreg:$0x7];
	[sflag:s17] =	ssyncadd.s32 $0xFFFFE000  }
0x2d: {  	[spmem:s0] =	stream.linear.scatter [tilespmem:s18], [sflag:$0x3], $0x2000, $0x38;
	[tilespmem:$0x1F480] =	vst v63  }
0x2e: {  	_ =	swait.ge [sflag:s17], $0x2000  }
0x2f: {  	[sflag:s17] =	ssyncset.done $0x0  }
0x30: {  	s24 =	rddreg [dreg:$0x8];
	[sflag:s17] =	ssyncadd.s32 $0xFFFFE000  }
0x31: {  	[spmem:s24] =	stream.linear.scatter [tilespmem:s18], [sflag:$0x3], $0x2000, $0x38;
	[tilespmem:$0x1F480] =	vst v63  }
0x32: {  	_ =	swait.ge [sflag:s17], $0x2000  }
0x33: {  	[sflag:s17] =	ssyncset.done $0x0  }
0x34: {  	s26 =	rddreg [dreg:$0x9];
	[sflag:s17] =	ssyncadd.s32 $0xFFFFE000  }
0x35: {  	[spmem:s26] =	stream.linear.scatter [tilespmem:s18], [sflag:$0x3], $0x2000, $0x38;
	[tilespmem:$0x1F480] =	vst v63  }
0x36: {  	_ =	swait.ge [sflag:s17], $0x2000  }
0x37: {  	[sflag:s17] =	ssyncset.done $0x0  }
0x38: {  	s28 =	rddreg [dreg:$0xa];
	[sflag:s17] =	ssyncadd.s32 $0xFFFFE000  }
0x39: {  	[spmem:s28] =	stream.linear.scatter [tilespmem:s18], [sflag:$0x3], $0x2000, $0x38;
	[tilespmem:$0x1F480] =	vst v63  }
0x3a: {  	_ =	swait.ge [sflag:s17], $0x2000  }
0x3b: {  	(v2sf) =	vpush v1, $0x0;
	_ =	sdelay $0xe  }
0x3c: {  	s29 =	spop (v2sf)  }
0x3d: {  	s0 =	sadd.s32 $0x7F, s29  }
0x3e: {  	s21 =	simm.s32 $0x1;
	s30 =	sand.u32 $0x7F, s0  }
0x3f: {  	s22 =	sshra.s32 s0, $0x1F;
	p0 =	slt.s32 s0, $0x1;
	p1 =	sne.s32 s30, $0x0  }
0x40: {  	[sflag:s17] =	ssyncset.done $0x0;
	s31 =	sshrl.u32 s22, $0x19;
	p0 =	por !p0, !p1  }
0x41: {  	[sflag:s17] =	ssyncadd.s32 $0xFFFFE000;
	s0 =	sadd.s32 s31, s0;
	p0 =	por !p0, !p0  }
0x42: {  	[bflag:$0x0] =	sbarrier.arrive $0xFFFF;
	s0 =	sshra.s32 s0, $0x7;
	s21 =	simm.s32 @!p0 $0x0  }
0x43: {  	p1 =	por $0x1, $0x1;
	s21 =	ssub.s32 s0, s21;
	s0 =	simm.s32 $0x0  }
0x44: {  	s22 =	sadd.s32 $0xFFFFFFFF, s21;
	s23 =	sadd.s32 $0xFFFFFFD2, s21;
	s24 =	sadd.s32 $0xFFFFFFD1, s21  }
.LBB2_4:
0x45: {  	s26 =	smul.u32 $0x1800, s0;
	_ =	sdelay $0x1  }
0x46: {  	s26 =	sadd.s32 s9, s26  }
0x47: {  	s26 =	sshrl.u32 s26, $0x3  }
0x48: {  	s28 =	sadd.s32 s6, s26  }
0x49: {  	[tilespmem:s4], [sflag:$0x3] =	stream.linear.gather [hbm4b:s28+s4], $0x1800, $0x38;
	[tilespmem:$0x1F480] =	vst v63  }
0x4a: {  	_ =	swait.ge [sflag:s17], $0x1800  }
0x4b: {  	[sflag:s17] =	ssyncset.done $0x0  }
0x4c: {  	s26 =	sadd.s32 s1, s26;
	[sflag:s17] =	ssyncadd.s32 $0xFFFFE800  }
0x4d: {  	[tilespmem:s19], [sflag:$0x3] =	stream.linear.gather [hbm4b:s26+s4], $0x1800, $0x38;
	[tilespmem:$0x1F480] =	vst v63  }
0x4e: {  	s26 =	smul.u32 $0x30, s0;
	_ =	swait.ge [sflag:s17], $0x1800  }
0x4f: {  	[sflag:s17] =	ssyncset.done $0x0  }
0x50: {  	p0 =	sge.s32 s26, s21;
	[sflag:s17] =	ssyncadd.s32 $0xFFFFE800  }
0x51: {  	s0 =	simm.s32 @!p0 $0x80;
	s28 =	simm.s32 @!p0 $0x0;
	s29 =	simm.s32 @!p0 $0x3000  }
0x52: {  	[tilespmem:s29], [sflag:$0x1] =	stream.indirect.gather @!p0 [hbm4b:s5+s0], $0x80, s28, s0, $0xb8;
	[tilespmem:$0x1F480] =	vst v63  }
0x53: {  	s16 =	simm.s32 $0x1;
	p0 =	slt.s32 s26, s22  }
0x54: {  	s29 =	simm.s32 $0x0;
	s0 =	simm.s32 @p0 $0x80;
	s28 =	simm.s32 @p0 $0x7000  }
0x55: {  	[tilespmem:s28], [sflag:$0x1] =	stream.indirect.gather @p0 [hbm4b:s5+s0], $0x80, s0, s0, $0xb8;
	[tilespmem:$0x1F480] =	vst v63  }
0x56: {  	p2 =	sge.s32 s26, s21;
	s29 =	sand.u32 $0x1, s29;
	s28 =	sadd.s32 $0x2, s26  }
0x57: {  	p0 =	por p1, p1;
	s0 =	sand.u32 $0x1, s16;
	p1 =	sge.s32 s28, s21  }
0x58: {  	s29 =	sadd.s32 $0x1, s29;
	p3 =	sge.s32 s28, s22;
	s30 =	sxor.u32 @!p1 $0xFFFFFFFF, s25  }
0x59: {  	s0 =	sadd.s32 $0x1, s0;
	s16 =	simm.s32 @!p3 $0x30000;
	s30 =	sand.u32 @!p1 $0x20000, s30  }
0x5a: {  	s31 =	simm.s32 @!p1 $0x80;
	s16 =	sand.u32 @!p3 $0x30000, s16;
	s30 =	sshrl.u32 @!p1 s30, $0x2  }
0x5b: {  	s3 =	simm.s32 @!p1 $0x100;
	s16 =	sshrl.u32 @!p3 s16, $0x2;
	s30 =	sor.u32 @!p1 $0x3000, s30  }
0x5c: {  	[tilespmem:s30], [sflag:s0] =	stream.indirect.gather @!p1 [hbm4b:s5+s31], $0x80, s3, s31, $0xb8;
	[tilespmem:$0x1F480] =	vst v63  }
0x5d: {  	s7 =	simm.s32 @!p3 $0x180;
	s3 =	sor.u32 @!p3 $0x3000, s16;
	s16 =	simm.s32 @!p3 $0x80  }
0x5e: {  	[tilespmem:s3], [sflag:s0] =	stream.indirect.gather @!p3 [hbm4b:s5+s16], $0x80, s7, s16, $0xb8;
	[tilespmem:$0x1F480] =	vst v63  }
0x5f: {  	_ =	swait.ge @!p2 [sflag:s29], $0x4000  }
0x60: {  	[sflag:s29] =	ssyncset.done @!p2 $0x0  }
0x61: {  	p1 =	sge.s32 s26, s22;
	s0 =	sand.u32 @!p2 $0x20000, s25;
	[sflag:s29] =	ssyncadd.s32 @!p2 $0xFFFFC000  }
0x62: {  	s3 =	simm.s32 @!p2 $0x3;
	s7 =	simm.s32 @!p2 $0x1800;
	_ =	swait.ge @!p1 [sflag:s29], $0x4000  }
0x63: {  	s16 =	simm.s32 @!p1 $0x10000;
	s0 =	sshrl.u32 @!p2 s0, $0x2;
	[sflag:s29] =	ssyncset.done @!p1 $0x0  }
0x64: {  	s0 =	sor.u32 @!p2 $0x3000, s0;
	[sflag:s29] =	ssyncadd.s32 @!p1 $0xFFFFC000;
	s29 =	simm.s32 @!p2 $0x80  }
0x65: {  	[spmem:s2] =	stream.indirect.scatter.add.f32 @!p2 [tilespmem:s0], [sflag:$0x3], $0x80, s7, s29, $0xb8;
	[tilespmem:$0x1F480] =	vst v63  }
0x66: {  	s0 =	sand.u32 @!p1 $0x30000, s16;
	_ =	swait.ge @!p2 [sflag:s3], $0x4000  }
0x67: {  	s7 =	simm.s32 @!p1 $0x1880;
	s0 =	sshrl.u32 @!p1 s0, $0x2;
	[sflag:s3] =	ssyncset.done @!p2 $0x0  }
0x68: {  	s0 =	sor.u32 @!p1 $0x3000, s0;
	[sflag:s3] =	ssyncadd.s32 @!p2 $0xFFFFC000;
	s3 =	simm.s32 @!p1 $0x80  }
0x69: {  	[spmem:s2] =	stream.indirect.scatter.add.f32 @!p1 [tilespmem:s0], [sflag:$0x3], $0x80, s7, s3, $0xb8;
	[tilespmem:$0x1F480] =	vst v63  }
0x6a: {  	s30 =	simm.s32 $0x400;
	s0 =	simm.s32 @!p1 $0x3  }
0x6b: {  	s31 =	simm.s32 $0x2;
	s29 =	simm.s32 $0x20000;
	_ =	swait.ge @!p1 [sflag:s0], $0x4000  }
.LBB2_5:
0x6c: {  	s3 =	sadd.s32 $0xFFFFFFFF, s31;
	[sflag:s0] =	ssyncset.done @!p1 $0x0;
	s7 =	smov.u32 s29  }
0x6d: {  	s29 =	sadd.s32 $0x20000, s29;
	s16 =	smov.u32 s28;
	s28 =	sadd.s32 $0x2, s28  }
0x6e: {  	p2 =	sge.s32 s16, s21;
	[sflag:s0] =	ssyncadd.s32 @!p1 $0xFFFFC000;
	s0 =	sand.u32 $0x1, s31  }
0x6f: {  	p1 =	sge.s32 s28, s21;
	s3 =	sand.u32 $0x1, s3;
	s10 =	simm.s32 @!p2 $0x3  }
0x70: {  	p3 =	sge.s32 s28, s22;
	s11 =	sxor.u32 @!p1 $0xFFFFFFFF, s7;
	s12 =	sshra.s32 @!p1 s30, $0x2  }
0x71: {  	s13 =	simm.s32 @!p1 $0x80;
	s14 =	sadd.s32 @!p3 $0x30000, s7;
	s11 =	sand.u32 @!p1 $0x20000, s11  }
0x72: {  	s15 =	sshra.s32 @!p3 s30, $0x2;
	s12 =	sadd.s32 @!p1 $0x100, s12;
	s11 =	sshrl.u32 @!p1 s11, $0x2  }
0x73: {  	s0 =	sadd.s32 $0x1, s0;
	s14 =	sand.u32 @!p3 $0x30000, s14;
	s11 =	sor.u32 @!p1 $0x3000, s11  }
0x74: {  	s3 =	sadd.s32 $0x1, s3;
	s15 =	sadd.s32 @!p3 $0x180, s15;
	s14 =	sshrl.u32 @!p3 s14, $0x2  }
0x75: {  	[tilespmem:s11], [sflag:s0] =	stream.indirect.gather @!p1 [hbm4b:s5+s13], $0x80, s12, s13, $0xb8;
	[tilespmem:$0x1F480] =	vst v63  }
0x76: {  	s11 =	sor.u32 @!p3 $0x3000, s14;
	s12 =	simm.s32 @!p3 $0x80;
	p1 =	sge.s32 s16, s22  }
0x77: {  	[tilespmem:s11], [sflag:s0] =	stream.indirect.gather @!p3 [hbm4b:s5+s12], $0x80, s15, s12, $0xb8;
	[tilespmem:$0x1F480] =	vst v63  }
0x78: {  	s0 =	sand.u32 @!p2 $0x20000, s7;
	s11 =	sshra.s32 @!p2 s30, $0x2;
	_ =	swait.ge @!p2 [sflag:s3], $0x4000  }
0x79: {  	s0 =	sshrl.u32 @!p2 s0, $0x2;
	s11 =	sadd.s32 @!p2 $0x1800, s11;
	[sflag:s3] =	ssyncset.done @!p2 $0x0  }
0x7a: {  	s7 =	sadd.s32 @!p1 $0x10000, s7;
	s0 =	sor.u32 @!p2 $0x3000, s0;
	[sflag:s3] =	ssyncadd.s32 @!p2 $0xFFFFC000  }
0x7b: {  	s12 =	sshra.s32 @!p1 s30, $0x2;
	p3 =	seq.s32 s29, $0x2E0000;
	_ =	swait.ge @!p1 [sflag:s3], $0x4000  }
0x7c: {  	s7 =	sand.u32 @!p1 $0x30000, s7;
	s12 =	sadd.s32 @!p1 $0x1880, s12;
	[sflag:s3] =	ssyncset.done @!p1 $0x0  }
0x7d: {  	s7 =	sshrl.u32 @!p1 s7, $0x2;
	[sflag:s3] =	ssyncadd.s32 @!p1 $0xFFFFC000;
	s3 =	simm.s32 @!p2 $0x80  }
0x7e: {  	[spmem:s2] =	stream.indirect.scatter.add.f32 @!p2 [tilespmem:s0], [sflag:$0x3], $0x80, s11, s3, $0xb8;
	[tilespmem:$0x1F480] =	vst v63  }
.Ltmp1:
0x7f: {  	_ =	swait.ge @!p2 [sflag:s10], $0x4000;
	(pc) =	sbr.rel @!p3 .LBB2_5-.Ltmp1, $4  }
0x80: {  	s0 =	simm.s32 @!p1 $0x3;
	[sflag:s10] =	ssyncset.done @!p2 $0x0  }
0x81: {  	s3 =	sor.u32 @!p1 $0x3000, s7;
	s7 =	simm.s32 @!p1 $0x80;
	[sflag:s10] =	ssyncadd.s32 @!p2 $0xFFFFC000  }
0x82: {  	[spmem:s2] =	stream.indirect.scatter.add.f32 @!p1 [tilespmem:s3], [sflag:$0x3], $0x80, s12, s7, $0xb8;
	[tilespmem:$0x1F480] =	vst v63  }
0x83: {  	s31 =	sadd.s32 $0x1, s31;
	s30 =	sadd.s32 $0x400, s30;
	_ =	swait.ge @!p1 [sflag:s0], $0x4000  }
0x84: {  	[sflag:s0] =	ssyncset.done @!p1 $0x0  }
0x85: {  	[sflag:s0] =	ssyncadd.s32 @!p1 $0xFFFFC000;
	p1 =	slt.s32 s26, s23  }
0x86: {  	s0 =	simm.s32 @p1 $0x2  }
0x87: {  	_ =	swait.ge @p1 [sflag:s0], $0x4000  }
0x88: {  	[sflag:s0] =	ssyncset.done @p1 $0x0  }
0x89: {  	[sflag:s0] =	ssyncadd.s32 @p1 $0xFFFFC000;
	p1 =	sge.s32 s26, s24  }
0x8a: {  	s0 =	simm.s32 @!p1 $0x2  }
0x8b: {  	p2 =	sge.s32 s26, s23;
	_ =	swait.ge @!p1 [sflag:s0], $0x4000  }
0x8c: {  	s3 =	simm.s32 @!p2 $0x2F00;
	[sflag:s0] =	ssyncset.done @!p1 $0x0  }
0x8d: {  	s7 =	simm.s32 @!p2 $0xB000;
	[sflag:s0] =	ssyncadd.s32 @!p1 $0xFFFFC000;
	s0 =	simm.s32 @!p2 $0x80  }
0x8e: {  	[spmem:s2] =	stream.indirect.scatter.add.f32 @!p2 [tilespmem:s7], [sflag:$0x3], $0x80, s3, s0, $0xb8;
	[tilespmem:$0x1F480] =	vst v63  }
0x8f: {  	s0 =	simm.s32 @!p2 $0x3  }
0x90: {  	_ =	swait.ge @!p2 [sflag:s0], $0x4000  }
0x91: {  	s3 =	simm.s32 @!p1 $0x2F80;
	[sflag:s0] =	ssyncset.done @!p2 $0x0  }
0x92: {  	s7 =	simm.s32 @!p1 $0xF000;
	[sflag:s0] =	ssyncadd.s32 @!p2 $0xFFFFC000;
	s0 =	simm.s32 @!p1 $0x80  }
0x93: {  	[spmem:s2] =	stream.indirect.scatter.add.f32 @!p1 [tilespmem:s7], [sflag:$0x3], $0x80, s3, s0, $0xb8;
	[tilespmem:$0x1F480] =	vst v63  }
.Ltmp2:
0x94: {  	_ = 	snop;
	(pc) =	sbr.rel @p0 .LBB2_4-.Ltmp2, $4  }
0x95: {  	s0 =	simm.s32 @!p1 $0x3  }
0x96: {  	_ =	swait.ge @!p1 [sflag:s0], $0x4000  }
0x97: {  	[sflag:s0] =	ssyncset.done @!p1 $0x0  }
0x98: {  	[sflag:s0] =	ssyncadd.s32 @!p1 $0xFFFFC000;
	s0 =	simm.s32 $0x1;
	p1 =	por $0x0, $0x0  }
0x99: {  	s0 =	stileid.u32  }
0x9a: {  	[bflag:$0x0] =	sbarrier.arrive $0xFFFF;
	s0 =	sshll.u32 s0, $0x6  }
0x9b: {  	s3 =	sshrl.u32 s8, $0x3;
	s7 =	rddreg [dreg:$0x5];
	s0 =	sor.u32 $0x1C03, s0  }
0x9c: {  	[hbm:s7], [sflag:s0] =	dma.local [spmem:s3], $0x1400  }
0x9d: {  	_ =	swait.ge [sflag:s17], $0x1400  }
0x9e: {  	s20 =	sadd.s32 $0x1, s20;
	s31 =	rddreg [dreg:$0x6]  }
0x9f: {  	p0 =	sne.s32 s20, s31  }
.Ltmp3:
0xa0: {  	_ = 	snop;
	(pc) =	sbr.rel @p0 .LBB2_1-.Ltmp3, $3  }
0xa1: {  	_ =	sdelay $0x1  }
0xa2: {  	[sflag:s17] =	ssyncset.done $0x0  }
0xa3: {  	[sflag:s17] =	ssyncadd.s32 $0xFFFFEC00  }
0xa4: {  	_ =	sfence.sel $0x180000  }
0xa5: {  	[bflag:$0x0] =	sbarrier.arrive $0xFFFF  }
0xa6: {  	_ =	strace $0x9000004D  }
0xa7: {  	s0 =	stileid.u32;
	[bflag:$0x2] =	sbarrier.arrive $0xFFFF  }
0xa8: {  	p0 =	sne.s32 s0, $0x0;
	s0 =	rddreg [dreg:$0x3]  }
0xa9: {  	s0 =	sadd.s32 @!p0 $0x100000, s0  }
0xaa: {  	[sflag:s0] =	ssyncadd.tile.s32 @!p0 $0x1;
	_ =	shalt  }
.Lfunc_end2:
_tile_overlayer_lowered:
.L_overlay_start_2:
0xab: {  	(tag) =	ssettag $0x2  }
0xac: {  	s0 =	rddreg [dreg:$0x0];
	s2 =	stileid.u32  }
0xad: {  	s1 =	rddreg [dreg:$0x1];
	p0 =	sne.s32 s2, $0x0  }
0xae: {  	s3 =	rddreg [dreg:$0x2];
	[bflag:$0x3] =	sbarrier.arrive $0xFFFF;
	s2 =	simm.s32 @!p0 $0x1C03  }
0xaf: {  	[timem:s3], [sflag:s2] =	dma.local @!p0 [hbm:s0], s1  }
0xb0: {  	s0 =	simm.s32 @!p0 $0x3  }
0xb1: {  	_ =	swait.ge @!p0 [sflag:s0], s1  }
0xb2: {  	s1 =	ssub.s32 @!p0 $0x0, s1;
	[sflag:s0] =	ssyncset.done @!p0 $0x0  }
0xb3: {  	[sflag:s0] =	ssyncadd.s32 @!p0 s1  }
0xb4: {  	[bflag:$0x3] =	sbarrier.arrive $0xFFFF  }
0xb5: {  	_ =	shalt  }

// kernel: kernel.19.cloned.1.call-start
scs
__scs_entry_jumppad:
0x0: {  	(pc) =	sbr.rel $0x88, $3  }
0x1: {  	(tag) =	ssettag $0x0;
	lr =	simm.s32 $0x1  }
0x2: {  	[smem:$0x3F99] =	sst lr;
	_ =	strace $0xD0000000  }
0x3: {  	_ = 	snop  }
0x4: {  	_ = 	snop  }
0x5: {  	_ = 	snop  }
0x6: {  	_ = 	snop  }
0x7: {  	_ = 	snop  }
__scs_overlays_trampoline_lowered:
0x8: {  	[smem:$0x3FA8] =	sst s0  }
0x9: {  	[smem:$0x3FA9] =	sst s1  }
0xa: {  	[smem:$0x3FAA] =	sst s2  }
0xb: {  	[smem:$0x3FAB] =	sst s3  }
0xc: {  	[smem:$0x3FAC] =	sst s4  }
0xd: {  	[smem:$0x3FAD] =	sst s5  }
0xe: {  	[smem:$0x3FAE] =	sst s6  }
0xf: {  	[smem:$0x3FAF] =	sst s7  }
0x10: {  	[smem:$0x3FB0] =	sst s8  }
0x11: {  	[smem:$0x3FB1] =	sst s9;
	s0 =	simm.s32 @!p0 $0x0  }
0x12: {  	s1 =	sld [smem:$0x3F97];
	s0 =	simm.s32 @p0 $0x1  }
0x13: {  	[smem:$0x3FB2] =	sst s0;
	s0 =	simm.s32 @!p1 $0x0  }
0x14: {  	s2 =	sld [smem:$0x3F96];
	s0 =	simm.s32 @p1 $0x1  }
0x15: {  	[smem:$0x3FB3] =	sst s0;
	s0 =	simm.s32 @!p2 $0x0  }
0x16: {  	s3 =	sld [smem:$0x3FDB];
	s0 =	simm.s32 @p2 $0x1  }
0x17: {  	s4 =	simm.s32 $0x1BF5;
	[smem:$0x3FB5] =	sst s0  }
0x18: {  	s0 =	sld [smem:$0x3F98];
	_ =	swait.ge [sflag:s4], $0x0  }
0x19: {  	s7 =	sld [smem:$0x3F99]  }
0x1a: {  	s8 =	sadd.s32 $0xFFFFE003, lr  }
0x1b: {  	s9 =	sadd.s32 $0xFFFFFEF7, lr;
	s5 =	simm.s32 $0xFFFFFFFF;
	p2 =	slt.u32 s8, $0xFFFFF086  }
0x1c: {  	p1 =	slt.u32 s9, $0xF7A;
	s5 =	simm.s32 @!p2 $0x0  }
0x1d: {  	s5 =	simm.s32 @p1 $0x1;
	p0 =	seq.s32 s7, s2  }
0x1e: {  	s7 =	smul.u32 @!p0 $0xF7A, s2;
	p2 =	seq.s32 @!p0 s5, $0x0  }
0x1f: {  	s9 =	smul.u32 $0xF7A, s1;
	s8 =	simm.s32 @!p0 $0x1BF5;
	p2 =	por !p2, p0  }
0x20: {  	[sflag:s8] =	ssyncset.s32 @!p0 $0xFFFFF086;
	s6 =	sadd.s32 @!p0 s3, s7;
	s7 =	simm.s32 @!p0 $0x108  }
0x21: {  	s3 =	sadd.s32 s3, s9;
	s6 =	sadd.s32 @!p0 $0x88, s6;
	s7 =	simm.s32 @p2 $0x1082  }
0x22: {  	[simem:s7], [sflag:s8] =	dma.local @!p0 [hbm:s6], $0xF7A  }
0x23: {  	s9 =	sor.u32 $0xD0000000, s2;
	s6 =	simm.s32 $0x108;
	_ =	swait.ge @!p0 [sflag:s8], $0x0  }
0x24: {  	s3 =	sadd.s32 $0x88, s3;
	s6 =	simm.s32 @!p1 $0x1082;
	[sflag:s4] =	ssyncset.s32 $0xFFFFF086  }
0x25: {  	[simem:s6], [sflag:s4] =	dma.local [hbm:s3], $0xF7A  }
0x26: {  	[smem:$0x3F99] =	sst s1;
	(tag) =	ssettag s2;
	_ =	strace s9  }
0x27: {  	s1 =	sld [smem:$0x3FA9]  }
0x28: {  	s2 =	sld [smem:$0x3FAA]  }
0x29: {  	s4 =	sld [smem:$0x3FAC]  }
0x2a: {  	p0 =	seq.s32 s5, $0x0;
	s5 =	sld [smem:$0x3FAD]  }
0x2b: {  	s6 =	sld [smem:$0x3FAE]  }
0x2c: {  	s7 =	sld [smem:$0x3FAF]  }
0x2d: {  	s3 =	simm.s32 $0x108;
	s8 =	sld [smem:$0x3FB0]  }
0x2e: {  	s3 =	simm.s32 @!p0 $0x1082;
	s9 =	sld [smem:$0x3FB1]  }
0x2f: {  	lr =	sadd.s32 s0, s3;
	s0 =	sld [smem:$0x3FA8]  }
0x30: {  	s3 =	sld [smem:$0x3FAB]  }
0x31: {  	[smem:$0x3FB4] =	sst s10  }
0x32: {  	s10 =	sld [smem:$0x3FB2];
	_ =	sdelay $0x3  }
0x33: {  	p0 =	seq.s32 s10, $0x1;
	s10 =	sld [smem:$0x3FB4];
	_ =	sdelay $0x3  }
0x34: {  	[smem:$0x3FB4] =	sst s10  }
0x35: {  	s10 =	sld [smem:$0x3FB3];
	_ =	sdelay $0x3  }
0x36: {  	p1 =	seq.s32 s10, $0x1;
	s10 =	sld [smem:$0x3FB4];
	_ =	sdelay $0x3  }
0x37: {  	[smem:$0x3FB4] =	sst s10  }
0x38: {  	s10 =	sld [smem:$0x3FB5]  }
0x39: {  	_ = 	snop;
	(pc) =	sbr.ind lr, $3  }
0x3a: {  	_ = 	snop  }
0x3b: {  	_ = 	snop  }
0x3c: {  	p2 =	seq.s32 s10, $0x1;
	s10 =	sld [smem:$0x3FB4]  }
0x3d: {  	_ =	shalt  }
0x3e: {  	_ =	shalt  }
0x3f: {  	_ =	shalt  }
0x40: {  	_ =	shalt  }
0x41: {  	_ =	shalt  }
0x42: {  	_ =	shalt  }
0x43: {  	_ =	shalt  }
0x44: {  	_ =	shalt  }
0x45: {  	_ =	shalt  }
0x46: {  	_ =	shalt  }
0x47: {  	_ =	shalt  }
0x48: {  	_ =	shalt  }
0x49: {  	_ =	shalt  }
0x4a: {  	_ =	shalt  }
0x4b: {  	_ =	shalt  }
0x4c: {  	_ =	shalt  }
0x4d: {  	_ =	shalt  }
0x4e: {  	_ =	shalt  }
0x4f: {  	_ =	shalt  }
0x50: {  	_ =	shalt  }
0x51: {  	_ =	shalt  }
0x52: {  	_ =	shalt  }
0x53: {  	_ =	shalt  }
0x54: {  	_ =	shalt  }
0x55: {  	_ =	shalt  }
0x56: {  	_ =	shalt  }
0x57: {  	_ =	shalt  }
0x58: {  	_ =	shalt  }
0x59: {  	_ =	shalt  }
0x5a: {  	_ =	shalt  }
0x5b: {  	_ =	shalt  }
0x5c: {  	_ =	shalt  }
0x5d: {  	_ =	shalt  }
0x5e: {  	_ =	shalt  }
0x5f: {  	_ =	shalt  }
0x60: {  	_ =	shalt  }
0x61: {  	_ =	shalt  }
0x62: {  	_ =	shalt  }
0x63: {  	_ =	shalt  }
0x64: {  	_ =	shalt  }
0x65: {  	_ =	shalt  }
0x66: {  	_ =	shalt  }
0x67: {  	_ =	shalt  }
0x68: {  	_ =	shalt  }
0x69: {  	_ =	shalt  }
0x6a: {  	_ =	shalt  }
0x6b: {  	_ =	shalt  }
0x6c: {  	_ =	shalt  }
0x6d: {  	_ =	shalt  }
0x6e: {  	_ =	shalt  }
0x6f: {  	_ =	shalt  }
0x70: {  	_ =	shalt  }
0x71: {  	_ =	shalt  }
0x72: {  	_ =	shalt  }
0x73: {  	_ =	shalt  }
0x74: {  	_ =	shalt  }
0x75: {  	_ =	shalt  }
0x76: {  	_ =	shalt  }
0x77: {  	_ =	shalt  }
0x78: {  	_ =	shalt  }
0x79: {  	_ =	shalt  }
0x7a: {  	_ =	shalt  }
0x7b: {  	_ =	shalt  }
0x7c: {  	_ =	shalt  }
0x7d: {  	_ =	shalt  }
0x7e: {  	_ =	shalt  }
0x7f: {  	_ =	shalt  }
0x80: {  	_ =	shalt  }
0x81: {  	_ =	shalt  }
0x82: {  	_ =	shalt  }
0x83: {  	_ =	shalt  }
0x84: {  	_ =	shalt  }
0x85: {  	_ =	shalt  }
0x86: {  	_ =	shalt  }
0x87: {  	_ =	shalt  }
.Lfunc_end0:
.L_simem_size_0:
called_computation.3_lowered:
.L_overlay_start_0:
0x88: {  	s2 =	sld [smem:$0x3FD9]  }
0x89: {  	s3 =	sld [smem:$0x3FFE];
	_ =	sdelay $0x1  }
0x8a: {  	s1 =	srdreg.scid  }
0x8b: {  	s0 =	sand.u32 $0x1, s1  }
0x8c: {  	s17 =	sshll.u32 s0, $0xA;
	s2 =	sadd.s32 s3, s2  }
0x8d: {  	s2 =	sadd.s32 s2, s17  }
0x8e: {  	[smem:$0x3FC0] =	sst s2  }
0x8f: {  	_ = 	snop  }
0x90: {  	s2 =	sld [smem:$0x3FD0];
	(tm) =	ssettm $0x1  }
0x91: {  	s18 =	sld [smem:$0x3FFB];
	_ =	sdelay $0x3  }
0x92: {  	_ =	strace s18  }
0x93: {  	s3 =	sld [smem:$0x3FFC];
	_ =	sdelay $0x3  }
0x94: {  	_ =	strace s3  }
0x95: {  	s3 =	sld [smem:$0x3FFD];
	_ =	sdelay $0x3  }
0x96: {  	_ =	strace s3  }
0x97: {  	_ =	strace $0x8FFFFFFF  }
0x98: {  	s19 =	sld [smem:$0x3FDB];
	_ =	sdelay $0x1  }
0x99: {  	s4 =	simm.s32 $_scs_section_size  }
0x9a: {  	s5 =	simm.s32 $_size__tile_overlayer_lowered;
	s6 =	simm.s32 $_tile_overlayer_lowered  }
0x9b: {  	s22 =	simm.s32 $0x1BFF;
	s21 =	sshll.u32 s6, $0x1;
	s3 =	sadd.s32 s4, s19  }
0x9c: {  	s7 =	simm.s32 $0x0;
	s20 =	sshll.u32 s5, $0x1;
	s5 =	sadd.s32 s21, s3  }
0x9d: {  	[timem:s7], [sflag:s22] =	dma.local [hbm:s5], s20  }
0x9e: {  	_ =	swait.ge [sflag:s22], s20  }
0x9f: {  	s4 =	ssub.s32 $0x0, s20;
	[sflag:s22] =	ssyncset.done $0x0  }
0xa0: {  	[sflag:s22] =	ssyncadd.s32 s4;
	_ =	sdelay $0x1  }
0xa1: {  	s23 =	simm.s32 $0x1B8B  }
0xa2: {  	_ =	swait.ge [sflag:s23], $0x1  }
0xa3: {  	[sflag:s23] =	ssyncset.done $0x0  }
0xa4: {  	s25 =	simm.s32 $0x1B8E;
	s24 =	sld [smem:$0x3FFE];
	[sflag:s23] =	ssyncadd.s32 $0xFFFFFFFF  }
0xa5: {  	s26 =	simm.s32 $execute0_lowered;
	[smem:$0x3FD2] =	sst s25  }
0xa6: {  	s5 =	sshll.u32 s26, $0x1;
	_ =	strace $0x8000004F;
	[dreg:$0x1] =	wrdreg $0xFFFFFFFF  }
0xa7: {  	s28 =	simm.s32 $_size_execute0_lowered;
	s3 =	sadd.s32 s3, s5;
	[dreg:$0x0] =	wrdreg $0x0  }
0xa8: {  	s5 =	sshll.u32 s28, $0x1;
	[dreg:$0x2] =	wrdreg s3  }
0xa9: {  	[dreg:$0x3] =	wrdreg s5  }
0xaa: {  	[dreg:$0x4] =	wrdreg $0xC0  }
0xab: {  	_ =	task [dreg:s7], $0x5FFFF  }
0xac: {  	[dreg:$0x1] =	wrdreg $0xFFFFFFFF  }
0xad: {  	[dreg:$0x0] =	wrdreg $0x60  }
0xae: {  	[dreg:$0x2] =	wrdreg s24  }
0xaf: {  	[dreg:$0x3] =	wrdreg s2  }
0xb0: {  	[dreg:$0x4] =	wrdreg $0x150800  }
0xb1: {  	[dreg:$0x5] =	wrdreg $0x9  }
0xb2: {  	_ =	task.clear_ibuf [dreg:s7], $0x6FFFF;
	_ =	strace $0x9000004F  }
0xb3: {  	s29 =	simm.s32 $0x9;
	_ =	strace $0x80000051  }
0xb4: {  	_ =	swait.ge [sflag:s29], $0x1  }
0xb5: {  	[sflag:s29] =	ssyncadd.s32 $0xFFFFFFFF  }
0xb6: {  	_ =	strace $0x90000051  }
0xb7: {  	_ =	sfence  }
0xb8: {  	s30 =	sld [smem:$0x0];
	_ =	sdelay $0x2  }
0xb9: {  	s31 =	sshll.u32 s1, $0xD;
	s1 =	sshrl.u32 s1, $0x2  }
0xba: {  	s3 =	sand.u32 $0x4000, s31;
	s1 =	sadd.s32 s1, s30  }
0xbb: {  	s0 =	sor.u32 s3, s0;
	s1 =	sshll.u32 s1, $0x11  }
0xbc: {  	s0 =	sor.u32 s1, s0  }
0xbd: {  	s0 =	sadd.s32 $0x8F2B, s0  }
0xbe: {  	[sflag:s0] =	ssyncadd.remote.s32 $0x1  }
0xbf: {  	_ =	sfence.sel $0xFFFF  }
0xc0: {  	[dreg:$0x0] =	wrdreg $0xFFFFFFFF;
	(pc) =	sbr.abs _section_cstart, $3  }
0xc1: {  	[dreg:$0x1] =	wrdreg $0xFFFFFFFF  }
0xc2: {  	_ =	task.clear_ibuf [dreg:s7], $0x2FFFF;
	_ =	strace $0x9FFFFFFF  }
0xc3: {  	(tm) =	ssettm $0x7FFFFFFF  }
tec
execute0_lowered:
.L_overlay_start_1:
0x0: {  	(tag) =	ssettag $0x1  }
0x1: {  	s0 =	rddreg [dreg:$0x0]  }
0x2: {  	s1 =	rddreg [dreg:$0x1]  }
0x3: {  	s2 =	rddreg [dreg:$0x2]  }
0x4: {  	s4 =	simm.s32 $0x0;
	s3 =	srdreg.scid;
	s20 =	stileid.u32  }
0x5: {  	s17 =	simm.s32 $0x3;
	s18 =	simm.s32 $0x13000;
	[smem:$0x7FF] =	sst s4  }
0x6: {  	s7 =	sand.u32 $0x1, s3;
	s9 =	smul.u32 $0xA000, s20;
	s5 =	sadd.s32 $0x25A00, s0  }
0x7: {  	s6 =	sadd.s32 $0x3800, s0;
	s10 =	sshll.u32 s20, $0x4;
	s8 =	smul.u32 $0xA0000, s7  }
0x8: {  	s12 =	smul.u32 $0x28000, s20;
	_ =	strace $0x80000050;
	s21 =	ssub.s32 $0x2, s7  }
0x9: {  	s10 =	sadd.s32 s10, s0;
	s11 =	sshrl.u32 s21, $0x1;
	s8 =	sadd.s32 s9, s8  }
0xa: {  	s22 =	sshll.u32 s7, $0x8;
	s11 =	ssub.s32 s21, s11;
	s8 =	sshrl.u32 s8, $0x3  }
0xb: {  	s26 =	smax.u32 s11, $0x1;
	s0 =	sadd.s32 s8, s0;
	s8 =	sadd.s32 s22, s10  }
0xc: {  	s23 =	sshrl.u32 s12, $0x2;
	[dreg:$0x6] =	wrdreg s26;
	s25 =	sadd.s32 $0x25800, s8  }
0xd: {  	s8 =	sadd.s32 s23, s2;
	s0 =	sadd.s32 $0x4DA00, s0;
	[dreg:$0x4] =	wrdreg s25  }
0xe: {  	s19 =	simm.s32 $0x1800;
	[dreg:$0x5] =	wrdreg s0;
	s28 =	sadd.s32 $0x2000, s8  }
0xf: {  	s7 =	sshll.u32 s7, $0x4;
	s29 =	sadd.s32 $0x4000, s8;
	[dreg:$0x7] =	wrdreg s28  }
0x10: {  	s24 =	sor.u32 s20, s7;
	s30 =	sadd.s32 $0x6000, s8;
	[dreg:$0x8] =	wrdreg s29  }
0x11: {  	s20 =	simm.s32 $0x0;
	s31 =	sadd.s32 $0x8000, s8;
	[dreg:$0x9] =	wrdreg s30  }
0x12: {  	v0 =	vimm.f32 $0.0e+00;
	s9 =	smul.u32 $0x3000, s24;
	s25 =	simm.s32 $0x0;
	[dreg:$0xa] =	wrdreg s31  }
.LBB2_1:
0x13: {  	s0 =	rddreg [dreg:$0x4];
	s3 =	simm.s32 $0x15000  }
0x14: {  	[tilespmem:s3], [sflag:$0x3] =	stream.linear.gather [hbm4b:s0+s4], $0x80, $0x38;
	[tilespmem:$0x1F480] =	vst v63  }
0x15: {  	_ =	swait.ge [sflag:s17], $0x80  }
0x16: {  	[sflag:s17] =	ssyncset.done $0x0  }
0x17: {  	[sflag:s17] =	ssyncadd.s32 $0xFFFFFF80  }
0x18: {  	s21 =	simm.s32 $0x0;
	s0 =	simm.s32 $0x200;
	v1 =	vld [tilespmem:$0x15000]  }
.LBB2_2:
0x19: {  	p0 =	sne.s32 s0, $0x7E00;
	[tilespmem:s21+$0x13070] =	vst v0  }
0x1a: {  	[tilespmem:s21+$0x13000] =	vst v0  }
0x1b: {  	[tilespmem:s21+$0x13010] =	vst v0  }
.Ltmp0:
0x1c: {  	[tilespmem:s21+$0x13020] =	vst v0;
	(pc) =	sbr.rel @p0 .LBB2_2-.Ltmp0, $4  }
0x1d: {  	[tilespmem:s21+$0x13030] =	vst v0  }
0x1e: {  	[tilespmem:s21+$0x13040] =	vst v0  }
0x1f: {  	[tilespmem:s21+$0x13050] =	vst v0  }
0x20: {  	[tilespmem:s21+$0x13060] =	vst v0;
	s21 =	sshra.s32 s0, $0x2;
	s0 =	sadd.s32 $0x200, s0  }
0x21: {  	[tilespmem:s21+$0x13070] =	vst v0  }
0x22: {  	[tilespmem:s21+$0x13000] =	vst v0  }
0x23: {  	[tilespmem:s21+$0x13010] =	vst v0  }
0x24: {  	[tilespmem:s21+$0x13020] =	vst v0  }
0x25: {  	[tilespmem:s21+$0x13030] =	vst v0  }
0x26: {  	[tilespmem:s21+$0x13040] =	vst v0  }
0x27: {  	[tilespmem:s21+$0x13050] =	vst v0  }
0x28: {  	[tilespmem:s21+$0x13060] =	vst v0  }
0x29: {  	[spmem:s8] =	stream.linear.scatter [tilespmem:s18], [sflag:$0x3], $0x2000, $0x38;
	[tilespmem:$0x1F480] =	vst v63  }
0x2a: {  	_ =	swait.ge [sflag:s17], $0x2000  }
0x2b: {  	[sflag:s17] =	ssyncset.done $0x0  }
0x2c: {  	s0 =	rddreg [dreg:$0x7];
	[sflag:s17] =	ssyncadd.s32 $0xFFFFE000  }
0x2d: {  	[spmem:s0] =	stream.linear.scatter [tilespmem:s18], [sflag:$0x3], $0x2000, $0x38;
	[tilespmem:$0x1F480] =	vst v63  }
0x2e: {  	_ =	swait.ge [sflag:s17], $0x2000  }
0x2f: {  	[sflag:s17] =	ssyncset.done $0x0  }
0x30: {  	s24 =	rddreg [dreg:$0x8];
	[sflag:s17] =	ssyncadd.s32 $0xFFFFE000  }
0x31: {  	[spmem:s24] =	stream.linear.scatter [tilespmem:s18], [sflag:$0x3], $0x2000, $0x38;
	[tilespmem:$0x1F480] =	vst v63  }
0x32: {  	_ =	swait.ge [sflag:s17], $0x2000  }
0x33: {  	[sflag:s17] =	ssyncset.done $0x0  }
0x34: {  	s26 =	rddreg [dreg:$0x9];
	[sflag:s17] =	ssyncadd.s32 $0xFFFFE000  }
0x35: {  	[spmem:s26] =	stream.linear.scatter [tilespmem:s18], [sflag:$0x3], $0x2000, $0x38;
	[tilespmem:$0x1F480] =	vst v63  }
0x36: {  	_ =	swait.ge [sflag:s17], $0x2000  }
0x37: {  	[sflag:s17] =	ssyncset.done $0x0  }
0x38: {  	s28 =	rddreg [dreg:$0xa];
	[sflag:s17] =	ssyncadd.s32 $0xFFFFE000  }
0x39: {  	[spmem:s28] =	stream.linear.scatter [tilespmem:s18], [sflag:$0x3], $0x2000, $0x38;
	[tilespmem:$0x1F480] =	vst v63  }
0x3a: {  	_ =	swait.ge [sflag:s17], $0x2000  }
0x3b: {  	(v2sf) =	vpush v1, $0x0;
	_ =	sdelay $0xe  }
0x3c: {  	s29 =	spop (v2sf)  }
0x3d: {  	s0 =	sadd.s32 $0x7F, s29  }
0x3e: {  	s21 =	simm.s32 $0x1;
	s30 =	sand.u32 $0x7F, s0  }
0x3f: {  	s22 =	sshra.s32 s0, $0x1F;
	p0 =	slt.s32 s0, $0x1;
	p1 =	sne.s32 s30, $0x0  }
0x40: {  	[sflag:s17] =	ssyncset.done $0x0;
	s31 =	sshrl.u32 s22, $0x19;
	p0 =	por !p0, !p1  }
0x41: {  	[sflag:s17] =	ssyncadd.s32 $0xFFFFE000;
	s0 =	sadd.s32 s31, s0;
	p0 =	por !p0, !p0  }
0x42: {  	[bflag:$0x0] =	sbarrier.arrive $0xFFFF;
	s0 =	sshra.s32 s0, $0x7;
	s21 =	simm.s32 @!p0 $0x0  }
0x43: {  	p1 =	por $0x1, $0x1;
	s21 =	ssub.s32 s0, s21;
	s0 =	simm.s32 $0x0  }
0x44: {  	s22 =	sadd.s32 $0xFFFFFFFF, s21;
	s23 =	sadd.s32 $0xFFFFFFD2, s21;
	s24 =	sadd.s32 $0xFFFFFFD1, s21  }
.LBB2_4:
0x45: {  	s26 =	smul.u32 $0x1800, s0;
	_ =	sdelay $0x1  }
0x46: {  	s26 =	sadd.s32 s9, s26  }
0x47: {  	s26 =	sshrl.u32 s26, $0x3  }
0x48: {  	s28 =	sadd.s32 s6, s26  }
0x49: {  	[tilespmem:s4], [sflag:$0x3] =	stream.linear.gather [hbm4b:s28+s4], $0x1800, $0x38;
	[tilespmem:$0x1F480] =	vst v63  }
0x4a: {  	_ =	swait.ge [sflag:s17], $0x1800  }
0x4b: {  	[sflag:s17] =	ssyncset.done $0x0  }
0x4c: {  	s26 =	sadd.s32 s1, s26;
	[sflag:s17] =	ssyncadd.s32 $0xFFFFE800  }
0x4d: {  	[tilespmem:s19], [sflag:$0x3] =	stream.linear.gather [hbm4b:s26+s4], $0x1800, $0x38;
	[tilespmem:$0x1F480] =	vst v63  }
0x4e: {  	s26 =	smul.u32 $0x30, s0;
	_ =	swait.ge [sflag:s17], $0x1800  }
0x4f: {  	[sflag:s17] =	ssyncset.done $0x0  }
0x50: {  	p0 =	sge.s32 s26, s21;
	[sflag:s17] =	ssyncadd.s32 $0xFFFFE800  }
0x51: {  	s0 =	simm.s32 @!p0 $0x80;
	s28 =	simm.s32 @!p0 $0x0;
	s29 =	simm.s32 @!p0 $0x3000  }
0x52: {  	[tilespmem:s29], [sflag:$0x1] =	stream.indirect.gather @!p0 [hbm4b:s5+s0], $0x80, s28, s0, $0xb8;
	[tilespmem:$0x1F480] =	vst v63  }
0x53: {  	s16 =	simm.s32 $0x1;
	p0 =	slt.s32 s26, s22  }
0x54: {  	s29 =	simm.s32 $0x0;
	s0 =	simm.s32 @p0 $0x80;
	s28 =	simm.s32 @p0 $0x7000  }
0x55: {  	[tilespmem:s28], [sflag:$0x1] =	stream.indirect.gather @p0 [hbm4b:s5+s0], $0x80, s0, s0, $0xb8;
	[tilespmem:$0x1F480] =	vst v63  }
0x56: {  	p2 =	sge.s32 s26, s21;
	s29 =	sand.u32 $0x1, s29;
	s28 =	sadd.s32 $0x2, s26  }
0x57: {  	p0 =	por p1, p1;
	s0 =	sand.u32 $0x1, s16;
	p1 =	sge.s32 s28, s21  }
0x58: {  	s29 =	sadd.s32 $0x1, s29;
	p3 =	sge.s32 s28, s22;
	s30 =	sxor.u32 @!p1 $0xFFFFFFFF, s25  }
0x59: {  	s0 =	sadd.s32 $0x1, s0;
	s16 =	simm.s32 @!p3 $0x30000;
	s30 =	sand.u32 @!p1 $0x20000, s30  }
0x5a: {  	s31 =	simm.s32 @!p1 $0x80;
	s16 =	sand.u32 @!p3 $0x30000, s16;
	s30 =	sshrl.u32 @!p1 s30, $0x2  }
0x5b: {  	s3 =	simm.s32 @!p1 $0x100;
	s16 =	sshrl.u32 @!p3 s16, $0x2;
	s30 =	sor.u32 @!p1 $0x3000, s30  }
0x5c: {  	[tilespmem:s30], [sflag:s0] =	stream.indirect.gather @!p1 [hbm4b:s5+s31], $0x80, s3, s31, $0xb8;
	[tilespmem:$0x1F480] =	vst v63  }
0x5d: {  	s7 =	simm.s32 @!p3 $0x180;
	s3 =	sor.u32 @!p3 $0x3000, s16;
	s16 =	simm.s32 @!p3 $0x80  }
0x5e: {  	[tilespmem:s3], [sflag:s0] =	stream.indirect.gather @!p3 [hbm4b:s5+s16], $0x80, s7, s16, $0xb8;
	[tilespmem:$0x1F480] =	vst v63  }
0x5f: {  	_ =	swait.ge @!p2 [sflag:s29], $0x4000  }
0x60: {  	[sflag:s29] =	ssyncset.done @!p2 $0x0  }
0x61: {  	p1 =	sge.s32 s26, s22;
	s0 =	sand.u32 @!p2 $0x20000, s25;
	[sflag:s29] =	ssyncadd.s32 @!p2 $0xFFFFC000  }
0x62: {  	s3 =	simm.s32 @!p2 $0x3;
	s7 =	simm.s32 @!p2 $0x1800;
	_ =	swait.ge @!p1 [sflag:s29], $0x4000  }
0x63: {  	s16 =	simm.s32 @!p1 $0x10000;
	s0 =	sshrl.u32 @!p2 s0, $0x2;
	[sflag:s29] =	ssyncset.done @!p1 $0x0  }
0x64: {  	s0 =	sor.u32 @!p2 $0x3000, s0;
	[sflag:s29] =	ssyncadd.s32 @!p1 $0xFFFFC000;
	s29 =	simm.s32 @!p2 $0x80  }
0x65: {  	[spmem:s2] =	stream.indirect.scatter.add.f32 @!p2 [tilespmem:s0], [sflag:$0x3], $0x80, s7, s29, $0xb8;
	[tilespmem:$0x1F480] =	vst v63  }
0x66: {  	s0 =	sand.u32 @!p1 $0x30000, s16;
	_ =	swait.ge @!p2 [sflag:s3], $0x4000  }
0x67: {  	s7 =	simm.s32 @!p1 $0x1880;
	s0 =	sshrl.u32 @!p1 s0, $0x2;
	[sflag:s3] =	ssyncset.done @!p2 $0x0  }
0x68: {  	s0 =	sor.u32 @!p1 $0x3000, s0;
	[sflag:s3] =	ssyncadd.s32 @!p2 $0xFFFFC000;
	s3 =	simm.s32 @!p1 $0x80  }
0x69: {  	[spmem:s2] =	stream.indirect.scatter.add.f32 @!p1 [tilespmem:s0], [sflag:$0x3], $0x80, s7, s3, $0xb8;
	[tilespmem:$0x1F480] =	vst v63  }
0x6a: {  	s30 =	simm.s32 $0x400;
	s0 =	simm.s32 @!p1 $0x3  }
0x6b: {  	s31 =	simm.s32 $0x2;
	s29 =	simm.s32 $0x20000;
	_ =	swait.ge @!p1 [sflag:s0], $0x4000  }
.LBB2_5:
0x6c: {  	s3 =	sadd.s32 $0xFFFFFFFF, s31;
	[sflag:s0] =	ssyncset.done @!p1 $0x0;
	s7 =	smov.u32 s29  }
0x6d: {  	s29 =	sadd.s32 $0x20000, s29;
	s16 =	smov.u32 s28;
	s28 =	sadd.s32 $0x2, s28  }
0x6e: {  	p2 =	sge.s32 s16, s21;
	[sflag:s0] =	ssyncadd.s32 @!p1 $0xFFFFC000;
	s0 =	sand.u32 $0x1, s31  }
0x6f: {  	p1 =	sge.s32 s28, s21;
	s3 =	sand.u32 $0x1, s3;
	s10 =	simm.s32 @!p2 $0x3  }
0x70: {  	p3 =	sge.s32 s28, s22;
	s11 =	sxor.u32 @!p1 $0xFFFFFFFF, s7;
	s12 =	sshra.s32 @!p1 s30, $0x2  }
0x71: {  	s13 =	simm.s32 @!p1 $0x80;
	s14 =	sadd.s32 @!p3 $0x30000, s7;
	s11 =	sand.u32 @!p1 $0x20000, s11  }
0x72: {  	s15 =	sshra.s32 @!p3 s30, $0x2;
	s12 =	sadd.s32 @!p1 $0x100, s12;
	s11 =	sshrl.u32 @!p1 s11, $0x2  }
0x73: {  	s0 =	sadd.s32 $0x1, s0;
	s14 =	sand.u32 @!p3 $0x30000, s14;
	s11 =	sor.u32 @!p1 $0x3000, s11  }
0x74: {  	s3 =	sadd.s32 $0x1, s3;
	s15 =	sadd.s32 @!p3 $0x180, s15;
	s14 =	sshrl.u32 @!p3 s14, $0x2  }
0x75: {  	[tilespmem:s11], [sflag:s0] =	stream.indirect.gather @!p1 [hbm4b:s5+s13], $0x80, s12, s13, $0xb8;
	[tilespmem:$0x1F480] =	vst v63  }
0x76: {  	s11 =	sor.u32 @!p3 $0x3000, s14;
	s12 =	simm.s32 @!p3 $0x80;
	p1 =	sge.s32 s16, s22  }
0x77: {  	[tilespmem:s11], [sflag:s0] =	stream.indirect.gather @!p3 [hbm4b:s5+s12], $0x80, s15, s12, $0xb8;
	[tilespmem:$0x1F480] =	vst v63  }
0x78: {  	s0 =	sand.u32 @!p2 $0x20000, s7;
	s11 =	sshra.s32 @!p2 s30, $0x2;
	_ =	swait.ge @!p2 [sflag:s3], $0x4000  }
0x79: {  	s0 =	sshrl.u32 @!p2 s0, $0x2;
	s11 =	sadd.s32 @!p2 $0x1800, s11;
	[sflag:s3] =	ssyncset.done @!p2 $0x0  }
0x7a: {  	s7 =	sadd.s32 @!p1 $0x10000, s7;
	s0 =	sor.u32 @!p2 $0x3000, s0;
	[sflag:s3] =	ssyncadd.s32 @!p2 $0xFFFFC000  }
0x7b: {  	s12 =	sshra.s32 @!p1 s30, $0x2;
	p3 =	seq.s32 s29, $0x2E0000;
	_ =	swait.ge @!p1 [sflag:s3], $0x4000  }
0x7c: {  	s7 =	sand.u32 @!p1 $0x30000, s7;
	s12 =	sadd.s32 @!p1 $0x1880, s12;
	[sflag:s3] =	ssyncset.done @!p1 $0x0  }
0x7d: {  	s7 =	sshrl.u32 @!p1 s7, $0x2;
	[sflag:s3] =	ssyncadd.s32 @!p1 $0xFFFFC000;
	s3 =	simm.s32 @!p2 $0x80  }
0x7e: {  	[spmem:s2] =	stream.indirect.scatter.add.f32 @!p2 [tilespmem:s0], [sflag:$0x3], $0x80, s11, s3, $0xb8;
	[tilespmem:$0x1F480] =	vst v63  }
.Ltmp1:
0x7f: {  	_ =	swait.ge @!p2 [sflag:s10], $0x4000;
	(pc) =	sbr.rel @!p3 .LBB2_5-.Ltmp1, $4  }
0x80: {  	s0 =	simm.s32 @!p1 $0x3;
	[sflag:s10] =	ssyncset.done @!p2 $0x0  }
0x81: {  	s3 =	sor.u32 @!p1 $0x3000, s7;
	s7 =	simm.s32 @!p1 $0x80;
	[sflag:s10] =	ssyncadd.s32 @!p2 $0xFFFFC000  }
0x82: {  	[spmem:s2] =	stream.indirect.scatter.add.f32 @!p1 [tilespmem:s3], [sflag:$0x3], $0x80, s12, s7, $0xb8;
	[tilespmem:$0x1F480] =	vst v63  }
0x83: {  	s31 =	sadd.s32 $0x1, s31;
	s30 =	sadd.s32 $0x400, s30;
	_ =	swait.ge @!p1 [sflag:s0], $0x4000  }
0x84: {  	[sflag:s0] =	ssyncset.done @!p1 $0x0  }
0x85: {  	[sflag:s0] =	ssyncadd.s32 @!p1 $0xFFFFC000;
	p1 =	slt.s32 s26, s23  }
0x86: {  	s0 =	simm.s32 @p1 $0x2  }
0x87: {  	_ =	swait.ge @p1 [sflag:s0], $0x4000  }
0x88: {  	[sflag:s0] =	ssyncset.done @p1 $0x0  }
0x89: {  	[sflag:s0] =	ssyncadd.s32 @p1 $0xFFFFC000;
	p1 =	sge.s32 s26, s24  }
0x8a: {  	s0 =	simm.s32 @!p1 $0x2  }
0x8b: {  	p2 =	sge.s32 s26, s23;
	_ =	swait.ge @!p1 [sflag:s0], $0x4000  }
0x8c: {  	s3 =	simm.s32 @!p2 $0x2F00;
	[sflag:s0] =	ssyncset.done @!p1 $0x0  }
0x8d: {  	s7 =	simm.s32 @!p2 $0xB000;
	[sflag:s0] =	ssyncadd.s32 @!p1 $0xFFFFC000;
	s0 =	simm.s32 @!p2 $0x80  }
0x8e: {  	[spmem:s2] =	stream.indirect.scatter.add.f32 @!p2 [tilespmem:s7], [sflag:$0x3], $0x80, s3, s0, $0xb8;
	[tilespmem:$0x1F480] =	vst v63  }
0x8f: {  	s0 =	simm.s32 @!p2 $0x3  }
0x90: {  	_ =	swait.ge @!p2 [sflag:s0], $0x4000  }
0x91: {  	s3 =	simm.s32 @!p1 $0x2F80;
	[sflag:s0] =	ssyncset.done @!p2 $0x0  }
0x92: {  	s7 =	simm.s32 @!p1 $0xF000;
	[sflag:s0] =	ssyncadd.s32 @!p2 $0xFFFFC000;
	s0 =	simm.s32 @!p1 $0x80  }
0x93: {  	[spmem:s2] =	stream.indirect.scatter.add.f32 @!p1 [tilespmem:s7], [sflag:$0x3], $0x80, s3, s0, $0xb8;
	[tilespmem:$0x1F480] =	vst v63  }
.Ltmp2:
0x94: {  	_ = 	snop;
	(pc) =	sbr.rel @p0 .LBB2_4-.Ltmp2, $4  }
0x95: {  	s0 =	simm.s32 @!p1 $0x3  }
0x96: {  	_ =	swait.ge @!p1 [sflag:s0], $0x4000  }
0x97: {  	[sflag:s0] =	ssyncset.done @!p1 $0x0  }
0x98: {  	[sflag:s0] =	ssyncadd.s32 @!p1 $0xFFFFC000;
	s0 =	simm.s32 $0x1;
	p1 =	por $0x0, $0x0  }
0x99: {  	s0 =	stileid.u32  }
0x9a: {  	[bflag:$0x0] =	sbarrier.arrive $0xFFFF;
	s0 =	sshll.u32 s0, $0x6  }
0x9b: {  	s3 =	sshrl.u32 s8, $0x3;
	s7 =	rddreg [dreg:$0x5];
	s0 =	sor.u32 $0x1C03, s0  }
0x9c: {  	[hbm:s7], [sflag:s0] =	dma.local [spmem:s3], $0x1400  }
0x9d: {  	_ =	swait.ge [sflag:s17], $0x1400  }
0x9e: {  	s20 =	sadd.s32 $0x1, s20;
	s31 =	rddreg [dreg:$0x6]  }
0x9f: {  	p0 =	sne.s32 s20, s31  }
.Ltmp3:
0xa0: {  	_ = 	snop;
	(pc) =	sbr.rel @p0 .LBB2_1-.Ltmp3, $3  }
0xa1: {  	_ =	sdelay $0x1  }
0xa2: {  	[sflag:s17] =	ssyncset.done $0x0  }
0xa3: {  	[sflag:s17] =	ssyncadd.s32 $0xFFFFEC00  }
0xa4: {  	_ =	sfence.sel $0x180000  }
0xa5: {  	[bflag:$0x0] =	sbarrier.arrive $0xFFFF  }
0xa6: {  	_ =	strace $0x90000050  }
0xa7: {  	s0 =	stileid.u32;
	[bflag:$0x2] =	sbarrier.arrive $0xFFFF  }
0xa8: {  	p0 =	sne.s32 s0, $0x0;
	s0 =	rddreg [dreg:$0x3]  }
0xa9: {  	s0 =	sadd.s32 @!p0 $0x100000, s0  }
0xaa: {  	[sflag:s0] =	ssyncadd.tile.s32 @!p0 $0x1;
	_ =	shalt  }
.Lfunc_end2:
_tile_overlayer_lowered:
.L_overlay_start_2:
0xab: {  	(tag) =	ssettag $0x2  }
0xac: {  	s0 =	rddreg [dreg:$0x0];
	s2 =	stileid.u32  }
0xad: {  	s1 =	rddreg [dreg:$0x1];
	p0 =	sne.s32 s2, $0x0  }
0xae: {  	s3 =	rddreg [dreg:$0x2];
	[bflag:$0x3] =	sbarrier.arrive $0xFFFF;
	s2 =	simm.s32 @!p0 $0x1C03  }
0xaf: {  	[timem:s3], [sflag:s2] =	dma.local @!p0 [hbm:s0], s1  }
0xb0: {  	s0 =	simm.s32 @!p0 $0x3  }
0xb1: {  	_ =	swait.ge @!p0 [sflag:s0], s1  }
0xb2: {  	s1 =	ssub.s32 @!p0 $0x0, s1;
	[sflag:s0] =	ssyncset.done @!p0 $0x0  }
0xb3: {  	[sflag:s0] =	ssyncadd.s32 @!p0 s1  }
0xb4: {  	[bflag:$0x3] =	sbarrier.arrive $0xFFFF  }
0xb5: {  	_ =	shalt  }

</sc_bundles>
